<compile_context>
chip_gen: v7x
topology: tpu7x:2x2x1
jax: 0.10.2.dev20260603
libtpu: 0.0.44.dev20260713+nightly
codegen_flags: <defaults>
</compile_context>

<pallas_src>
import jax
import jax.numpy as jnp
from jax import lax
from jax.experimental import pallas as pl
from jax.experimental.pallas import tpu as pltpu
from jax.experimental.pallas import tpu_sc as plsc

NUM_CLASSES = 10000
N_ROWS = 320000
D_COLS = 128
NC = 2
NS = 16
BLK = 128
NBLK = N_ROWS // BLK
BLKS_PER_TILE = NBLK // NS
EXTRA = NBLK - BLKS_PER_TILE * NS
CPT = NUM_CLASSES // NS
HALF = D_COLS // NC
CROWS = 640


def _sc_body(x_hbm, lab_hbm, numw_hbm, miu_hbm, std_hbm,
             miu_sh, std_sh, numr_sh, xa, xb_, sqa, sqb_, idxb, cnt, zbuf,
             riota, isem_a, isem_b, ssem_a, ssem_b):
    cid = lax.axis_index("c")
    sid = lax.axis_index("s")
    c0 = cid * HALF
    bufs = ((xa, sqa, isem_a, ssem_a), (xb_, sqb_, isem_b, ssem_b))

    def xslice(b):
        return x_hbm.at[pl.ds(b * BLK, BLK), pl.ds(c0, HALF)]

    for par in range(2):
        xv, _, isem, _ = bufs[par]
        pltpu.async_copy(xslice(sid + par * NS), xv, isem)
        pltpu.async_copy(lab_hbm.at[sid + par * NS], idxb.at[par], isem)

    zeros16 = jnp.zeros((16,), jnp.float32)

    @pl.loop(0, 64)
    def _(i):
        for c4 in range(HALF // 16):
            zbuf[i, pl.ds(c4 * 16, 16)] = zeros16

    base = sid * CPT
    for off, n in ((0, 64), (64, 64), (128, 64), (192, 64), (256, 64),
                   (320, 64), (384, 64), (448, 64), (512, 64), (576, 49)):
        pltpu.sync_copy(zbuf.at[pl.ds(0, n), :],
                        miu_sh.at[pl.ds(base + off, n), :])
        pltpu.sync_copy(zbuf.at[pl.ds(0, n), :],
                        std_sh.at[pl.ds(base + off, n), :])

    @pl.when(cid == 0)
    def _():
        @pl.loop(0, CROWS)
        def _(i):
            cnt[i, pl.ds(0, 16)] = zeros16

        iota16 = lax.iota(jnp.int32, 16)

        @pl.loop(0, 5)
        def _(j):
            for g in range(8):
                riota[j, pl.ds(g * 16, 16)] = iota16 + j * 128 + g * 16

        @pl.when(sid == 0)
        def _():
            for j in range(10):
                pltpu.sync_copy(zbuf.at[pl.ds(0, 64), pl.ds(0, 16)],
                                numr_sh.at[pl.ds(j * 64, 64), :])

    plsc.subcore_barrier()

    def square(src, dst):
        @pl.loop(0, BLK, step=4)
        def _(i):
            for r in range(4):
                for c4 in range(HALF // 16):
                    v = src[i + r, pl.ds(c4 * 16, 16)]
                    dst[i + r, pl.ds(c4 * 16, 16)] = v * v

    ones16 = jnp.ones((16,), jnp.float32)

    def count_block(par):
        @pl.when(cid == 0)
        def _():
            for g in range(BLK // 16):
                labv = idxb[par, pl.ds(g * 16, 16)]
                plsc.addupdate_scatter(
                    cnt, [labv >> 4, labv & 15], ones16)

    @pl.loop(0, BLKS_PER_TILE, step=2)
    def _(k):
        for par in range(2):
            kk = k + par
            xv, sqv, isem, ssem = bufs[par]
            idx = idxb.at[par]
            pltpu.make_async_copy(xslice(sid), xv, isem).wait()
            pltpu.make_async_copy(lab_hbm.at[sid], idx, isem).wait()
            cp_miu = pltpu.async_copy(xv, miu_sh.at[idx], ssem, add=True)
            square(xv, sqv)
            cp_std = pltpu.async_copy(sqv, std_sh.at[idx], ssem, add=True)
            count_block(par)
            cp_miu.wait()
            cp_std.wait()

            @pl.when(kk + 2 < BLKS_PER_TILE)
            def _():
                b_next = sid + (kk + 2) * NS
                pltpu.async_copy(xslice(b_next), xv, isem)
                pltpu.async_copy(lab_hbm.at[b_next], idx, isem)

    @pl.when(sid < EXTRA)
    def _():
        b = BLKS_PER_TILE * NS + sid
        xv, sqv, _, _ = bufs[0]
        idx = idxb.at[0]
        pltpu.sync_copy(xslice(b), xv)
        pltpu.sync_copy(lab_hbm.at[b], idx)
        pltpu.sync_copy(xv, miu_sh.at[idx], add=True)
        square(xv, sqv)
        pltpu.sync_copy(sqv, std_sh.at[idx], add=True)
        count_block(0)

    @pl.when(cid == 0)
    def _():
        for j in range(5):
            pltpu.sync_copy(cnt.at[pl.ds(j * 128, 128), :],
                            numr_sh.at[riota.at[j]], add=True)

    plsc.subcore_barrier()

    rows = pl.ds(base, CPT)
    pltpu.sync_copy(miu_sh.at[rows, :], miu_hbm.at[rows, pl.ds(c0, HALF)])
    pltpu.sync_copy(std_sh.at[rows, :], std_hbm.at[rows, pl.ds(c0, HALF)])

    @pl.when((cid == 0) & (sid == 0))
    def _():
        pltpu.sync_copy(numr_sh, numw_hbm)


@jax.jit
def _tracker(X, labels2d):
    mesh = plsc.VectorSubcoreMesh(core_axis_name="c", subcore_axis_name="s")
    f = pl.kernel(
        _sc_body,
        compiler_params=pltpu.CompilerParams(use_tc_tiling_on_sc=False,
                                             needs_layout_passes=False),
        out_type=(
            jax.ShapeDtypeStruct((CROWS, 16), jnp.float32),
            jax.ShapeDtypeStruct((NUM_CLASSES, D_COLS), jnp.float32),
            jax.ShapeDtypeStruct((NUM_CLASSES, D_COLS), jnp.float32),
        ),
        mesh=mesh,
        scratch_types=[
            pltpu.VMEM_SHARED((NUM_CLASSES, HALF), jnp.float32),
            pltpu.VMEM_SHARED((NUM_CLASSES, HALF), jnp.float32),
            pltpu.VMEM_SHARED((CROWS, 16), jnp.float32),
            pltpu.VMEM((BLK, HALF), jnp.float32),
            pltpu.VMEM((BLK, HALF), jnp.float32),
            pltpu.VMEM((BLK, HALF), jnp.float32),
            pltpu.VMEM((BLK, HALF), jnp.float32),
            pltpu.VMEM((2, 128), jnp.int32),
            pltpu.VMEM((CROWS, 16), jnp.float32),
            pltpu.VMEM((64, HALF), jnp.float32),
            pltpu.VMEM((5, 128), jnp.int32),
            pltpu.SemaphoreType.DMA,
            pltpu.SemaphoreType.DMA,
            pltpu.SemaphoreType.DMA,
            pltpu.SemaphoreType.DMA,
        ],
    )
    return f(X, labels2d)


def kernel(X, labels):
    labels2d = labels.astype(jnp.int32).reshape(N_ROWS // 128, 128)
    numw, miu, std = _tracker(X, labels2d)
    num = numw.reshape(-1)[:NUM_CLASSES].reshape(NUM_CLASSES, 1)
    return (num, miu, std)

# --- scband reference (transcript-rebuilt; emitter-appended) ---
"""Pipeline reference for scband-distribution-tracker-38113539785054 (READ-ONLY COPY).

The authoritative reference and input builder live on the scoring server;
editing this copy changes nothing except your own understanding.
"""

import jax, jax.numpy as jnp
import numpy as np

C = 10000  # classes (init kwarg)


def setup_inputs(seed: int = 0) -> dict:
    key = jax.random.key(seed)
    k1, k2 = jax.random.split(key)
    X = jax.random.normal(k1, (320000, 128), dtype=jnp.float32)
    labels = jnp.sort(jax.random.randint(k2, (320000,), 0, C, dtype=jnp.int64))
    return {"X": X, "labels": labels}


def reference(X, labels):
    # Faithful translation of DistributionTracker.forward:
    #   setup: zero accumulators num (C,1), miu (C,D), std (C,D)
    #   count: scatter-add ones into num at labels
    #   add:   scatter-add X into miu rows at labels
    #   sqr:   scatter-add X**2 into std rows at labels
    # put_(ind[labels], ..., accumulate=True) on a (C,D) buffer with the flat
    # index map ind == row-wise scatter-add, i.e. segment_sum over labels.
    N = X.shape[0]
    ones = jnp.ones((N,), dtype=X.dtype)
    num = jax.ops.segment_sum(ones, labels, num_segments=C).reshape(-1, 1)
    miu = jax.ops.segment_sum(X, labels, num_segments=C)
    std = jax.ops.segment_sum(X * X, labels, num_segments=C)
    return (num, miu, std)

if __name__ == "__main__":
    import jax
    _d = setup_inputs()
    print(jax.jit(kernel)(*tuple(_d.values())))

</pallas_src>

<mosaic_0001>
#map = affine_map<(d0, d1) -> (0, 0)>
module attributes {stable_mosaic.version = 14 : i64} {
  func.func @_sc_body(%arg0: i32, %arg1: i32, %arg2: memref<320000x128xf32, #tpu.memory_space<hbm>>, %arg3: memref<2500x128xi32, #tpu.memory_space<hbm>>, %arg4: memref<640x16xf32, #tpu.memory_space<hbm>>, %arg5: memref<10000x128xf32, #tpu.memory_space<hbm>>, %arg6: memref<10000x128xf32, #tpu.memory_space<hbm>>, %arg7: memref<10000x64xf32, #tpu.memory_space<vmem_shared>>, %arg8: memref<10000x64xf32, #tpu.memory_space<vmem_shared>>, %arg9: memref<640x16xf32, #tpu.memory_space<vmem_shared>>, %arg10: memref<128x64xf32, #tpu.memory_space<vmem>>, %arg11: memref<128x64xf32, #tpu.memory_space<vmem>>, %arg12: memref<128x64xf32, #tpu.memory_space<vmem>>, %arg13: memref<128x64xf32, #tpu.memory_space<vmem>>, %arg14: memref<2x128xi32, #tpu.memory_space<vmem>>, %arg15: memref<640x16xf32, #tpu.memory_space<vmem>>, %arg16: memref<64x64xf32, #tpu.memory_space<vmem>>, %arg17: memref<5x128xi32, #tpu.memory_space<vmem>>, %arg18: memref<!tpu.dma_semaphore, #tpu.memory_space<semaphore_mem>>, %arg19: memref<!tpu.dma_semaphore, #tpu.memory_space<semaphore_mem>>, %arg20: memref<!tpu.dma_semaphore, #tpu.memory_space<semaphore_mem>>, %arg21: memref<!tpu.dma_semaphore, #tpu.memory_space<semaphore_mem>>) attributes {dimension_semantics = [#tpu.dimension_semantics<core_parallel>, #tpu.dimension_semantics<subcore_parallel>], iteration_bounds = array<i64: 2, 16>, scalar_prefetch = 0 : i64, scratch_operands = 15 : i64, tpu.core_type = #tpu.core_type<sc_vector_subcore>, window_params = [{transform_indices = #map}, {transform_indices = #map}, {transform_indices = #map}, {transform_indices = #map}, {transform_indices = #map}]} {
    %mul3A = arith.constant 64 : i32
    %mul3A_0 = arith.muli %arg0, %mul3A : i32
    %add3A = arith.constant 0 : i32
    %add3A_1 = arith.addi %arg1, %add3A : i32
    %mul3A_2 = arith.constant 128 : i32
    %mul3A_3 = arith.muli %add3A_1, %mul3A_2 : i32
    %dma_start3A = tpu.memref_slice %arg2[%mul3A_3, %mul3A_0] : memref<320000x128xf32, #tpu.memory_space<hbm>> -> memref<128x64xf32, #tpu.memory_space<hbm>>
    %dma_start3A_4 = tpu.memref_slice %arg2[%mul3A_3, %mul3A_0] : memref<320000x128xf32, #tpu.memory_space<hbm>> -> memref<128x64xf32, #tpu.memory_space<hbm>>
    tpu.enqueue_dma source(%dma_start3A_4 : memref<128x64xf32, #tpu.memory_space<hbm>>) target(%arg10 : memref<128x64xf32, #tpu.memory_space<vmem>>) target_semaphore(%arg18 : memref<!tpu.dma_semaphore, #tpu.memory_space<semaphore_mem>>)
    %add3A_5 = arith.constant 0 : i32
    %add3A_6 = arith.addi %arg1, %add3A_5 : i32
    %dma_start3A_7 = arith.constant 0 : i32
    %dma_start3A_8 = arith.constant 0 : i32
    %dma_start3A_9 = tpu.memref_slice %arg14[%dma_start3A_7, %dma_start3A_8] : memref<2x128xi32, #tpu.memory_space<vmem>> -> memref<1x128xi32, #tpu.memory_space<vmem>>
    %dma_start3A_10 = tpu.memref_squeeze %dma_start3A_9 : memref<1x128xi32, #tpu.memory_space<vmem>> -> memref<128xi32, #tpu.memory_space<vmem>>
    %dma_start3A_11 = arith.constant 0 : i32
    %dma_start3A_12 = tpu.memref_slice %arg3[%add3A_6, %dma_start3A_11] : memref<2500x128xi32, #tpu.memory_space<hbm>> -> memref<1x128xi32, #tpu.memory_space<hbm>>
    %dma_start3A_13 = tpu.memref_squeeze %dma_start3A_12 : memref<1x128xi32, #tpu.memory_space<hbm>> -> memref<128xi32, #tpu.memory_space<hbm>>
    %dma_start3A_14 = arith.constant 0 : i32
    %dma_start3A_15 = tpu.memref_slice %arg14[%dma_start3A_7, %dma_start3A_14] : memref<2x128xi32, #tpu.memory_space<vmem>> -> memref<1x128xi32, #tpu.memory_space<vmem>>
    %dma_start3A_16 = tpu.memref_squeeze %dma_start3A_15 : memref<1x128xi32, #tpu.memory_space<vmem>> -> memref<128xi32, #tpu.memory_space<vmem>>
    %dma_start3A_17 = arith.constant 0 : i32
    %dma_start3A_18 = tpu.memref_slice %arg3[%add3A_6, %dma_start3A_17] : memref<2500x128xi32, #tpu.memory_space<hbm>> -> memref<1x128xi32, #tpu.memory_space<hbm>>
    %dma_start3A_19 = tpu.memref_squeeze %dma_start3A_18 : memref<1x128xi32, #tpu.memory_space<hbm>> -> memref<128xi32, #tpu.memory_space<hbm>>
    tpu.enqueue_dma source(%dma_start3A_19 : memref<128xi32, #tpu.memory_space<hbm>>) target(%dma_start3A_16 : memref<128xi32, #tpu.memory_space<vmem>>) target_semaphore(%arg18 : memref<!tpu.dma_semaphore, #tpu.memory_space<semaphore_mem>>)
    %add3A_20 = arith.constant 16 : i32
    %add3A_21 = arith.addi %arg1, %add3A_20 : i32
    %mul3A_22 = arith.constant 128 : i32
    %mul3A_23 = arith.muli %add3A_21, %mul3A_22 : i32
    %dma_start3A_24 = tpu.memref_slice %arg2[%mul3A_23, %mul3A_0] : memref<320000x128xf32, #tpu.memory_space<hbm>> -> memref<128x64xf32, #tpu.memory_space<hbm>>
    %dma_start3A_25 = tpu.memref_slice %arg2[%mul3A_23, %mul3A_0] : memref<320000x128xf32, #tpu.memory_space<hbm>> -> memref<128x64xf32, #tpu.memory_space<hbm>>
    tpu.enqueue_dma source(%dma_start3A_25 : memref<128x64xf32, #tpu.memory_space<hbm>>) target(%arg11 : memref<128x64xf32, #tpu.memory_space<vmem>>) target_semaphore(%arg19 : memref<!tpu.dma_semaphore, #tpu.memory_space<semaphore_mem>>)
    %add3A_26 = arith.constant 16 : i32
    %add3A_27 = arith.addi %arg1, %add3A_26 : i32
    %dma_start3A_28 = arith.constant 1 : i32
    %dma_start3A_29 = arith.constant 0 : i32
    %dma_start3A_30 = tpu.memref_slice %arg14[%dma_start3A_28, %dma_start3A_29] : memref<2x128xi32, #tpu.memory_space<vmem>> -> memref<1x128xi32, #tpu.memory_space<vmem>>
    %dma_start3A_31 = tpu.memref_squeeze %dma_start3A_30 : memref<1x128xi32, #tpu.memory_space<vmem>> -> memref<128xi32, #tpu.memory_space<vmem>>
    %dma_start3A_32 = arith.constant 0 : i32
    %dma_start3A_33 = tpu.memref_slice %arg3[%add3A_27, %dma_start3A_32] : memref<2500x128xi32, #tpu.memory_space<hbm>> -> memref<1x128xi32, #tpu.memory_space<hbm>>
    %dma_start3A_34 = tpu.memref_squeeze %dma_start3A_33 : memref<1x128xi32, #tpu.memory_space<hbm>> -> memref<128xi32, #tpu.memory_space<hbm>>
    %dma_start3A_35 = arith.constant 0 : i32
    %dma_start3A_36 = tpu.memref_slice %arg14[%dma_start3A_28, %dma_start3A_35] : memref<2x128xi32, #tpu.memory_space<vmem>> -> memref<1x128xi32, #tpu.memory_space<vmem>>
    %dma_start3A_37 = tpu.memref_squeeze %dma_start3A_36 : memref<1x128xi32, #tpu.memory_space<vmem>> -> memref<128xi32, #tpu.memory_space<vmem>>
    %dma_start3A_38 = arith.constant 0 : i32
    %dma_start3A_39 = tpu.memref_slice %arg3[%add3A_27, %dma_start3A_38] : memref<2500x128xi32, #tpu.memory_space<hbm>> -> memref<1x128xi32, #tpu.memory_space<hbm>>
    %dma_start3A_40 = tpu.memref_squeeze %dma_start3A_39 : memref<1x128xi32, #tpu.memory_space<hbm>> -> memref<128xi32, #tpu.memory_space<hbm>>
    tpu.enqueue_dma source(%dma_start3A_40 : memref<128xi32, #tpu.memory_space<hbm>>) target(%dma_start3A_37 : memref<128xi32, #tpu.memory_space<vmem>>) target_semaphore(%arg19 : memref<!tpu.dma_semaphore, #tpu.memory_space<semaphore_mem>>)
    %broadcast_in_dim3A = arith.constant 0.000000e+00 : f32
    %broadcast_in_dim3A_41 = vector.broadcast %broadcast_in_dim3A : f32 to vector<16xf32>
    %scan3A = arith.constant 0 : i32
    %scan3A_42 = arith.constant 64 : i32
    %scan3A_43 = arith.addi %scan3A, %scan3A_42 : i32
    %scan3A_44 = arith.constant 1 : i32
    scf.for %scan3A_114 = %scan3A to %scan3A_43 step %scan3A_44  : i32 {
      %mul3A_115 = arith.constant 1 : i32
      %mul3A_116 = arith.muli %scan3A_114, %mul3A_115 : i32
      %add3A_117 = arith.constant 0 : i32
      %add3A_118 = arith.addi %add3A_117, %mul3A_116 : i32
      %swap3A = arith.index_cast %add3A_118 : i32 to index
      %swap3A_119 = arith.constant 0 : index
      %swap3A_120 = tpu.vector_load %arg16[%swap3A, %swap3A_119] {strides = array<i32>} : memref<64x64xf32, #tpu.memory_space<vmem>>, vector<16xf32>,
      tpu.vector_store %arg16[%swap3A, %swap3A_119], %broadcast_in_dim3A_41 {strides = array<i32>} : memref<64x64xf32, #tpu.memory_space<vmem>>, vector<16xf32>,
      %swap3A_121 = arith.index_cast %add3A_118 : i32 to index
      %swap3A_122 = arith.constant 16 : index
      %swap3A_123 = tpu.vector_load %arg16[%swap3A_121, %swap3A_122] {strides = array<i32>} : memref<64x64xf32, #tpu.memory_space<vmem>>, vector<16xf32>,
      tpu.vector_store %arg16[%swap3A_121, %swap3A_122], %broadcast_in_dim3A_41 {strides = array<i32>} : memref<64x64xf32, #tpu.memory_space<vmem>>, vector<16xf32>,
      %swap3A_124 = arith.index_cast %add3A_118 : i32 to index
      %swap3A_125 = arith.constant 32 : index
      %swap3A_126 = tpu.vector_load %arg16[%swap3A_124, %swap3A_125] {strides = array<i32>} : memref<64x64xf32, #tpu.memory_space<vmem>>, vector<16xf32>,
      tpu.vector_store %arg16[%swap3A_124, %swap3A_125], %broadcast_in_dim3A_41 {strides = array<i32>} : memref<64x64xf32, #tpu.memory_space<vmem>>, vector<16xf32>,
      %swap3A_127 = arith.index_cast %add3A_118 : i32 to index
      %swap3A_128 = arith.constant 48 : index
      %swap3A_129 = tpu.vector_load %arg16[%swap3A_127, %swap3A_128] {strides = array<i32>} : memref<64x64xf32, #tpu.memory_space<vmem>>, vector<16xf32>,
      tpu.vector_store %arg16[%swap3A_127, %swap3A_128], %broadcast_in_dim3A_41 {strides = array<i32>} : memref<64x64xf32, #tpu.memory_space<vmem>>, vector<16xf32>,
    }
    %scan3A_45 = arith.constant 64 : i32
    %mul3A_46 = arith.constant 625 : i32
    %mul3A_47 = arith.muli %arg1, %mul3A_46 : i32
    %add3A_48 = arith.constant 0 : i32
    %add3A_49 = arith.addi %mul3A_47, %add3A_48 : i32
    "tpu.region"() ({
      %run_scoped3A = tpu.sem_alloc : memref<!tpu.dma_semaphore, #tpu.memory_space<semaphore_mem>>
      %dma_start3A_114 = arith.constant 0 : i32
      %dma_start3A_115 = arith.constant 0 : i32
      %dma_start3A_116 = tpu.memref_slice %arg16[%dma_start3A_114, %dma_start3A_115] : memref<64x64xf32, #tpu.memory_space<vmem>> -> memref<64x64xf32, #tpu.memory_space<vmem>>
      %dma_start3A_117 = arith.constant 0 : i32
      %dma_start3A_118 = tpu.memref_slice %arg7[%add3A_49, %dma_start3A_117] : memref<10000x64xf32, #tpu.memory_space<vmem_shared>> -> memref<64x64xf32, #tpu.memory_space<vmem_shared>>
      %dma_start3A_119 = arith.constant 0 : i32
      %dma_start3A_120 = tpu.memref_slice %arg7[%add3A_49, %dma_start3A_119] : memref<10000x64xf32, #tpu.memory_space<vmem_shared>> -> memref<64x64xf32, #tpu.memory_space<vmem_shared>>
      %dma_start3A_121 = arith.constant 0 : i32
      %dma_start3A_122 = arith.constant 0 : i32
      %dma_start3A_123 = tpu.memref_slice %arg16[%dma_start3A_121, %dma_start3A_122] : memref<64x64xf32, #tpu.memory_space<vmem>> -> memref<64x64xf32, #tpu.memory_space<vmem>>
      tpu.enqueue_dma source(%dma_start3A_123 : memref<64x64xf32, #tpu.memory_space<vmem>>) target(%dma_start3A_120 : memref<64x64xf32, #tpu.memory_space<vmem_shared>>) target_semaphore(%run_scoped3A : memref<!tpu.dma_semaphore, #tpu.memory_space<semaphore_mem>>)
      %dma_wait3A = arith.constant 0 : i32
      %dma_wait3A_124 = arith.constant 0 : i32
      %dma_wait3A_125 = tpu.memref_slice %arg16[%dma_wait3A, %dma_wait3A_124] : memref<64x64xf32, #tpu.memory_space<vmem>> -> memref<64x64xf32, #tpu.memory_space<vmem>>
      %dma_wait3A_126 = arith.constant 0 : i32
      %dma_wait3A_127 = tpu.memref_slice %arg7[%add3A_49, %dma_wait3A_126] : memref<10000x64xf32, #tpu.memory_space<vmem_shared>> -> memref<64x64xf32, #tpu.memory_space<vmem_shared>>
      %dma_wait3A_128 = arith.constant 0 : i32
      %dma_wait3A_129 = tpu.memref_slice %arg7[%add3A_49, %dma_wait3A_128] : memref<10000x64xf32, #tpu.memory_space<vmem_shared>> -> memref<64x64xf32, #tpu.memory_space<vmem_shared>>
      %dma_wait3A_130 = arith.constant 0 : i32
      %dma_wait3A_131 = arith.constant 0 : i32
      %dma_wait3A_132 = tpu.memref_slice %arg16[%dma_wait3A_130, %dma_wait3A_131] : memref<64x64xf32, #tpu.memory_space<vmem>> -> memref<64x64xf32, #tpu.memory_space<vmem>>
      tpu.wait_dma2 semaphore(%run_scoped3A : memref<!tpu.dma_semaphore, #tpu.memory_space<semaphore_mem>>) src(%dma_wait3A_132 : memref<64x64xf32, #tpu.memory_space<vmem>>) dst(%dma_wait3A_129 : memref<64x64xf32, #tpu.memory_space<vmem_shared>>)
      tpu.yield
    }) : () -> ()
    %add3A_50 = arith.constant 0 : i32
    %add3A_51 = arith.addi %mul3A_47, %add3A_50 : i32
    "tpu.region"() ({
      %run_scoped3A = tpu.sem_alloc : memref<!tpu.dma_semaphore, #tpu.memory_space<semaphore_mem>>
      %dma_start3A_114 = arith.constant 0 : i32
      %dma_start3A_115 = arith.constant 0 : i32
      %dma_start3A_116 = tpu.memref_slice %arg16[%dma_start3A_114, %dma_start3A_115] : memref<64x64xf32, #tpu.memory_space<vmem>> -> memref<64x64xf32, #tpu.memory_space<vmem>>
      %dma_start3A_117 = arith.constant 0 : i32
      %dma_start3A_118 = tpu.memref_slice %arg8[%add3A_51, %dma_start3A_117] : memref<10000x64xf32, #tpu.memory_space<vmem_shared>> -> memref<64x64xf32, #tpu.memory_space<vmem_shared>>
      %dma_start3A_119 = arith.constant 0 : i32
      %dma_start3A_120 = tpu.memref_slice %arg8[%add3A_51, %dma_start3A_119] : memref<10000x64xf32, #tpu.memory_space<vmem_shared>> -> memref<64x64xf32, #tpu.memory_space<vmem_shared>>
      %dma_start3A_121 = arith.constant 0 : i32
      %dma_start3A_122 = arith.constant 0 : i32
      %dma_start3A_123 = tpu.memref_slice %arg16[%dma_start3A_121, %dma_start3A_122] : memref<64x64xf32, #tpu.memory_space<vmem>> -> memref<64x64xf32, #tpu.memory_space<vmem>>
      tpu.enqueue_dma source(%dma_start3A_123 : memref<64x64xf32, #tpu.memory_space<vmem>>) target(%dma_start3A_120 : memref<64x64xf32, #tpu.memory_space<vmem_shared>>) target_semaphore(%run_scoped3A : memref<!tpu.dma_semaphore, #tpu.memory_space<semaphore_mem>>)
      %dma_wait3A = arith.constant 0 : i32
      %dma_wait3A_124 = arith.constant 0 : i32
      %dma_wait3A_125 = tpu.memref_slice %arg16[%dma_wait3A, %dma_wait3A_124] : memref<64x64xf32, #tpu.memory_space<vmem>> -> memref<64x64xf32, #tpu.memory_space<vmem>>
      %dma_wait3A_126 = arith.constant 0 : i32
      %dma_wait3A_127 = tpu.memref_slice %arg8[%add3A_51, %dma_wait3A_126] : memref<10000x64xf32, #tpu.memory_space<vmem_shared>> -> memref<64x64xf32, #tpu.memory_space<vmem_shared>>
      %dma_wait3A_128 = arith.constant 0 : i32
      %dma_wait3A_129 = tpu.memref_slice %arg8[%add3A_51, %dma_wait3A_128] : memref<10000x64xf32, #tpu.memory_space<vmem_shared>> -> memref<64x64xf32, #tpu.memory_space<vmem_shared>>
      %dma_wait3A_130 = arith.constant 0 : i32
      %dma_wait3A_131 = arith.constant 0 : i32
      %dma_wait3A_132 = tpu.memref_slice %arg16[%dma_wait3A_130, %dma_wait3A_131] : memref<64x64xf32, #tpu.memory_space<vmem>> -> memref<64x64xf32, #tpu.memory_space<vmem>>
      tpu.wait_dma2 semaphore(%run_scoped3A : memref<!tpu.dma_semaphore, #tpu.memory_space<semaphore_mem>>) src(%dma_wait3A_132 : memref<64x64xf32, #tpu.memory_space<vmem>>) dst(%dma_wait3A_129 : memref<64x64xf32, #tpu.memory_space<vmem_shared>>)
      tpu.yield
    }) : () -> ()
    %add3A_52 = arith.constant 64 : i32
    %add3A_53 = arith.addi %mul3A_47, %add3A_52 : i32
    "tpu.region"() ({
      %run_scoped3A = tpu.sem_alloc : memref<!tpu.dma_semaphore, #tpu.memory_space<semaphore_mem>>
      %dma_start3A_114 = arith.constant 0 : i32
      %dma_start3A_115 = arith.constant 0 : i32
      %dma_start3A_116 = tpu.memref_slice %arg16[%dma_start3A_114, %dma_start3A_115] : memref<64x64xf32, #tpu.memory_space<vmem>> -> memref<64x64xf32, #tpu.memory_space<vmem>>
      %dma_start3A_117 = arith.constant 0 : i32
      %dma_start3A_118 = tpu.memref_slice %arg7[%add3A_53, %dma_start3A_117] : memref<10000x64xf32, #tpu.memory_space<vmem_shared>> -> memref<64x64xf32, #tpu.memory_space<vmem_shared>>
      %dma_start3A_119 = arith.constant 0 : i32
      %dma_start3A_120 = tpu.memref_slice %arg7[%add3A_53, %dma_start3A_119] : memref<10000x64xf32, #tpu.memory_space<vmem_shared>> -> memref<64x64xf32, #tpu.memory_space<vmem_shared>>
      %dma_start3A_121 = arith.constant 0 : i32
      %dma_start3A_122 = arith.constant 0 : i32
      %dma_start3A_123 = tpu.memref_slice %arg16[%dma_start3A_121, %dma_start3A_122] : memref<64x64xf32, #tpu.memory_space<vmem>> -> memref<64x64xf32, #tpu.memory_space<vmem>>
      tpu.enqueue_dma source(%dma_start3A_123 : memref<64x64xf32, #tpu.memory_space<vmem>>) target(%dma_start3A_120 : memref<64x64xf32, #tpu.memory_space<vmem_shared>>) target_semaphore(%run_scoped3A : memref<!tpu.dma_semaphore, #tpu.memory_space<semaphore_mem>>)
      %dma_wait3A = arith.constant 0 : i32
      %dma_wait3A_124 = arith.constant 0 : i32
      %dma_wait3A_125 = tpu.memref_slice %arg16[%dma_wait3A, %dma_wait3A_124] : memref<64x64xf32, #tpu.memory_space<vmem>> -> memref<64x64xf32, #tpu.memory_space<vmem>>
      %dma_wait3A_126 = arith.constant 0 : i32
      %dma_wait3A_127 = tpu.memref_slice %arg7[%add3A_53, %dma_wait3A_126] : memref<10000x64xf32, #tpu.memory_space<vmem_shared>> -> memref<64x64xf32, #tpu.memory_space<vmem_shared>>
      %dma_wait3A_128 = arith.constant 0 : i32
      %dma_wait3A_129 = tpu.memref_slice %arg7[%add3A_53, %dma_wait3A_128] : memref<10000x64xf32, #tpu.memory_space<vmem_shared>> -> memref<64x64xf32, #tpu.memory_space<vmem_shared>>
      %dma_wait3A_130 = arith.constant 0 : i32
      %dma_wait3A_131 = arith.constant 0 : i32
      %dma_wait3A_132 = tpu.memref_slice %arg16[%dma_wait3A_130, %dma_wait3A_131] : memref<64x64xf32, #tpu.memory_space<vmem>> -> memref<64x64xf32, #tpu.memory_space<vmem>>
      tpu.wait_dma2 semaphore(%run_scoped3A : memref<!tpu.dma_semaphore, #tpu.memory_space<semaphore_mem>>) src(%dma_wait3A_132 : memref<64x64xf32, #tpu.memory_space<vmem>>) dst(%dma_wait3A_129 : memref<64x64xf32, #tpu.memory_space<vmem_shared>>)
      tpu.yield
    }) : () -> ()
    %add3A_54 = arith.constant 64 : i32
    %add3A_55 = arith.addi %mul3A_47, %add3A_54 : i32
    "tpu.region"() ({
      %run_scoped3A = tpu.sem_alloc : memref<!tpu.dma_semaphore, #tpu.memory_space<semaphore_mem>>
      %dma_start3A_114 = arith.constant 0 : i32
      %dma_start3A_115 = arith.constant 0 : i32
      %dma_start3A_116 = tpu.memref_slice %arg16[%dma_start3A_114, %dma_start3A_115] : memref<64x64xf32, #tpu.memory_space<vmem>> -> memref<64x64xf32, #tpu.memory_space<vmem>>
      %dma_start3A_117 = arith.constant 0 : i32
      %dma_start3A_118 = tpu.memref_slice %arg8[%add3A_55, %dma_start3A_117] : memref<10000x64xf32, #tpu.memory_space<vmem_shared>> -> memref<64x64xf32, #tpu.memory_space<vmem_shared>>
      %dma_start3A_119 = arith.constant 0 : i32
      %dma_start3A_120 = tpu.memref_slice %arg8[%add3A_55, %dma_start3A_119] : memref<10000x64xf32, #tpu.memory_space<vmem_shared>> -> memref<64x64xf32, #tpu.memory_space<vmem_shared>>
      %dma_start3A_121 = arith.constant 0 : i32
      %dma_start3A_122 = arith.constant 0 : i32
      %dma_start3A_123 = tpu.memref_slice %arg16[%dma_start3A_121, %dma_start3A_122] : memref<64x64xf32, #tpu.memory_space<vmem>> -> memref<64x64xf32, #tpu.memory_space<vmem>>
      tpu.enqueue_dma source(%dma_start3A_123 : memref<64x64xf32, #tpu.memory_space<vmem>>) target(%dma_start3A_120 : memref<64x64xf32, #tpu.memory_space<vmem_shared>>) target_semaphore(%run_scoped3A : memref<!tpu.dma_semaphore, #tpu.memory_space<semaphore_mem>>)
      %dma_wait3A = arith.constant 0 : i32
      %dma_wait3A_124 = arith.constant 0 : i32
      %dma_wait3A_125 = tpu.memref_slice %arg16[%dma_wait3A, %dma_wait3A_124] : memref<64x64xf32, #tpu.memory_space<vmem>> -> memref<64x64xf32, #tpu.memory_space<vmem>>
      %dma_wait3A_126 = arith.constant 0 : i32
      %dma_wait3A_127 = tpu.memref_slice %arg8[%add3A_55, %dma_wait3A_126] : memref<10000x64xf32, #tpu.memory_space<vmem_shared>> -> memref<64x64xf32, #tpu.memory_space<vmem_shared>>
      %dma_wait3A_128 = arith.constant 0 : i32
      %dma_wait3A_129 = tpu.memref_slice %arg8[%add3A_55, %dma_wait3A_128] : memref<10000x64xf32, #tpu.memory_space<vmem_shared>> -> memref<64x64xf32, #tpu.memory_space<vmem_shared>>
      %dma_wait3A_130 = arith.constant 0 : i32
      %dma_wait3A_131 = arith.constant 0 : i32
      %dma_wait3A_132 = tpu.memref_slice %arg16[%dma_wait3A_130, %dma_wait3A_131] : memref<64x64xf32, #tpu.memory_space<vmem>> -> memref<64x64xf32, #tpu.memory_space<vmem>>
      tpu.wait_dma2 semaphore(%run_scoped3A : memref<!tpu.dma_semaphore, #tpu.memory_space<semaphore_mem>>) src(%dma_wait3A_132 : memref<64x64xf32, #tpu.memory_space<vmem>>) dst(%dma_wait3A_129 : memref<64x64xf32, #tpu.memory_space<vmem_shared>>)
      tpu.yield
    }) : () -> ()
    %add3A_56 = arith.constant 128 : i32
    %add3A_57 = arith.addi %mul3A_47, %add3A_56 : i32
    "tpu.region"() ({
      %run_scoped3A = tpu.sem_alloc : memref<!tpu.dma_semaphore, #tpu.memory_space<semaphore_mem>>
      %dma_start3A_114 = arith.constant 0 : i32
      %dma_start3A_115 = arith.constant 0 : i32
      %dma_start3A_116 = tpu.memref_slice %arg16[%dma_start3A_114, %dma_start3A_115] : memref<64x64xf32, #tpu.memory_space<vmem>> -> memref<64x64xf32, #tpu.memory_space<vmem>>
      %dma_start3A_117 = arith.constant 0 : i32
      %dma_start3A_118 = tpu.memref_slice %arg7[%add3A_57, %dma_start3A_117] : memref<10000x64xf32, #tpu.memory_space<vmem_shared>> -> memref<64x64xf32, #tpu.memory_space<vmem_shared>>
      %dma_start3A_119 = arith.constant 0 : i32
      %dma_start3A_120 = tpu.memref_slice %arg7[%add3A_57, %dma_start3A_119] : memref<10000x64xf32, #tpu.memory_space<vmem_shared>> -> memref<64x64xf32, #tpu.memory_space<vmem_shared>>
      %dma_start3A_121 = arith.constant 0 : i32
      %dma_start3A_122 = arith.constant 0 : i32
      %dma_start3A_123 = tpu.memref_slice %arg16[%dma_start3A_121, %dma_start3A_122] : memref<64x64xf32, #tpu.memory_space<vmem>> -> memref<64x64xf32, #tpu.memory_space<vmem>>
      tpu.enqueue_dma source(%dma_start3A_123 : memref<64x64xf32, #tpu.memory_space<vmem>>) target(%dma_start3A_120 : memref<64x64xf32, #tpu.memory_space<vmem_shared>>) target_semaphore(%run_scoped3A : memref<!tpu.dma_semaphore, #tpu.memory_space<semaphore_mem>>)
      %dma_wait3A = arith.constant 0 : i32
      %dma_wait3A_124 = arith.constant 0 : i32
      %dma_wait3A_125 = tpu.memref_slice %arg16[%dma_wait3A, %dma_wait3A_124] : memref<64x64xf32, #tpu.memory_space<vmem>> -> memref<64x64xf32, #tpu.memory_space<vmem>>
      %dma_wait3A_126 = arith.constant 0 : i32
      %dma_wait3A_127 = tpu.memref_slice %arg7[%add3A_57, %dma_wait3A_126] : memref<10000x64xf32, #tpu.memory_space<vmem_shared>> -> memref<64x64xf32, #tpu.memory_space<vmem_shared>>
      %dma_wait3A_128 = arith.constant 0 : i32
      %dma_wait3A_129 = tpu.memref_slice %arg7[%add3A_57, %dma_wait3A_128] : memref<10000x64xf32, #tpu.memory_space<vmem_shared>> -> memref<64x64xf32, #tpu.memory_space<vmem_shared>>
      %dma_wait3A_130 = arith.constant 0 : i32
      %dma_wait3A_131 = arith.constant 0 : i32
      %dma_wait3A_132 = tpu.memref_slice %arg16[%dma_wait3A_130, %dma_wait3A_131] : memref<64x64xf32, #tpu.memory_space<vmem>> -> memref<64x64xf32, #tpu.memory_space<vmem>>
      tpu.wait_dma2 semaphore(%run_scoped3A : memref<!tpu.dma_semaphore, #tpu.memory_space<semaphore_mem>>) src(%dma_wait3A_132 : memref<64x64xf32, #tpu.memory_space<vmem>>) dst(%dma_wait3A_129 : memref<64x64xf32, #tpu.memory_space<vmem_shared>>)
      tpu.yield
    }) : () -> ()
    %add3A_58 = arith.constant 128 : i32
    %add3A_59 = arith.addi %mul3A_47, %add3A_58 : i32
    "tpu.region"() ({
      %run_scoped3A = tpu.sem_alloc : memref<!tpu.dma_semaphore, #tpu.memory_space<semaphore_mem>>
      %dma_start3A_114 = arith.constant 0 : i32
      %dma_start3A_115 = arith.constant 0 : i32
      %dma_start3A_116 = tpu.memref_slice %arg16[%dma_start3A_114, %dma_start3A_115] : memref<64x64xf32, #tpu.memory_space<vmem>> -> memref<64x64xf32, #tpu.memory_space<vmem>>
      %dma_start3A_117 = arith.constant 0 : i32
      %dma_start3A_118 = tpu.memref_slice %arg8[%add3A_59, %dma_start3A_117] : memref<10000x64xf32, #tpu.memory_space<vmem_shared>> -> memref<64x64xf32, #tpu.memory_space<vmem_shared>>
      %dma_start3A_119 = arith.constant 0 : i32
      %dma_start3A_120 = tpu.memref_slice %arg8[%add3A_59, %dma_start3A_119] : memref<10000x64xf32, #tpu.memory_space<vmem_shared>> -> memref<64x64xf32, #tpu.memory_space<vmem_shared>>
      %dma_start3A_121 = arith.constant 0 : i32
      %dma_start3A_122 = arith.constant 0 : i32
      %dma_start3A_123 = tpu.memref_slice %arg16[%dma_start3A_121, %dma_start3A_122] : memref<64x64xf32, #tpu.memory_space<vmem>> -> memref<64x64xf32, #tpu.memory_space<vmem>>
      tpu.enqueue_dma source(%dma_start3A_123 : memref<64x64xf32, #tpu.memory_space<vmem>>) target(%dma_start3A_120 : memref<64x64xf32, #tpu.memory_space<vmem_shared>>) target_semaphore(%run_scoped3A : memref<!tpu.dma_semaphore, #tpu.memory_space<semaphore_mem>>)
      %dma_wait3A = arith.constant 0 : i32
      %dma_wait3A_124 = arith.constant 0 : i32
      %dma_wait3A_125 = tpu.memref_slice %arg16[%dma_wait3A, %dma_wait3A_124] : memref<64x64xf32, #tpu.memory_space<vmem>> -> memref<64x64xf32, #tpu.memory_space<vmem>>
      %dma_wait3A_126 = arith.constant 0 : i32
      %dma_wait3A_127 = tpu.memref_slice %arg8[%add3A_59, %dma_wait3A_126] : memref<10000x64xf32, #tpu.memory_space<vmem_shared>> -> memref<64x64xf32, #tpu.memory_space<vmem_shared>>
      %dma_wait3A_128 = arith.constant 0 : i32
      %dma_wait3A_129 = tpu.memref_slice %arg8[%add3A_59, %dma_wait3A_128] : memref<10000x64xf32, #tpu.memory_space<vmem_shared>> -> memref<64x64xf32, #tpu.memory_space<vmem_shared>>
      %dma_wait3A_130 = arith.constant 0 : i32
      %dma_wait3A_131 = arith.constant 0 : i32
      %dma_wait3A_132 = tpu.memref_slice %arg16[%dma_wait3A_130, %dma_wait3A_131] : memref<64x64xf32, #tpu.memory_space<vmem>> -> memref<64x64xf32, #tpu.memory_space<vmem>>
      tpu.wait_dma2 semaphore(%run_scoped3A : memref<!tpu.dma_semaphore, #tpu.memory_space<semaphore_mem>>) src(%dma_wait3A_132 : memref<64x64xf32, #tpu.memory_space<vmem>>) dst(%dma_wait3A_129 : memref<64x64xf32, #tpu.memory_space<vmem_shared>>)
      tpu.yield
    }) : () -> ()
    %add3A_60 = arith.constant 192 : i32
    %add3A_61 = arith.addi %mul3A_47, %add3A_60 : i32
    "tpu.region"() ({
      %run_scoped3A = tpu.sem_alloc : memref<!tpu.dma_semaphore, #tpu.memory_space<semaphore_mem>>
      %dma_start3A_114 = arith.constant 0 : i32
      %dma_start3A_115 = arith.constant 0 : i32
      %dma_start3A_116 = tpu.memref_slice %arg16[%dma_start3A_114, %dma_start3A_115] : memref<64x64xf32, #tpu.memory_space<vmem>> -> memref<64x64xf32, #tpu.memory_space<vmem>>
      %dma_start3A_117 = arith.constant 0 : i32
      %dma_start3A_118 = tpu.memref_slice %arg7[%add3A_61, %dma_start3A_117] : memref<10000x64xf32, #tpu.memory_space<vmem_shared>> -> memref<64x64xf32, #tpu.memory_space<vmem_shared>>
      %dma_start3A_119 = arith.constant 0 : i32
      %dma_start3A_120 = tpu.memref_slice %arg7[%add3A_61, %dma_start3A_119] : memref<10000x64xf32, #tpu.memory_space<vmem_shared>> -> memref<64x64xf32, #tpu.memory_space<vmem_shared>>
      %dma_start3A_121 = arith.constant 0 : i32
      %dma_start3A_122 = arith.constant 0 : i32
      %dma_start3A_123 = tpu.memref_slice %arg16[%dma_start3A_121, %dma_start3A_122] : memref<64x64xf32, #tpu.memory_space<vmem>> -> memref<64x64xf32, #tpu.memory_space<vmem>>
      tpu.enqueue_dma source(%dma_start3A_123 : memref<64x64xf32, #tpu.memory_space<vmem>>) target(%dma_start3A_120 : memref<64x64xf32, #tpu.memory_space<vmem_shared>>) target_semaphore(%run_scoped3A : memref<!tpu.dma_semaphore, #tpu.memory_space<semaphore_mem>>)
      %dma_wait3A = arith.constant 0 : i32
      %dma_wait3A_124 = arith.constant 0 : i32
      %dma_wait3A_125 = tpu.memref_slice %arg16[%dma_wait3A, %dma_wait3A_124] : memref<64x64xf32, #tpu.memory_space<vmem>> -> memref<64x64xf32, #tpu.memory_space<vmem>>
      %dma_wait3A_126 = arith.constant 0 : i32
      %dma_wait3A_127 = tpu.memref_slice %arg7[%add3A_61, %dma_wait3A_126] : memref<10000x64xf32, #tpu.memory_space<vmem_shared>> -> memref<64x64xf32, #tpu.memory_space<vmem_shared>>
      %dma_wait3A_128 = arith.constant 0 : i32
      %dma_wait3A_129 = tpu.memref_slice %arg7[%add3A_61, %dma_wait3A_128] : memref<10000x64xf32, #tpu.memory_space<vmem_shared>> -> memref<64x64xf32, #tpu.memory_space<vmem_shared>>
      %dma_wait3A_130 = arith.constant 0 : i32
      %dma_wait3A_131 = arith.constant 0 : i32
      %dma_wait3A_132 = tpu.memref_slice %arg16[%dma_wait3A_130, %dma_wait3A_131] : memref<64x64xf32, #tpu.memory_space<vmem>> -> memref<64x64xf32, #tpu.memory_space<vmem>>
      tpu.wait_dma2 semaphore(%run_scoped3A : memref<!tpu.dma_semaphore, #tpu.memory_space<semaphore_mem>>) src(%dma_wait3A_132 : memref<64x64xf32, #tpu.memory_space<vmem>>) dst(%dma_wait3A_129 : memref<64x64xf32, #tpu.memory_space<vmem_shared>>)
      tpu.yield
    }) : () -> ()
    %add3A_62 = arith.constant 192 : i32
    %add3A_63 = arith.addi %mul3A_47, %add3A_62 : i32
    "tpu.region"() ({
      %run_scoped3A = tpu.sem_alloc : memref<!tpu.dma_semaphore, #tpu.memory_space<semaphore_mem>>
      %dma_start3A_114 = arith.constant 0 : i32
      %dma_start3A_115 = arith.constant 0 : i32
      %dma_start3A_116 = tpu.memref_slice %arg16[%dma_start3A_114, %dma_start3A_115] : memref<64x64xf32, #tpu.memory_space<vmem>> -> memref<64x64xf32, #tpu.memory_space<vmem>>
      %dma_start3A_117 = arith.constant 0 : i32
      %dma_start3A_118 = tpu.memref_slice %arg8[%add3A_63, %dma_start3A_117] : memref<10000x64xf32, #tpu.memory_space<vmem_shared>> -> memref<64x64xf32, #tpu.memory_space<vmem_shared>>
      %dma_start3A_119 = arith.constant 0 : i32
      %dma_start3A_120 = tpu.memref_slice %arg8[%add3A_63, %dma_start3A_119] : memref<10000x64xf32, #tpu.memory_space<vmem_shared>> -> memref<64x64xf32, #tpu.memory_space<vmem_shared>>
      %dma_start3A_121 = arith.constant 0 : i32
      %dma_start3A_122 = arith.constant 0 : i32
      %dma_start3A_123 = tpu.memref_slice %arg16[%dma_start3A_121, %dma_start3A_122] : memref<64x64xf32, #tpu.memory_space<vmem>> -> memref<64x64xf32, #tpu.memory_space<vmem>>
      tpu.enqueue_dma source(%dma_start3A_123 : memref<64x64xf32, #tpu.memory_space<vmem>>) target(%dma_start3A_120 : memref<64x64xf32, #tpu.memory_space<vmem_shared>>) target_semaphore(%run_scoped3A : memref<!tpu.dma_semaphore, #tpu.memory_space<semaphore_mem>>)
      %dma_wait3A = arith.constant 0 : i32
      %dma_wait3A_124 = arith.constant 0 : i32
      %dma_wait3A_125 = tpu.memref_slice %arg16[%dma_wait3A, %dma_wait3A_124] : memref<64x64xf32, #tpu.memory_space<vmem>> -> memref<64x64xf32, #tpu.memory_space<vmem>>
      %dma_wait3A_126 = arith.constant 0 : i32
      %dma_wait3A_127 = tpu.memref_slice %arg8[%add3A_63, %dma_wait3A_126] : memref<10000x64xf32, #tpu.memory_space<vmem_shared>> -> memref<64x64xf32, #tpu.memory_space<vmem_shared>>
      %dma_wait3A_128 = arith.constant 0 : i32
      %dma_wait3A_129 = tpu.memref_slice %arg8[%add3A_63, %dma_wait3A_128] : memref<10000x64xf32, #tpu.memory_space<vmem_shared>> -> memref<64x64xf32, #tpu.memory_space<vmem_shared>>
      %dma_wait3A_130 = arith.constant 0 : i32
      %dma_wait3A_131 = arith.constant 0 : i32
      %dma_wait3A_132 = tpu.memref_slice %arg16[%dma_wait3A_130, %dma_wait3A_131] : memref<64x64xf32, #tpu.memory_space<vmem>> -> memref<64x64xf32, #tpu.memory_space<vmem>>
      tpu.wait_dma2 semaphore(%run_scoped3A : memref<!tpu.dma_semaphore, #tpu.memory_space<semaphore_mem>>) src(%dma_wait3A_132 : memref<64x64xf32, #tpu.memory_space<vmem>>) dst(%dma_wait3A_129 : memref<64x64xf32, #tpu.memory_space<vmem_shared>>)
      tpu.yield
    }) : () -> ()
    %add3A_64 = arith.constant 256 : i32
    %add3A_65 = arith.addi %mul3A_47, %add3A_64 : i32
    "tpu.region"() ({
      %run_scoped3A = tpu.sem_alloc : memref<!tpu.dma_semaphore, #tpu.memory_space<semaphore_mem>>
      %dma_start3A_114 = arith.constant 0 : i32
      %dma_start3A_115 = arith.constant 0 : i32
      %dma_start3A_116 = tpu.memref_slice %arg16[%dma_start3A_114, %dma_start3A_115] : memref<64x64xf32, #tpu.memory_space<vmem>> -> memref<64x64xf32, #tpu.memory_space<vmem>>
      %dma_start3A_117 = arith.constant 0 : i32
      %dma_start3A_118 = tpu.memref_slice %arg7[%add3A_65, %dma_start3A_117] : memref<10000x64xf32, #tpu.memory_space<vmem_shared>> -> memref<64x64xf32, #tpu.memory_space<vmem_shared>>
      %dma_start3A_119 = arith.constant 0 : i32
      %dma_start3A_120 = tpu.memref_slice %arg7[%add3A_65, %dma_start3A_119] : memref<10000x64xf32, #tpu.memory_space<vmem_shared>> -> memref<64x64xf32, #tpu.memory_space<vmem_shared>>
      %dma_start3A_121 = arith.constant 0 : i32
      %dma_start3A_122 = arith.constant 0 : i32
      %dma_start3A_123 = tpu.memref_slice %arg16[%dma_start3A_121, %dma_start3A_122] : memref<64x64xf32, #tpu.memory_space<vmem>> -> memref<64x64xf32, #tpu.memory_space<vmem>>
      tpu.enqueue_dma source(%dma_start3A_123 : memref<64x64xf32, #tpu.memory_space<vmem>>) target(%dma_start3A_120 : memref<64x64xf32, #tpu.memory_space<vmem_shared>>) target_semaphore(%run_scoped3A : memref<!tpu.dma_semaphore, #tpu.memory_space<semaphore_mem>>)
      %dma_wait3A = arith.constant 0 : i32
      %dma_wait3A_124 = arith.constant 0 : i32
      %dma_wait3A_125 = tpu.memref_slice %arg16[%dma_wait3A, %dma_wait3A_124] : memref<64x64xf32, #tpu.memory_space<vmem>> -> memref<64x64xf32, #tpu.memory_space<vmem>>
      %dma_wait3A_126 = arith.constant 0 : i32
      %dma_wait3A_127 = tpu.memref_slice %arg7[%add3A_65, %dma_wait3A_126] : memref<10000x64xf32, #tpu.memory_space<vmem_shared>> -> memref<64x64xf32, #tpu.memory_space<vmem_shared>>
      %dma_wait3A_128 = arith.constant 0 : i32
      %dma_wait3A_129 = tpu.memref_slice %arg7[%add3A_65, %dma_wait3A_128] : memref<10000x64xf32, #tpu.memory_space<vmem_shared>> -> memref<64x64xf32, #tpu.memory_space<vmem_shared>>
      %dma_wait3A_130 = arith.constant 0 : i32
      %dma_wait3A_131 = arith.constant 0 : i32
      %dma_wait3A_132 = tpu.memref_slice %arg16[%dma_wait3A_130, %dma_wait3A_131] : memref<64x64xf32, #tpu.memory_space<vmem>> -> memref<64x64xf32, #tpu.memory_space<vmem>>
      tpu.wait_dma2 semaphore(%run_scoped3A : memref<!tpu.dma_semaphore, #tpu.memory_space<semaphore_mem>>) src(%dma_wait3A_132 : memref<64x64xf32, #tpu.memory_space<vmem>>) dst(%dma_wait3A_129 : memref<64x64xf32, #tpu.memory_space<vmem_shared>>)
      tpu.yield
    }) : () -> ()
    %add3A_66 = arith.constant 256 : i32
    %add3A_67 = arith.addi %mul3A_47, %add3A_66 : i32
    "tpu.region"() ({
      %run_scoped3A = tpu.sem_alloc : memref<!tpu.dma_semaphore, #tpu.memory_space<semaphore_mem>>
      %dma_start3A_114 = arith.constant 0 : i32
      %dma_start3A_115 = arith.constant 0 : i32
      %dma_start3A_116 = tpu.memref_slice %arg16[%dma_start3A_114, %dma_start3A_115] : memref<64x64xf32, #tpu.memory_space<vmem>> -> memref<64x64xf32, #tpu.memory_space<vmem>>
      %dma_start3A_117 = arith.constant 0 : i32
      %dma_start3A_118 = tpu.memref_slice %arg8[%add3A_67, %dma_start3A_117] : memref<10000x64xf32, #tpu.memory_space<vmem_shared>> -> memref<64x64xf32, #tpu.memory_space<vmem_shared>>
      %dma_start3A_119 = arith.constant 0 : i32
      %dma_start3A_120 = tpu.memref_slice %arg8[%add3A_67, %dma_start3A_119] : memref<10000x64xf32, #tpu.memory_space<vmem_shared>> -> memref<64x64xf32, #tpu.memory_space<vmem_shared>>
      %dma_start3A_121 = arith.constant 0 : i32
      %dma_start3A_122 = arith.constant 0 : i32
      %dma_start3A_123 = tpu.memref_slice %arg16[%dma_start3A_121, %dma_start3A_122] : memref<64x64xf32, #tpu.memory_space<vmem>> -> memref<64x64xf32, #tpu.memory_space<vmem>>
      tpu.enqueue_dma source(%dma_start3A_123 : memref<64x64xf32, #tpu.memory_space<vmem>>) target(%dma_start3A_120 : memref<64x64xf32, #tpu.memory_space<vmem_shared>>) target_semaphore(%run_scoped3A : memref<!tpu.dma_semaphore, #tpu.memory_space<semaphore_mem>>)
      %dma_wait3A = arith.constant 0 : i32
      %dma_wait3A_124 = arith.constant 0 : i32
      %dma_wait3A_125 = tpu.memref_slice %arg16[%dma_wait3A, %dma_wait3A_124] : memref<64x64xf32, #tpu.memory_space<vmem>> -> memref<64x64xf32, #tpu.memory_space<vmem>>
      %dma_wait3A_126 = arith.constant 0 : i32
      %dma_wait3A_127 = tpu.memref_slice %arg8[%add3A_67, %dma_wait3A_126] : memref<10000x64xf32, #tpu.memory_space<vmem_shared>> -> memref<64x64xf32, #tpu.memory_space<vmem_shared>>
      %dma_wait3A_128 = arith.constant 0 : i32
      %dma_wait3A_129 = tpu.memref_slice %arg8[%add3A_67, %dma_wait3A_128] : memref<10000x64xf32, #tpu.memory_space<vmem_shared>> -> memref<64x64xf32, #tpu.memory_space<vmem_shared>>
      %dma_wait3A_130 = arith.constant 0 : i32
      %dma_wait3A_131 = arith.constant 0 : i32
      %dma_wait3A_132 = tpu.memref_slice %arg16[%dma_wait3A_130, %dma_wait3A_131] : memref<64x64xf32, #tpu.memory_space<vmem>> -> memref<64x64xf32, #tpu.memory_space<vmem>>
      tpu.wait_dma2 semaphore(%run_scoped3A : memref<!tpu.dma_semaphore, #tpu.memory_space<semaphore_mem>>) src(%dma_wait3A_132 : memref<64x64xf32, #tpu.memory_space<vmem>>) dst(%dma_wait3A_129 : memref<64x64xf32, #tpu.memory_space<vmem_shared>>)
      tpu.yield
    }) : () -> ()
    %add3A_68 = arith.constant 320 : i32
    %add3A_69 = arith.addi %mul3A_47, %add3A_68 : i32
    "tpu.region"() ({
      %run_scoped3A = tpu.sem_alloc : memref<!tpu.dma_semaphore, #tpu.memory_space<semaphore_mem>>
      %dma_start3A_114 = arith.constant 0 : i32
      %dma_start3A_115 = arith.constant 0 : i32
      %dma_start3A_116 = tpu.memref_slice %arg16[%dma_start3A_114, %dma_start3A_115] : memref<64x64xf32, #tpu.memory_space<vmem>> -> memref<64x64xf32, #tpu.memory_space<vmem>>
      %dma_start3A_117 = arith.constant 0 : i32
      %dma_start3A_118 = tpu.memref_slice %arg7[%add3A_69, %dma_start3A_117] : memref<10000x64xf32, #tpu.memory_space<vmem_shared>> -> memref<64x64xf32, #tpu.memory_space<vmem_shared>>
      %dma_start3A_119 = arith.constant 0 : i32
      %dma_start3A_120 = tpu.memref_slice %arg7[%add3A_69, %dma_start3A_119] : memref<10000x64xf32, #tpu.memory_space<vmem_shared>> -> memref<64x64xf32, #tpu.memory_space<vmem_shared>>
      %dma_start3A_121 = arith.constant 0 : i32
      %dma_start3A_122 = arith.constant 0 : i32
      %dma_start3A_123 = tpu.memref_slice %arg16[%dma_start3A_121, %dma_start3A_122] : memref<64x64xf32, #tpu.memory_space<vmem>> -> memref<64x64xf32, #tpu.memory_space<vmem>>
      tpu.enqueue_dma source(%dma_start3A_123 : memref<64x64xf32, #tpu.memory_space<vmem>>) target(%dma_start3A_120 : memref<64x64xf32, #tpu.memory_space<vmem_shared>>) target_semaphore(%run_scoped3A : memref<!tpu.dma_semaphore, #tpu.memory_space<semaphore_mem>>)
      %dma_wait3A = arith.constant 0 : i32
      %dma_wait3A_124 = arith.constant 0 : i32
      %dma_wait3A_125 = tpu.memref_slice %arg16[%dma_wait3A, %dma_wait3A_124] : memref<64x64xf32, #tpu.memory_space<vmem>> -> memref<64x64xf32, #tpu.memory_space<vmem>>
      %dma_wait3A_126 = arith.constant 0 : i32
      %dma_wait3A_127 = tpu.memref_slice %arg7[%add3A_69, %dma_wait3A_126] : memref<10000x64xf32, #tpu.memory_space<vmem_shared>> -> memref<64x64xf32, #tpu.memory_space<vmem_shared>>
      %dma_wait3A_128 = arith.constant 0 : i32
      %dma_wait3A_129 = tpu.memref_slice %arg7[%add3A_69, %dma_wait3A_128] : memref<10000x64xf32, #tpu.memory_space<vmem_shared>> -> memref<64x64xf32, #tpu.memory_space<vmem_shared>>
      %dma_wait3A_130 = arith.constant 0 : i32
      %dma_wait3A_131 = arith.constant 0 : i32
      %dma_wait3A_132 = tpu.memref_slice %arg16[%dma_wait3A_130, %dma_wait3A_131] : memref<64x64xf32, #tpu.memory_space<vmem>> -> memref<64x64xf32, #tpu.memory_space<vmem>>
      tpu.wait_dma2 semaphore(%run_scoped3A : memref<!tpu.dma_semaphore, #tpu.memory_space<semaphore_mem>>) src(%dma_wait3A_132 : memref<64x64xf32, #tpu.memory_space<vmem>>) dst(%dma_wait3A_129 : memref<64x64xf32, #tpu.memory_space<vmem_shared>>)
      tpu.yield
    }) : () -> ()
    %add3A_70 = arith.constant 320 : i32
    %add3A_71 = arith.addi %mul3A_47, %add3A_70 : i32
    "tpu.region"() ({
      %run_scoped3A = tpu.sem_alloc : memref<!tpu.dma_semaphore, #tpu.memory_space<semaphore_mem>>
      %dma_start3A_114 = arith.constant 0 : i32
      %dma_start3A_115 = arith.constant 0 : i32
      %dma_start3A_116 = tpu.memref_slice %arg16[%dma_start3A_114, %dma_start3A_115] : memref<64x64xf32, #tpu.memory_space<vmem>> -> memref<64x64xf32, #tpu.memory_space<vmem>>
      %dma_start3A_117 = arith.constant 0 : i32
      %dma_start3A_118 = tpu.memref_slice %arg8[%add3A_71, %dma_start3A_117] : memref<10000x64xf32, #tpu.memory_space<vmem_shared>> -> memref<64x64xf32, #tpu.memory_space<vmem_shared>>
      %dma_start3A_119 = arith.constant 0 : i32
      %dma_start3A_120 = tpu.memref_slice %arg8[%add3A_71, %dma_start3A_119] : memref<10000x64xf32, #tpu.memory_space<vmem_shared>> -> memref<64x64xf32, #tpu.memory_space<vmem_shared>>
      %dma_start3A_121 = arith.constant 0 : i32
      %dma_start3A_122 = arith.constant 0 : i32
      %dma_start3A_123 = tpu.memref_slice %arg16[%dma_start3A_121, %dma_start3A_122] : memref<64x64xf32, #tpu.memory_space<vmem>> -> memref<64x64xf32, #tpu.memory_space<vmem>>
      tpu.enqueue_dma source(%dma_start3A_123 : memref<64x64xf32, #tpu.memory_space<vmem>>) target(%dma_start3A_120 : memref<64x64xf32, #tpu.memory_space<vmem_shared>>) target_semaphore(%run_scoped3A : memref<!tpu.dma_semaphore, #tpu.memory_space<semaphore_mem>>)
      %dma_wait3A = arith.constant 0 : i32
      %dma_wait3A_124 = arith.constant 0 : i32
      %dma_wait3A_125 = tpu.memref_slice %arg16[%dma_wait3A, %dma_wait3A_124] : memref<64x64xf32, #tpu.memory_space<vmem>> -> memref<64x64xf32, #tpu.memory_space<vmem>>
      %dma_wait3A_126 = arith.constant 0 : i32
      %dma_wait3A_127 = tpu.memref_slice %arg8[%add3A_71, %dma_wait3A_126] : memref<10000x64xf32, #tpu.memory_space<vmem_shared>> -> memref<64x64xf32, #tpu.memory_space<vmem_shared>>
      %dma_wait3A_128 = arith.constant 0 : i32
      %dma_wait3A_129 = tpu.memref_slice %arg8[%add3A_71, %dma_wait3A_128] : memref<10000x64xf32, #tpu.memory_space<vmem_shared>> -> memref<64x64xf32, #tpu.memory_space<vmem_shared>>
      %dma_wait3A_130 = arith.constant 0 : i32
      %dma_wait3A_131 = arith.constant 0 : i32
      %dma_wait3A_132 = tpu.memref_slice %arg16[%dma_wait3A_130, %dma_wait3A_131] : memref<64x64xf32, #tpu.memory_space<vmem>> -> memref<64x64xf32, #tpu.memory_space<vmem>>
      tpu.wait_dma2 semaphore(%run_scoped3A : memref<!tpu.dma_semaphore, #tpu.memory_space<semaphore_mem>>) src(%dma_wait3A_132 : memref<64x64xf32, #tpu.memory_space<vmem>>) dst(%dma_wait3A_129 : memref<64x64xf32, #tpu.memory_space<vmem_shared>>)
      tpu.yield
    }) : () -> ()
    %add3A_72 = arith.constant 384 : i32
    %add3A_73 = arith.addi %mul3A_47, %add3A_72 : i32
    "tpu.region"() ({
      %run_scoped3A = tpu.sem_alloc : memref<!tpu.dma_semaphore, #tpu.memory_space<semaphore_mem>>
      %dma_start3A_114 = arith.constant 0 : i32
      %dma_start3A_115 = arith.constant 0 : i32
      %dma_start3A_116 = tpu.memref_slice %arg16[%dma_start3A_114, %dma_start3A_115] : memref<64x64xf32, #tpu.memory_space<vmem>> -> memref<64x64xf32, #tpu.memory_space<vmem>>
      %dma_start3A_117 = arith.constant 0 : i32
      %dma_start3A_118 = tpu.memref_slice %arg7[%add3A_73, %dma_start3A_117] : memref<10000x64xf32, #tpu.memory_space<vmem_shared>> -> memref<64x64xf32, #tpu.memory_space<vmem_shared>>
      %dma_start3A_119 = arith.constant 0 : i32
      %dma_start3A_120 = tpu.memref_slice %arg7[%add3A_73, %dma_start3A_119] : memref<10000x64xf32, #tpu.memory_space<vmem_shared>> -> memref<64x64xf32, #tpu.memory_space<vmem_shared>>
      %dma_start3A_121 = arith.constant 0 : i32
      %dma_start3A_122 = arith.constant 0 : i32
      %dma_start3A_123 = tpu.memref_slice %arg16[%dma_start3A_121, %dma_start3A_122] : memref<64x64xf32, #tpu.memory_space<vmem>> -> memref<64x64xf32, #tpu.memory_space<vmem>>
      tpu.enqueue_dma source(%dma_start3A_123 : memref<64x64xf32, #tpu.memory_space<vmem>>) target(%dma_start3A_120 : memref<64x64xf32, #tpu.memory_space<vmem_shared>>) target_semaphore(%run_scoped3A : memref<!tpu.dma_semaphore, #tpu.memory_space<semaphore_mem>>)
      %dma_wait3A = arith.constant 0 : i32
      %dma_wait3A_124 = arith.constant 0 : i32
      %dma_wait3A_125 = tpu.memref_slice %arg16[%dma_wait3A, %dma_wait3A_124] : memref<64x64xf32, #tpu.memory_space<vmem>> -> memref<64x64xf32, #tpu.memory_space<vmem>>
      %dma_wait3A_126 = arith.constant 0 : i32
      %dma_wait3A_127 = tpu.memref_slice %arg7[%add3A_73, %dma_wait3A_126] : memref<10000x64xf32, #tpu.memory_space<vmem_shared>> -> memref<64x64xf32, #tpu.memory_space<vmem_shared>>
      %dma_wait3A_128 = arith.constant 0 : i32
      %dma_wait3A_129 = tpu.memref_slice %arg7[%add3A_73, %dma_wait3A_128] : memref<10000x64xf32, #tpu.memory_space<vmem_shared>> -> memref<64x64xf32, #tpu.memory_space<vmem_shared>>
      %dma_wait3A_130 = arith.constant 0 : i32
      %dma_wait3A_131 = arith.constant 0 : i32
      %dma_wait3A_132 = tpu.memref_slice %arg16[%dma_wait3A_130, %dma_wait3A_131] : memref<64x64xf32, #tpu.memory_space<vmem>> -> memref<64x64xf32, #tpu.memory_space<vmem>>
      tpu.wait_dma2 semaphore(%run_scoped3A : memref<!tpu.dma_semaphore, #tpu.memory_space<semaphore_mem>>) src(%dma_wait3A_132 : memref<64x64xf32, #tpu.memory_space<vmem>>) dst(%dma_wait3A_129 : memref<64x64xf32, #tpu.memory_space<vmem_shared>>)
      tpu.yield
    }) : () -> ()
    %add3A_74 = arith.constant 384 : i32
    %add3A_75 = arith.addi %mul3A_47, %add3A_74 : i32
    "tpu.region"() ({
      %run_scoped3A = tpu.sem_alloc : memref<!tpu.dma_semaphore, #tpu.memory_space<semaphore_mem>>
      %dma_start3A_114 = arith.constant 0 : i32
      %dma_start3A_115 = arith.constant 0 : i32
      %dma_start3A_116 = tpu.memref_slice %arg16[%dma_start3A_114, %dma_start3A_115] : memref<64x64xf32, #tpu.memory_space<vmem>> -> memref<64x64xf32, #tpu.memory_space<vmem>>
      %dma_start3A_117 = arith.constant 0 : i32
      %dma_start3A_118 = tpu.memref_slice %arg8[%add3A_75, %dma_start3A_117] : memref<10000x64xf32, #tpu.memory_space<vmem_shared>> -> memref<64x64xf32, #tpu.memory_space<vmem_shared>>
      %dma_start3A_119 = arith.constant 0 : i32
      %dma_start3A_120 = tpu.memref_slice %arg8[%add3A_75, %dma_start3A_119] : memref<10000x64xf32, #tpu.memory_space<vmem_shared>> -> memref<64x64xf32, #tpu.memory_space<vmem_shared>>
      %dma_start3A_121 = arith.constant 0 : i32
      %dma_start3A_122 = arith.constant 0 : i32
      %dma_start3A_123 = tpu.memref_slice %arg16[%dma_start3A_121, %dma_start3A_122] : memref<64x64xf32, #tpu.memory_space<vmem>> -> memref<64x64xf32, #tpu.memory_space<vmem>>
      tpu.enqueue_dma source(%dma_start3A_123 : memref<64x64xf32, #tpu.memory_space<vmem>>) target(%dma_start3A_120 : memref<64x64xf32, #tpu.memory_space<vmem_shared>>) target_semaphore(%run_scoped3A : memref<!tpu.dma_semaphore, #tpu.memory_space<semaphore_mem>>)
      %dma_wait3A = arith.constant 0 : i32
      %dma_wait3A_124 = arith.constant 0 : i32
      %dma_wait3A_125 = tpu.memref_slice %arg16[%dma_wait3A, %dma_wait3A_124] : memref<64x64xf32, #tpu.memory_space<vmem>> -> memref<64x64xf32, #tpu.memory_space<vmem>>
      %dma_wait3A_126 = arith.constant 0 : i32
      %dma_wait3A_127 = tpu.memref_slice %arg8[%add3A_75, %dma_wait3A_126] : memref<10000x64xf32, #tpu.memory_space<vmem_shared>> -> memref<64x64xf32, #tpu.memory_space<vmem_shared>>
      %dma_wait3A_128 = arith.constant 0 : i32
      %dma_wait3A_129 = tpu.memref_slice %arg8[%add3A_75, %dma_wait3A_128] : memref<10000x64xf32, #tpu.memory_space<vmem_shared>> -> memref<64x64xf32, #tpu.memory_space<vmem_shared>>
      %dma_wait3A_130 = arith.constant 0 : i32
      %dma_wait3A_131 = arith.constant 0 : i32
      %dma_wait3A_132 = tpu.memref_slice %arg16[%dma_wait3A_130, %dma_wait3A_131] : memref<64x64xf32, #tpu.memory_space<vmem>> -> memref<64x64xf32, #tpu.memory_space<vmem>>
      tpu.wait_dma2 semaphore(%run_scoped3A : memref<!tpu.dma_semaphore, #tpu.memory_space<semaphore_mem>>) src(%dma_wait3A_132 : memref<64x64xf32, #tpu.memory_space<vmem>>) dst(%dma_wait3A_129 : memref<64x64xf32, #tpu.memory_space<vmem_shared>>)
      tpu.yield
    }) : () -> ()
    %add3A_76 = arith.constant 448 : i32
    %add3A_77 = arith.addi %mul3A_47, %add3A_76 : i32
    "tpu.region"() ({
      %run_scoped3A = tpu.sem_alloc : memref<!tpu.dma_semaphore, #tpu.memory_space<semaphore_mem>>
      %dma_start3A_114 = arith.constant 0 : i32
      %dma_start3A_115 = arith.constant 0 : i32
      %dma_start3A_116 = tpu.memref_slice %arg16[%dma_start3A_114, %dma_start3A_115] : memref<64x64xf32, #tpu.memory_space<vmem>> -> memref<64x64xf32, #tpu.memory_space<vmem>>
      %dma_start3A_117 = arith.constant 0 : i32
      %dma_start3A_118 = tpu.memref_slice %arg7[%add3A_77, %dma_start3A_117] : memref<10000x64xf32, #tpu.memory_space<vmem_shared>> -> memref<64x64xf32, #tpu.memory_space<vmem_shared>>
      %dma_start3A_119 = arith.constant 0 : i32
      %dma_start3A_120 = tpu.memref_slice %arg7[%add3A_77, %dma_start3A_119] : memref<10000x64xf32, #tpu.memory_space<vmem_shared>> -> memref<64x64xf32, #tpu.memory_space<vmem_shared>>
      %dma_start3A_121 = arith.constant 0 : i32
      %dma_start3A_122 = arith.constant 0 : i32
      %dma_start3A_123 = tpu.memref_slice %arg16[%dma_start3A_121, %dma_start3A_122] : memref<64x64xf32, #tpu.memory_space<vmem>> -> memref<64x64xf32, #tpu.memory_space<vmem>>
      tpu.enqueue_dma source(%dma_start3A_123 : memref<64x64xf32, #tpu.memory_space<vmem>>) target(%dma_start3A_120 : memref<64x64xf32, #tpu.memory_space<vmem_shared>>) target_semaphore(%run_scoped3A : memref<!tpu.dma_semaphore, #tpu.memory_space<semaphore_mem>>)
      %dma_wait3A = arith.constant 0 : i32
      %dma_wait3A_124 = arith.constant 0 : i32
      %dma_wait3A_125 = tpu.memref_slice %arg16[%dma_wait3A, %dma_wait3A_124] : memref<64x64xf32, #tpu.memory_space<vmem>> -> memref<64x64xf32, #tpu.memory_space<vmem>>
      %dma_wait3A_126 = arith.constant 0 : i32
      %dma_wait3A_127 = tpu.memref_slice %arg7[%add3A_77, %dma_wait3A_126] : memref<10000x64xf32, #tpu.memory_space<vmem_shared>> -> memref<64x64xf32, #tpu.memory_space<vmem_shared>>
      %dma_wait3A_128 = arith.constant 0 : i32
      %dma_wait3A_129 = tpu.memref_slice %arg7[%add3A_77, %dma_wait3A_128] : memref<10000x64xf32, #tpu.memory_space<vmem_shared>> -> memref<64x64xf32, #tpu.memory_space<vmem_shared>>
      %dma_wait3A_130 = arith.constant 0 : i32
      %dma_wait3A_131 = arith.constant 0 : i32
      %dma_wait3A_132 = tpu.memref_slice %arg16[%dma_wait3A_130, %dma_wait3A_131] : memref<64x64xf32, #tpu.memory_space<vmem>> -> memref<64x64xf32, #tpu.memory_space<vmem>>
      tpu.wait_dma2 semaphore(%run_scoped3A : memref<!tpu.dma_semaphore, #tpu.memory_space<semaphore_mem>>) src(%dma_wait3A_132 : memref<64x64xf32, #tpu.memory_space<vmem>>) dst(%dma_wait3A_129 : memref<64x64xf32, #tpu.memory_space<vmem_shared>>)
      tpu.yield
    }) : () -> ()
    %add3A_78 = arith.constant 448 : i32
    %add3A_79 = arith.addi %mul3A_47, %add3A_78 : i32
    "tpu.region"() ({
      %run_scoped3A = tpu.sem_alloc : memref<!tpu.dma_semaphore, #tpu.memory_space<semaphore_mem>>
      %dma_start3A_114 = arith.constant 0 : i32
      %dma_start3A_115 = arith.constant 0 : i32
      %dma_start3A_116 = tpu.memref_slice %arg16[%dma_start3A_114, %dma_start3A_115] : memref<64x64xf32, #tpu.memory_space<vmem>> -> memref<64x64xf32, #tpu.memory_space<vmem>>
      %dma_start3A_117 = arith.constant 0 : i32
      %dma_start3A_118 = tpu.memref_slice %arg8[%add3A_79, %dma_start3A_117] : memref<10000x64xf32, #tpu.memory_space<vmem_shared>> -> memref<64x64xf32, #tpu.memory_space<vmem_shared>>
      %dma_start3A_119 = arith.constant 0 : i32
      %dma_start3A_120 = tpu.memref_slice %arg8[%add3A_79, %dma_start3A_119] : memref<10000x64xf32, #tpu.memory_space<vmem_shared>> -> memref<64x64xf32, #tpu.memory_space<vmem_shared>>
      %dma_start3A_121 = arith.constant 0 : i32
      %dma_start3A_122 = arith.constant 0 : i32
      %dma_start3A_123 = tpu.memref_slice %arg16[%dma_start3A_121, %dma_start3A_122] : memref<64x64xf32, #tpu.memory_space<vmem>> -> memref<64x64xf32, #tpu.memory_space<vmem>>
      tpu.enqueue_dma source(%dma_start3A_123 : memref<64x64xf32, #tpu.memory_space<vmem>>) target(%dma_start3A_120 : memref<64x64xf32, #tpu.memory_space<vmem_shared>>) target_semaphore(%run_scoped3A : memref<!tpu.dma_semaphore, #tpu.memory_space<semaphore_mem>>)
      %dma_wait3A = arith.constant 0 : i32
      %dma_wait3A_124 = arith.constant 0 : i32
      %dma_wait3A_125 = tpu.memref_slice %arg16[%dma_wait3A, %dma_wait3A_124] : memref<64x64xf32, #tpu.memory_space<vmem>> -> memref<64x64xf32, #tpu.memory_space<vmem>>
      %dma_wait3A_126 = arith.constant 0 : i32
      %dma_wait3A_127 = tpu.memref_slice %arg8[%add3A_79, %dma_wait3A_126] : memref<10000x64xf32, #tpu.memory_space<vmem_shared>> -> memref<64x64xf32, #tpu.memory_space<vmem_shared>>
      %dma_wait3A_128 = arith.constant 0 : i32
      %dma_wait3A_129 = tpu.memref_slice %arg8[%add3A_79, %dma_wait3A_128] : memref<10000x64xf32, #tpu.memory_space<vmem_shared>> -> memref<64x64xf32, #tpu.memory_space<vmem_shared>>
      %dma_wait3A_130 = arith.constant 0 : i32
      %dma_wait3A_131 = arith.constant 0 : i32
      %dma_wait3A_132 = tpu.memref_slice %arg16[%dma_wait3A_130, %dma_wait3A_131] : memref<64x64xf32, #tpu.memory_space<vmem>> -> memref<64x64xf32, #tpu.memory_space<vmem>>
      tpu.wait_dma2 semaphore(%run_scoped3A : memref<!tpu.dma_semaphore, #tpu.memory_space<semaphore_mem>>) src(%dma_wait3A_132 : memref<64x64xf32, #tpu.memory_space<vmem>>) dst(%dma_wait3A_129 : memref<64x64xf32, #tpu.memory_space<vmem_shared>>)
      tpu.yield
    }) : () -> ()
    %add3A_80 = arith.constant 512 : i32
    %add3A_81 = arith.addi %mul3A_47, %add3A_80 : i32
    "tpu.region"() ({
      %run_scoped3A = tpu.sem_alloc : memref<!tpu.dma_semaphore, #tpu.memory_space<semaphore_mem>>
      %dma_start3A_114 = arith.constant 0 : i32
      %dma_start3A_115 = arith.constant 0 : i32
      %dma_start3A_116 = tpu.memref_slice %arg16[%dma_start3A_114, %dma_start3A_115] : memref<64x64xf32, #tpu.memory_space<vmem>> -> memref<64x64xf32, #tpu.memory_space<vmem>>
      %dma_start3A_117 = arith.constant 0 : i32
      %dma_start3A_118 = tpu.memref_slice %arg7[%add3A_81, %dma_start3A_117] : memref<10000x64xf32, #tpu.memory_space<vmem_shared>> -> memref<64x64xf32, #tpu.memory_space<vmem_shared>>
      %dma_start3A_119 = arith.constant 0 : i32
      %dma_start3A_120 = tpu.memref_slice %arg7[%add3A_81, %dma_start3A_119] : memref<10000x64xf32, #tpu.memory_space<vmem_shared>> -> memref<64x64xf32, #tpu.memory_space<vmem_shared>>
      %dma_start3A_121 = arith.constant 0 : i32
      %dma_start3A_122 = arith.constant 0 : i32
      %dma_start3A_123 = tpu.memref_slice %arg16[%dma_start3A_121, %dma_start3A_122] : memref<64x64xf32, #tpu.memory_space<vmem>> -> memref<64x64xf32, #tpu.memory_space<vmem>>
      tpu.enqueue_dma source(%dma_start3A_123 : memref<64x64xf32, #tpu.memory_space<vmem>>) target(%dma_start3A_120 : memref<64x64xf32, #tpu.memory_space<vmem_shared>>) target_semaphore(%run_scoped3A : memref<!tpu.dma_semaphore, #tpu.memory_space<semaphore_mem>>)
      %dma_wait3A = arith.constant 0 : i32
      %dma_wait3A_124 = arith.constant 0 : i32
      %dma_wait3A_125 = tpu.memref_slice %arg16[%dma_wait3A, %dma_wait3A_124] : memref<64x64xf32, #tpu.memory_space<vmem>> -> memref<64x64xf32, #tpu.memory_space<vmem>>
      %dma_wait3A_126 = arith.constant 0 : i32
      %dma_wait3A_127 = tpu.memref_slice %arg7[%add3A_81, %dma_wait3A_126] : memref<10000x64xf32, #tpu.memory_space<vmem_shared>> -> memref<64x64xf32, #tpu.memory_space<vmem_shared>>
      %dma_wait3A_128 = arith.constant 0 : i32
      %dma_wait3A_129 = tpu.memref_slice %arg7[%add3A_81, %dma_wait3A_128] : memref<10000x64xf32, #tpu.memory_space<vmem_shared>> -> memref<64x64xf32, #tpu.memory_space<vmem_shared>>
      %dma_wait3A_130 = arith.constant 0 : i32
      %dma_wait3A_131 = arith.constant 0 : i32
      %dma_wait3A_132 = tpu.memref_slice %arg16[%dma_wait3A_130, %dma_wait3A_131] : memref<64x64xf32, #tpu.memory_space<vmem>> -> memref<64x64xf32, #tpu.memory_space<vmem>>
      tpu.wait_dma2 semaphore(%run_scoped3A : memref<!tpu.dma_semaphore, #tpu.memory_space<semaphore_mem>>) src(%dma_wait3A_132 : memref<64x64xf32, #tpu.memory_space<vmem>>) dst(%dma_wait3A_129 : memref<64x64xf32, #tpu.memory_space<vmem_shared>>)
      tpu.yield
    }) : () -> ()
    %add3A_82 = arith.constant 512 : i32
    %add3A_83 = arith.addi %mul3A_47, %add3A_82 : i32
    "tpu.region"() ({
      %run_scoped3A = tpu.sem_alloc : memref<!tpu.dma_semaphore, #tpu.memory_space<semaphore_mem>>
      %dma_start3A_114 = arith.constant 0 : i32
      %dma_start3A_115 = arith.constant 0 : i32
      %dma_start3A_116 = tpu.memref_slice %arg16[%dma_start3A_114, %dma_start3A_115] : memref<64x64xf32, #tpu.memory_space<vmem>> -> memref<64x64xf32, #tpu.memory_space<vmem>>
      %dma_start3A_117 = arith.constant 0 : i32
      %dma_start3A_118 = tpu.memref_slice %arg8[%add3A_83, %dma_start3A_117] : memref<10000x64xf32, #tpu.memory_space<vmem_shared>> -> memref<64x64xf32, #tpu.memory_space<vmem_shared>>
      %dma_start3A_119 = arith.constant 0 : i32
      %dma_start3A_120 = tpu.memref_slice %arg8[%add3A_83, %dma_start3A_119] : memref<10000x64xf32, #tpu.memory_space<vmem_shared>> -> memref<64x64xf32, #tpu.memory_space<vmem_shared>>
      %dma_start3A_121 = arith.constant 0 : i32
      %dma_start3A_122 = arith.constant 0 : i32
      %dma_start3A_123 = tpu.memref_slice %arg16[%dma_start3A_121, %dma_start3A_122] : memref<64x64xf32, #tpu.memory_space<vmem>> -> memref<64x64xf32, #tpu.memory_space<vmem>>
      tpu.enqueue_dma source(%dma_start3A_123 : memref<64x64xf32, #tpu.memory_space<vmem>>) target(%dma_start3A_120 : memref<64x64xf32, #tpu.memory_space<vmem_shared>>) target_semaphore(%run_scoped3A : memref<!tpu.dma_semaphore, #tpu.memory_space<semaphore_mem>>)
      %dma_wait3A = arith.constant 0 : i32
      %dma_wait3A_124 = arith.constant 0 : i32
      %dma_wait3A_125 = tpu.memref_slice %arg16[%dma_wait3A, %dma_wait3A_124] : memref<64x64xf32, #tpu.memory_space<vmem>> -> memref<64x64xf32, #tpu.memory_space<vmem>>
      %dma_wait3A_126 = arith.constant 0 : i32
      %dma_wait3A_127 = tpu.memref_slice %arg8[%add3A_83, %dma_wait3A_126] : memref<10000x64xf32, #tpu.memory_space<vmem_shared>> -> memref<64x64xf32, #tpu.memory_space<vmem_shared>>
      %dma_wait3A_128 = arith.constant 0 : i32
      %dma_wait3A_129 = tpu.memref_slice %arg8[%add3A_83, %dma_wait3A_128] : memref<10000x64xf32, #tpu.memory_space<vmem_shared>> -> memref<64x64xf32, #tpu.memory_space<vmem_shared>>
      %dma_wait3A_130 = arith.constant 0 : i32
      %dma_wait3A_131 = arith.constant 0 : i32
      %dma_wait3A_132 = tpu.memref_slice %arg16[%dma_wait3A_130, %dma_wait3A_131] : memref<64x64xf32, #tpu.memory_space<vmem>> -> memref<64x64xf32, #tpu.memory_space<vmem>>
      tpu.wait_dma2 semaphore(%run_scoped3A : memref<!tpu.dma_semaphore, #tpu.memory_space<semaphore_mem>>) src(%dma_wait3A_132 : memref<64x64xf32, #tpu.memory_space<vmem>>) dst(%dma_wait3A_129 : memref<64x64xf32, #tpu.memory_space<vmem_shared>>)
      tpu.yield
    }) : () -> ()
    %add3A_84 = arith.constant 576 : i32
    %add3A_85 = arith.addi %mul3A_47, %add3A_84 : i32
    "tpu.region"() ({
      %run_scoped3A = tpu.sem_alloc : memref<!tpu.dma_semaphore, #tpu.memory_space<semaphore_mem>>
      %dma_start3A_114 = arith.constant 0 : i32
      %dma_start3A_115 = arith.constant 0 : i32
      %dma_start3A_116 = tpu.memref_slice %arg16[%dma_start3A_114, %dma_start3A_115] : memref<64x64xf32, #tpu.memory_space<vmem>> -> memref<49x64xf32, #tpu.memory_space<vmem>>
      %dma_start3A_117 = arith.constant 0 : i32
      %dma_start3A_118 = tpu.memref_slice %arg7[%add3A_85, %dma_start3A_117] : memref<10000x64xf32, #tpu.memory_space<vmem_shared>> -> memref<49x64xf32, #tpu.memory_space<vmem_shared>>
      %dma_start3A_119 = arith.constant 0 : i32
      %dma_start3A_120 = tpu.memref_slice %arg7[%add3A_85, %dma_start3A_119] : memref<10000x64xf32, #tpu.memory_space<vmem_shared>> -> memref<49x64xf32, #tpu.memory_space<vmem_shared>>
      %dma_start3A_121 = arith.constant 0 : i32
      %dma_start3A_122 = arith.constant 0 : i32
      %dma_start3A_123 = tpu.memref_slice %arg16[%dma_start3A_121, %dma_start3A_122] : memref<64x64xf32, #tpu.memory_space<vmem>> -> memref<49x64xf32, #tpu.memory_space<vmem>>
      tpu.enqueue_dma source(%dma_start3A_123 : memref<49x64xf32, #tpu.memory_space<vmem>>) target(%dma_start3A_120 : memref<49x64xf32, #tpu.memory_space<vmem_shared>>) target_semaphore(%run_scoped3A : memref<!tpu.dma_semaphore, #tpu.memory_space<semaphore_mem>>)
      %dma_wait3A = arith.constant 0 : i32
      %dma_wait3A_124 = arith.constant 0 : i32
      %dma_wait3A_125 = tpu.memref_slice %arg16[%dma_wait3A, %dma_wait3A_124] : memref<64x64xf32, #tpu.memory_space<vmem>> -> memref<49x64xf32, #tpu.memory_space<vmem>>
      %dma_wait3A_126 = arith.constant 0 : i32
      %dma_wait3A_127 = tpu.memref_slice %arg7[%add3A_85, %dma_wait3A_126] : memref<10000x64xf32, #tpu.memory_space<vmem_shared>> -> memref<49x64xf32, #tpu.memory_space<vmem_shared>>
      %dma_wait3A_128 = arith.constant 0 : i32
      %dma_wait3A_129 = tpu.memref_slice %arg7[%add3A_85, %dma_wait3A_128] : memref<10000x64xf32, #tpu.memory_space<vmem_shared>> -> memref<49x64xf32, #tpu.memory_space<vmem_shared>>
      %dma_wait3A_130 = arith.constant 0 : i32
      %dma_wait3A_131 = arith.constant 0 : i32
      %dma_wait3A_132 = tpu.memref_slice %arg16[%dma_wait3A_130, %dma_wait3A_131] : memref<64x64xf32, #tpu.memory_space<vmem>> -> memref<49x64xf32, #tpu.memory_space<vmem>>
      tpu.wait_dma2 semaphore(%run_scoped3A : memref<!tpu.dma_semaphore, #tpu.memory_space<semaphore_mem>>) src(%dma_wait3A_132 : memref<49x64xf32, #tpu.memory_space<vmem>>) dst(%dma_wait3A_129 : memref<49x64xf32, #tpu.memory_space<vmem_shared>>)
      tpu.yield
    }) : () -> ()
    %add3A_86 = arith.constant 576 : i32
    %add3A_87 = arith.addi %mul3A_47, %add3A_86 : i32
    "tpu.region"() ({
      %run_scoped3A = tpu.sem_alloc : memref<!tpu.dma_semaphore, #tpu.memory_space<semaphore_mem>>
      %dma_start3A_114 = arith.constant 0 : i32
      %dma_start3A_115 = arith.constant 0 : i32
      %dma_start3A_116 = tpu.memref_slice %arg16[%dma_start3A_114, %dma_start3A_115] : memref<64x64xf32, #tpu.memory_space<vmem>> -> memref<49x64xf32, #tpu.memory_space<vmem>>
      %dma_start3A_117 = arith.constant 0 : i32
      %dma_start3A_118 = tpu.memref_slice %arg8[%add3A_87, %dma_start3A_117] : memref<10000x64xf32, #tpu.memory_space<vmem_shared>> -> memref<49x64xf32, #tpu.memory_space<vmem_shared>>
      %dma_start3A_119 = arith.constant 0 : i32
      %dma_start3A_120 = tpu.memref_slice %arg8[%add3A_87, %dma_start3A_119] : memref<10000x64xf32, #tpu.memory_space<vmem_shared>> -> memref<49x64xf32, #tpu.memory_space<vmem_shared>>
      %dma_start3A_121 = arith.constant 0 : i32
      %dma_start3A_122 = arith.constant 0 : i32
      %dma_start3A_123 = tpu.memref_slice %arg16[%dma_start3A_121, %dma_start3A_122] : memref<64x64xf32, #tpu.memory_space<vmem>> -> memref<49x64xf32, #tpu.memory_space<vmem>>
      tpu.enqueue_dma source(%dma_start3A_123 : memref<49x64xf32, #tpu.memory_space<vmem>>) target(%dma_start3A_120 : memref<49x64xf32, #tpu.memory_space<vmem_shared>>) target_semaphore(%run_scoped3A : memref<!tpu.dma_semaphore, #tpu.memory_space<semaphore_mem>>)
      %dma_wait3A = arith.constant 0 : i32
      %dma_wait3A_124 = arith.constant 0 : i32
      %dma_wait3A_125 = tpu.memref_slice %arg16[%dma_wait3A, %dma_wait3A_124] : memref<64x64xf32, #tpu.memory_space<vmem>> -> memref<49x64xf32, #tpu.memory_space<vmem>>
      %dma_wait3A_126 = arith.constant 0 : i32
      %dma_wait3A_127 = tpu.memref_slice %arg8[%add3A_87, %dma_wait3A_126] : memref<10000x64xf32, #tpu.memory_space<vmem_shared>> -> memref<49x64xf32, #tpu.memory_space<vmem_shared>>
      %dma_wait3A_128 = arith.constant 0 : i32
      %dma_wait3A_129 = tpu.memref_slice %arg8[%add3A_87, %dma_wait3A_128] : memref<10000x64xf32, #tpu.memory_space<vmem_shared>> -> memref<49x64xf32, #tpu.memory_space<vmem_shared>>
      %dma_wait3A_130 = arith.constant 0 : i32
      %dma_wait3A_131 = arith.constant 0 : i32
      %dma_wait3A_132 = tpu.memref_slice %arg16[%dma_wait3A_130, %dma_wait3A_131] : memref<64x64xf32, #tpu.memory_space<vmem>> -> memref<49x64xf32, #tpu.memory_space<vmem>>
      tpu.wait_dma2 semaphore(%run_scoped3A : memref<!tpu.dma_semaphore, #tpu.memory_space<semaphore_mem>>) src(%dma_wait3A_132 : memref<49x64xf32, #tpu.memory_space<vmem>>) dst(%dma_wait3A_129 : memref<49x64xf32, #tpu.memory_space<vmem_shared>>)
      tpu.yield
    }) : () -> ()
    %eq3A = arith.constant 0 : i32
    %eq3A_88 = arith.cmpi eq, %arg0, %eq3A : i32
    %convert_element_type3A = arith.extui %eq3A_88 : i1 to i32
    %cond3A = arith.constant 0 : i32
    %cond3A_89 = arith.cmpi ne, %convert_element_type3A, %cond3A : i32
    scf.if %cond3A_89 {
      %scan3A_114 = arith.constant 0 : i32
      %scan3A_115 = arith.constant 640 : i32
      %scan3A_116 = arith.addi %scan3A_114, %scan3A_115 : i32
      %scan3A_117 = arith.constant 1 : i32
      scf.for %scan3A_129 = %scan3A_114 to %scan3A_116 step %scan3A_117  : i32 {
        %mul3A_130 = arith.constant 1 : i32
        %mul3A_131 = arith.muli %scan3A_129, %mul3A_130 : i32
        %add3A_132 = arith.constant 0 : i32
        %add3A_133 = arith.addi %add3A_132, %mul3A_131 : i32
        %swap3A = arith.index_cast %add3A_133 : i32 to index
        %swap3A_134 = arith.constant 0 : index
        %swap3A_135 = tpu.vector_load %arg15[%swap3A, %swap3A_134] {strides = array<i32>} : memref<640x16xf32, #tpu.memory_space<vmem>>, vector<16xf32>,
        tpu.vector_store %arg15[%swap3A, %swap3A_134], %broadcast_in_dim3A_41 {strides = array<i32>} : memref<640x16xf32, #tpu.memory_space<vmem>>, vector<16xf32>,
      }
      %scan3A_118 = arith.constant 640 : i32
      %iota3A = tpu.iota {dimensions = array<i32: 0>} : vector<16xi32>
      %scan3A_119 = arith.constant 0 : i32
      %scan3A_120 = arith.constant 5 : i32
      %scan3A_121 = arith.addi %scan3A_119, %scan3A_120 : i32
      %scan3A_122 = arith.constant 1 : i32
      scf.for %scan3A_129 = %scan3A_119 to %scan3A_121 step %scan3A_122  : i32 {
        %mul3A_130 = arith.constant 1 : i32
        %mul3A_131 = arith.muli %scan3A_129, %mul3A_130 : i32
        %add3A_132 = arith.constant 0 : i32
        %add3A_133 = arith.addi %add3A_132, %mul3A_131 : i32
        %mul3A_134 = arith.constant 128 : i32
        %mul3A_135 = arith.muli %add3A_133, %mul3A_134 : i32
        %add3A_136 = vector.broadcast %mul3A_135 : i32 to vector<16xi32>
        %add3A_137 = arith.addi %iota3A, %add3A_136 : vector<16xi32>
        %add3A_138 = arith.constant 0 : i32
        %add3A_139 = vector.broadcast %add3A_138 : i32 to vector<16xi32>
        %add3A_140 = arith.addi %add3A_137, %add3A_139 : vector<16xi32>
        %swap3A = arith.index_cast %add3A_133 : i32 to index
        %swap3A_141 = arith.constant 0 : index
        %swap3A_142 = tpu.vector_load %arg17[%swap3A, %swap3A_141] {strides = array<i32>} : memref<5x128xi32, #tpu.memory_space<vmem>>, vector<16xi32>,
        tpu.vector_store %arg17[%swap3A, %swap3A_141], %add3A_140 {strides = array<i32>} : memref<5x128xi32, #tpu.memory_space<vmem>>, vector<16xi32>,
        %mul3A_143 = arith.constant 128 : i32
        %mul3A_144 = arith.muli %add3A_133, %mul3A_143 : i32
        %add3A_145 = vector.broadcast %mul3A_144 : i32 to vector<16xi32>
        %add3A_146 = arith.addi %iota3A, %add3A_145 : vector<16xi32>
        %add3A_147 = arith.constant 16 : i32
        %add3A_148 = vector.broadcast %add3A_147 : i32 to vector<16xi32>
        %add3A_149 = arith.addi %add3A_146, %add3A_148 : vector<16xi32>
        %swap3A_150 = arith.index_cast %add3A_133 : i32 to index
        %swap3A_151 = arith.constant 16 : index
        %swap3A_152 = tpu.vector_load %arg17[%swap3A_150, %swap3A_151] {strides = array<i32>} : memref<5x128xi32, #tpu.memory_space<vmem>>, vector<16xi32>,
        tpu.vector_store %arg17[%swap3A_150, %swap3A_151], %add3A_149 {strides = array<i32>} : memref<5x128xi32, #tpu.memory_space<vmem>>, vector<16xi32>,
        %mul3A_153 = arith.constant 128 : i32
        %mul3A_154 = arith.muli %add3A_133, %mul3A_153 : i32
        %add3A_155 = vector.broadcast %mul3A_154 : i32 to vector<16xi32>
        %add3A_156 = arith.addi %iota3A, %add3A_155 : vector<16xi32>
        %add3A_157 = arith.constant 32 : i32
        %add3A_158 = vector.broadcast %add3A_157 : i32 to vector<16xi32>
        %add3A_159 = arith.addi %add3A_156, %add3A_158 : vector<16xi32>
        %swap3A_160 = arith.index_cast %add3A_133 : i32 to index
        %swap3A_161 = arith.constant 32 : index
        %swap3A_162 = tpu.vector_load %arg17[%swap3A_160, %swap3A_161] {strides = array<i32>} : memref<5x128xi32, #tpu.memory_space<vmem>>, vector<16xi32>,
        tpu.vector_store %arg17[%swap3A_160, %swap3A_161], %add3A_159 {strides = array<i32>} : memref<5x128xi32, #tpu.memory_space<vmem>>, vector<16xi32>,
        %mul3A_163 = arith.constant 128 : i32
        %mul3A_164 = arith.muli %add3A_133, %mul3A_163 : i32
        %add3A_165 = vector.broadcast %mul3A_164 : i32 to vector<16xi32>
        %add3A_166 = arith.addi %iota3A, %add3A_165 : vector<16xi32>
        %add3A_167 = arith.constant 48 : i32
        %add3A_168 = vector.broadcast %add3A_167 : i32 to vector<16xi32>
        %add3A_169 = arith.addi %add3A_166, %add3A_168 : vector<16xi32>
        %swap3A_170 = arith.index_cast %add3A_133 : i32 to index
        %swap3A_171 = arith.constant 48 : index
        %swap3A_172 = tpu.vector_load %arg17[%swap3A_170, %swap3A_171] {strides = array<i32>} : memref<5x128xi32, #tpu.memory_space<vmem>>, vector<16xi32>,
        tpu.vector_store %arg17[%swap3A_170, %swap3A_171], %add3A_169 {strides = array<i32>} : memref<5x128xi32, #tpu.memory_space<vmem>>, vector<16xi32>,
        %mul3A_173 = arith.constant 128 : i32
        %mul3A_174 = arith.muli %add3A_133, %mul3A_173 : i32
        %add3A_175 = vector.broadcast %mul3A_174 : i32 to vector<16xi32>
        %add3A_176 = arith.addi %iota3A, %add3A_175 : vector<16xi32>
        %add3A_177 = arith.constant 64 : i32
        %add3A_178 = vector.broadcast %add3A_177 : i32 to vector<16xi32>
        %add3A_179 = arith.addi %add3A_176, %add3A_178 : vector<16xi32>
        %swap3A_180 = arith.index_cast %add3A_133 : i32 to index
        %swap3A_181 = arith.constant 64 : index
        %swap3A_182 = tpu.vector_load %arg17[%swap3A_180, %swap3A_181] {strides = array<i32>} : memref<5x128xi32, #tpu.memory_space<vmem>>, vector<16xi32>,
        tpu.vector_store %arg17[%swap3A_180, %swap3A_181], %add3A_179 {strides = array<i32>} : memref<5x128xi32, #tpu.memory_space<vmem>>, vector<16xi32>,
        %mul3A_183 = arith.constant 128 : i32
        %mul3A_184 = arith.muli %add3A_133, %mul3A_183 : i32
        %add3A_185 = vector.broadcast %mul3A_184 : i32 to vector<16xi32>
        %add3A_186 = arith.addi %iota3A, %add3A_185 : vector<16xi32>
        %add3A_187 = arith.constant 80 : i32
        %add3A_188 = vector.broadcast %add3A_187 : i32 to vector<16xi32>
        %add3A_189 = arith.addi %add3A_186, %add3A_188 : vector<16xi32>
        %swap3A_190 = arith.index_cast %add3A_133 : i32 to index
        %swap3A_191 = arith.constant 80 : index
        %swap3A_192 = tpu.vector_load %arg17[%swap3A_190, %swap3A_191] {strides = array<i32>} : memref<5x128xi32, #tpu.memory_space<vmem>>, vector<16xi32>,
        tpu.vector_store %arg17[%swap3A_190, %swap3A_191], %add3A_189 {strides = array<i32>} : memref<5x128xi32, #tpu.memory_space<vmem>>, vector<16xi32>,
        %mul3A_193 = arith.constant 128 : i32
        %mul3A_194 = arith.muli %add3A_133, %mul3A_193 : i32
        %add3A_195 = vector.broadcast %mul3A_194 : i32 to vector<16xi32>
        %add3A_196 = arith.addi %iota3A, %add3A_195 : vector<16xi32>
        %add3A_197 = arith.constant 96 : i32
        %add3A_198 = vector.broadcast %add3A_197 : i32 to vector<16xi32>
        %add3A_199 = arith.addi %add3A_196, %add3A_198 : vector<16xi32>
        %swap3A_200 = arith.index_cast %add3A_133 : i32 to index
        %swap3A_201 = arith.constant 96 : index
        %swap3A_202 = tpu.vector_load %arg17[%swap3A_200, %swap3A_201] {strides = array<i32>} : memref<5x128xi32, #tpu.memory_space<vmem>>, vector<16xi32>,
        tpu.vector_store %arg17[%swap3A_200, %swap3A_201], %add3A_199 {strides = array<i32>} : memref<5x128xi32, #tpu.memory_space<vmem>>, vector<16xi32>,
        %mul3A_203 = arith.constant 128 : i32
        %mul3A_204 = arith.muli %add3A_133, %mul3A_203 : i32
        %add3A_205 = vector.broadcast %mul3A_204 : i32 to vector<16xi32>
        %add3A_206 = arith.addi %iota3A, %add3A_205 : vector<16xi32>
        %add3A_207 = arith.constant 112 : i32
        %add3A_208 = vector.broadcast %add3A_207 : i32 to vector<16xi32>
        %add3A_209 = arith.addi %add3A_206, %add3A_208 : vector<16xi32>
        %swap3A_210 = arith.index_cast %add3A_133 : i32 to index
        %swap3A_211 = arith.constant 112 : index
        %swap3A_212 = tpu.vector_load %arg17[%swap3A_210, %swap3A_211] {strides = array<i32>} : memref<5x128xi32, #tpu.memory_space<vmem>>, vector<16xi32>,
        tpu.vector_store %arg17[%swap3A_210, %swap3A_211], %add3A_209 {strides = array<i32>} : memref<5x128xi32, #tpu.memory_space<vmem>>, vector<16xi32>,
      }
      %scan3A_123 = arith.constant 5 : i32
      %eq3A_124 = arith.constant 0 : i32
      %eq3A_125 = arith.cmpi eq, %arg1, %eq3A_124 : i32
      %convert_element_type3A_126 = arith.extui %eq3A_125 : i1 to i32
      %cond3A_127 = arith.constant 0 : i32
      %cond3A_128 = arith.cmpi ne, %convert_element_type3A_126, %cond3A_127 : i32
      scf.if %cond3A_128 {
        "tpu.region"() ({
          %run_scoped3A = tpu.sem_alloc : memref<!tpu.dma_semaphore, #tpu.memory_space<semaphore_mem>>
          %dma_start3A_129 = arith.constant 0 : i32
          %dma_start3A_130 = arith.constant 0 : i32
          %dma_start3A_131 = tpu.memref_slice %arg16[%dma_start3A_129, %dma_start3A_130] : memref<64x64xf32, #tpu.memory_space<vmem>> -> memref<64x16xf32, #tpu.memory_space<vmem>>
          %dma_start3A_132 = arith.constant 0 : i32
          %dma_start3A_133 = arith.constant 0 : i32
          %dma_start3A_134 = tpu.memref_slice %arg9[%dma_start3A_132, %dma_start3A_133] : memref<640x16xf32, #tpu.memory_space<vmem_shared>> -> memref<64x16xf32, #tpu.memory_space<vmem_shared>>
          %dma_start3A_135 = arith.constant 0 : i32
          %dma_start3A_136 = arith.constant 0 : i32
          %dma_start3A_137 = tpu.memref_slice %arg9[%dma_start3A_135, %dma_start3A_136] : memref<640x16xf32, #tpu.memory_space<vmem_shared>> -> memref<64x16xf32, #tpu.memory_space<vmem_shared>>
          %dma_start3A_138 = arith.constant 0 : i32
          %dma_start3A_139 = arith.constant 0 : i32
          %dma_start3A_140 = tpu.memref_slice %arg16[%dma_start3A_138, %dma_start3A_139] : memref<64x64xf32, #tpu.memory_space<vmem>> -> memref<64x16xf32, #tpu.memory_space<vmem>>
          tpu.enqueue_dma source(%dma_start3A_140 : memref<64x16xf32, #tpu.memory_space<vmem>>) target(%dma_start3A_137 : memref<64x16xf32, #tpu.memory_space<vmem_shared>>) target_semaphore(%run_scoped3A : memref<!tpu.dma_semaphore, #tpu.memory_space<semaphore_mem>>)
          %dma_wait3A = arith.constant 0 : i32
          %dma_wait3A_141 = arith.constant 0 : i32
          %dma_wait3A_142 = tpu.memref_slice %arg16[%dma_wait3A, %dma_wait3A_141] : memref<64x64xf32, #tpu.memory_space<vmem>> -> memref<64x16xf32, #tpu.memory_space<vmem>>
          %dma_wait3A_143 = arith.constant 0 : i32
          %dma_wait3A_144 = arith.constant 0 : i32
          %dma_wait3A_145 = tpu.memref_slice %arg9[%dma_wait3A_143, %dma_wait3A_144] : memref<640x16xf32, #tpu.memory_space<vmem_shared>> -> memref<64x16xf32, #tpu.memory_space<vmem_shared>>
          %dma_wait3A_146 = arith.constant 0 : i32
          %dma_wait3A_147 = arith.constant 0 : i32
          %dma_wait3A_148 = tpu.memref_slice %arg9[%dma_wait3A_146, %dma_wait3A_147] : memref<640x16xf32, #tpu.memory_space<vmem_shared>> -> memref<64x16xf32, #tpu.memory_space<vmem_shared>>
          %dma_wait3A_149 = arith.constant 0 : i32
          %dma_wait3A_150 = arith.constant 0 : i32
          %dma_wait3A_151 = tpu.memref_slice %arg16[%dma_wait3A_149, %dma_wait3A_150] : memref<64x64xf32, #tpu.memory_space<vmem>> -> memref<64x16xf32, #tpu.memory_space<vmem>>
          tpu.wait_dma2 semaphore(%run_scoped3A : memref<!tpu.dma_semaphore, #tpu.memory_space<semaphore_mem>>) src(%dma_wait3A_151 : memref<64x16xf32, #tpu.memory_space<vmem>>) dst(%dma_wait3A_148 : memref<64x16xf32, #tpu.memory_space<vmem_shared>>)
          tpu.yield
        }) : () -> ()
        "tpu.region"() ({
          %run_scoped3A = tpu.sem_alloc : memref<!tpu.dma_semaphore, #tpu.memory_space<semaphore_mem>>
          %dma_start3A_129 = arith.constant 0 : i32
          %dma_start3A_130 = arith.constant 0 : i32
          %dma_start3A_131 = tpu.memref_slice %arg16[%dma_start3A_129, %dma_start3A_130] : memref<64x64xf32, #tpu.memory_space<vmem>> -> memref<64x16xf32, #tpu.memory_space<vmem>>
          %dma_start3A_132 = arith.constant 64 : i32
          %dma_start3A_133 = arith.constant 0 : i32
          %dma_start3A_134 = tpu.memref_slice %arg9[%dma_start3A_132, %dma_start3A_133] : memref<640x16xf32, #tpu.memory_space<vmem_shared>> -> memref<64x16xf32, #tpu.memory_space<vmem_shared>>
          %dma_start3A_135 = arith.constant 64 : i32
          %dma_start3A_136 = arith.constant 0 : i32
          %dma_start3A_137 = tpu.memref_slice %arg9[%dma_start3A_135, %dma_start3A_136] : memref<640x16xf32, #tpu.memory_space<vmem_shared>> -> memref<64x16xf32, #tpu.memory_space<vmem_shared>>
          %dma_start3A_138 = arith.constant 0 : i32
          %dma_start3A_139 = arith.constant 0 : i32
          %dma_start3A_140 = tpu.memref_slice %arg16[%dma_start3A_138, %dma_start3A_139] : memref<64x64xf32, #tpu.memory_space<vmem>> -> memref<64x16xf32, #tpu.memory_space<vmem>>
          tpu.enqueue_dma source(%dma_start3A_140 : memref<64x16xf32, #tpu.memory_space<vmem>>) target(%dma_start3A_137 : memref<64x16xf32, #tpu.memory_space<vmem_shared>>) target_semaphore(%run_scoped3A : memref<!tpu.dma_semaphore, #tpu.memory_space<semaphore_mem>>)
          %dma_wait3A = arith.constant 0 : i32
          %dma_wait3A_141 = arith.constant 0 : i32
          %dma_wait3A_142 = tpu.memref_slice %arg16[%dma_wait3A, %dma_wait3A_141] : memref<64x64xf32, #tpu.memory_space<vmem>> -> memref<64x16xf32, #tpu.memory_space<vmem>>
          %dma_wait3A_143 = arith.constant 64 : i32
          %dma_wait3A_144 = arith.constant 0 : i32
          %dma_wait3A_145 = tpu.memref_slice %arg9[%dma_wait3A_143, %dma_wait3A_144] : memref<640x16xf32, #tpu.memory_space<vmem_shared>> -> memref<64x16xf32, #tpu.memory_space<vmem_shared>>
          %dma_wait3A_146 = arith.constant 64 : i32
          %dma_wait3A_147 = arith.constant 0 : i32
          %dma_wait3A_148 = tpu.memref_slice %arg9[%dma_wait3A_146, %dma_wait3A_147] : memref<640x16xf32, #tpu.memory_space<vmem_shared>> -> memref<64x16xf32, #tpu.memory_space<vmem_shared>>
          %dma_wait3A_149 = arith.constant 0 : i32
          %dma_wait3A_150 = arith.constant 0 : i32
          %dma_wait3A_151 = tpu.memref_slice %arg16[%dma_wait3A_149, %dma_wait3A_150] : memref<64x64xf32, #tpu.memory_space<vmem>> -> memref<64x16xf32, #tpu.memory_space<vmem>>
          tpu.wait_dma2 semaphore(%run_scoped3A : memref<!tpu.dma_semaphore, #tpu.memory_space<semaphore_mem>>) src(%dma_wait3A_151 : memref<64x16xf32, #tpu.memory_space<vmem>>) dst(%dma_wait3A_148 : memref<64x16xf32, #tpu.memory_space<vmem_shared>>)
          tpu.yield
        }) : () -> ()
        "tpu.region"() ({
          %run_scoped3A = tpu.sem_alloc : memref<!tpu.dma_semaphore, #tpu.memory_space<semaphore_mem>>
          %dma_start3A_129 = arith.constant 0 : i32
          %dma_start3A_130 = arith.constant 0 : i32
          %dma_start3A_131 = tpu.memref_slice %arg16[%dma_start3A_129, %dma_start3A_130] : memref<64x64xf32, #tpu.memory_space<vmem>> -> memref<64x16xf32, #tpu.memory_space<vmem>>
          %dma_start3A_132 = arith.constant 128 : i32
          %dma_start3A_133 = arith.constant 0 : i32
          %dma_start3A_134 = tpu.memref_slice %arg9[%dma_start3A_132, %dma_start3A_133] : memref<640x16xf32, #tpu.memory_space<vmem_shared>> -> memref<64x16xf32, #tpu.memory_space<vmem_shared>>
          %dma_start3A_135 = arith.constant 128 : i32
          %dma_start3A_136 = arith.constant 0 : i32
          %dma_start3A_137 = tpu.memref_slice %arg9[%dma_start3A_135, %dma_start3A_136] : memref<640x16xf32, #tpu.memory_space<vmem_shared>> -> memref<64x16xf32, #tpu.memory_space<vmem_shared>>
          %dma_start3A_138 = arith.constant 0 : i32
          %dma_start3A_139 = arith.constant 0 : i32
          %dma_start3A_140 = tpu.memref_slice %arg16[%dma_start3A_138, %dma_start3A_139] : memref<64x64xf32, #tpu.memory_space<vmem>> -> memref<64x16xf32, #tpu.memory_space<vmem>>
          tpu.enqueue_dma source(%dma_start3A_140 : memref<64x16xf32, #tpu.memory_space<vmem>>) target(%dma_start3A_137 : memref<64x16xf32, #tpu.memory_space<vmem_shared>>) target_semaphore(%run_scoped3A : memref<!tpu.dma_semaphore, #tpu.memory_space<semaphore_mem>>)
          %dma_wait3A = arith.constant 0 : i32
          %dma_wait3A_141 = arith.constant 0 : i32
          %dma_wait3A_142 = tpu.memref_slice %arg16[%dma_wait3A, %dma_wait3A_141] : memref<64x64xf32, #tpu.memory_space<vmem>> -> memref<64x16xf32, #tpu.memory_space<vmem>>
          %dma_wait3A_143 = arith.constant 128 : i32
          %dma_wait3A_144 = arith.constant 0 : i32
          %dma_wait3A_145 = tpu.memref_slice %arg9[%dma_wait3A_143, %dma_wait3A_144] : memref<640x16xf32, #tpu.memory_space<vmem_shared>> -> memref<64x16xf32, #tpu.memory_space<vmem_shared>>
          %dma_wait3A_146 = arith.constant 128 : i32
          %dma_wait3A_147 = arith.constant 0 : i32
          %dma_wait3A_148 = tpu.memref_slice %arg9[%dma_wait3A_146, %dma_wait3A_147] : memref<640x16xf32, #tpu.memory_space<vmem_shared>> -> memref<64x16xf32, #tpu.memory_space<vmem_shared>>
          %dma_wait3A_149 = arith.constant 0 : i32
          %dma_wait3A_150 = arith.constant 0 : i32
          %dma_wait3A_151 = tpu.memref_slice %arg16[%dma_wait3A_149, %dma_wait3A_150] : memref<64x64xf32, #tpu.memory_space<vmem>> -> memref<64x16xf32, #tpu.memory_space<vmem>>
          tpu.wait_dma2 semaphore(%run_scoped3A : memref<!tpu.dma_semaphore, #tpu.memory_space<semaphore_mem>>) src(%dma_wait3A_151 : memref<64x16xf32, #tpu.memory_space<vmem>>) dst(%dma_wait3A_148 : memref<64x16xf32, #tpu.memory_space<vmem_shared>>)
          tpu.yield
        }) : () -> ()
        "tpu.region"() ({
          %run_scoped3A = tpu.sem_alloc : memref<!tpu.dma_semaphore, #tpu.memory_space<semaphore_mem>>
          %dma_start3A_129 = arith.constant 0 : i32
          %dma_start3A_130 = arith.constant 0 : i32
          %dma_start3A_131 = tpu.memref_slice %arg16[%dma_start3A_129, %dma_start3A_130] : memref<64x64xf32, #tpu.memory_space<vmem>> -> memref<64x16xf32, #tpu.memory_space<vmem>>
          %dma_start3A_132 = arith.constant 192 : i32
          %dma_start3A_133 = arith.constant 0 : i32
          %dma_start3A_134 = tpu.memref_slice %arg9[%dma_start3A_132, %dma_start3A_133] : memref<640x16xf32, #tpu.memory_space<vmem_shared>> -> memref<64x16xf32, #tpu.memory_space<vmem_shared>>
          %dma_start3A_135 = arith.constant 192 : i32
          %dma_start3A_136 = arith.constant 0 : i32
          %dma_start3A_137 = tpu.memref_slice %arg9[%dma_start3A_135, %dma_start3A_136] : memref<640x16xf32, #tpu.memory_space<vmem_shared>> -> memref<64x16xf32, #tpu.memory_space<vmem_shared>>
          %dma_start3A_138 = arith.constant 0 : i32
          %dma_start3A_139 = arith.constant 0 : i32
          %dma_start3A_140 = tpu.memref_slice %arg16[%dma_start3A_138, %dma_start3A_139] : memref<64x64xf32, #tpu.memory_space<vmem>> -> memref<64x16xf32, #tpu.memory_space<vmem>>
          tpu.enqueue_dma source(%dma_start3A_140 : memref<64x16xf32, #tpu.memory_space<vmem>>) target(%dma_start3A_137 : memref<64x16xf32, #tpu.memory_space<vmem_shared>>) target_semaphore(%run_scoped3A : memref<!tpu.dma_semaphore, #tpu.memory_space<semaphore_mem>>)
          %dma_wait3A = arith.constant 0 : i32
          %dma_wait3A_141 = arith.constant 0 : i32
          %dma_wait3A_142 = tpu.memref_slice %arg16[%dma_wait3A, %dma_wait3A_141] : memref<64x64xf32, #tpu.memory_space<vmem>> -> memref<64x16xf32, #tpu.memory_space<vmem>>
          %dma_wait3A_143 = arith.constant 192 : i32
          %dma_wait3A_144 = arith.constant 0 : i32
          %dma_wait3A_145 = tpu.memref_slice %arg9[%dma_wait3A_143, %dma_wait3A_144] : memref<640x16xf32, #tpu.memory_space<vmem_shared>> -> memref<64x16xf32, #tpu.memory_space<vmem_shared>>
          %dma_wait3A_146 = arith.constant 192 : i32
          %dma_wait3A_147 = arith.constant 0 : i32
          %dma_wait3A_148 = tpu.memref_slice %arg9[%dma_wait3A_146, %dma_wait3A_147] : memref<640x16xf32, #tpu.memory_space<vmem_shared>> -> memref<64x16xf32, #tpu.memory_space<vmem_shared>>
          %dma_wait3A_149 = arith.constant 0 : i32
          %dma_wait3A_150 = arith.constant 0 : i32
          %dma_wait3A_151 = tpu.memref_slice %arg16[%dma_wait3A_149, %dma_wait3A_150] : memref<64x64xf32, #tpu.memory_space<vmem>> -> memref<64x16xf32, #tpu.memory_space<vmem>>
          tpu.wait_dma2 semaphore(%run_scoped3A : memref<!tpu.dma_semaphore, #tpu.memory_space<semaphore_mem>>) src(%dma_wait3A_151 : memref<64x16xf32, #tpu.memory_space<vmem>>) dst(%dma_wait3A_148 : memref<64x16xf32, #tpu.memory_space<vmem_shared>>)
          tpu.yield
        }) : () -> ()
        "tpu.region"() ({
          %run_scoped3A = tpu.sem_alloc : memref<!tpu.dma_semaphore, #tpu.memory_space<semaphore_mem>>
          %dma_start3A_129 = arith.constant 0 : i32
          %dma_start3A_130 = arith.constant 0 : i32
          %dma_start3A_131 = tpu.memref_slice %arg16[%dma_start3A_129, %dma_start3A_130] : memref<64x64xf32, #tpu.memory_space<vmem>> -> memref<64x16xf32, #tpu.memory_space<vmem>>
          %dma_start3A_132 = arith.constant 256 : i32
          %dma_start3A_133 = arith.constant 0 : i32
          %dma_start3A_134 = tpu.memref_slice %arg9[%dma_start3A_132, %dma_start3A_133] : memref<640x16xf32, #tpu.memory_space<vmem_shared>> -> memref<64x16xf32, #tpu.memory_space<vmem_shared>>
          %dma_start3A_135 = arith.constant 256 : i32
          %dma_start3A_136 = arith.constant 0 : i32
          %dma_start3A_137 = tpu.memref_slice %arg9[%dma_start3A_135, %dma_start3A_136] : memref<640x16xf32, #tpu.memory_space<vmem_shared>> -> memref<64x16xf32, #tpu.memory_space<vmem_shared>>
          %dma_start3A_138 = arith.constant 0 : i32
          %dma_start3A_139 = arith.constant 0 : i32
          %dma_start3A_140 = tpu.memref_slice %arg16[%dma_start3A_138, %dma_start3A_139] : memref<64x64xf32, #tpu.memory_space<vmem>> -> memref<64x16xf32, #tpu.memory_space<vmem>>
          tpu.enqueue_dma source(%dma_start3A_140 : memref<64x16xf32, #tpu.memory_space<vmem>>) target(%dma_start3A_137 : memref<64x16xf32, #tpu.memory_space<vmem_shared>>) target_semaphore(%run_scoped3A : memref<!tpu.dma_semaphore, #tpu.memory_space<semaphore_mem>>)
          %dma_wait3A = arith.constant 0 : i32
          %dma_wait3A_141 = arith.constant 0 : i32
          %dma_wait3A_142 = tpu.memref_slice %arg16[%dma_wait3A, %dma_wait3A_141] : memref<64x64xf32, #tpu.memory_space<vmem>> -> memref<64x16xf32, #tpu.memory_space<vmem>>
          %dma_wait3A_143 = arith.constant 256 : i32
          %dma_wait3A_144 = arith.constant 0 : i32
          %dma_wait3A_145 = tpu.memref_slice %arg9[%dma_wait3A_143, %dma_wait3A_144] : memref<640x16xf32, #tpu.memory_space<vmem_shared>> -> memref<64x16xf32, #tpu.memory_space<vmem_shared>>
          %dma_wait3A_146 = arith.constant 256 : i32
          %dma_wait3A_147 = arith.constant 0 : i32
          %dma_wait3A_148 = tpu.memref_slice %arg9[%dma_wait3A_146, %dma_wait3A_147] : memref<640x16xf32, #tpu.memory_space<vmem_shared>> -> memref<64x16xf32, #tpu.memory_space<vmem_shared>>
          %dma_wait3A_149 = arith.constant 0 : i32
          %dma_wait3A_150 = arith.constant 0 : i32
          %dma_wait3A_151 = tpu.memref_slice %arg16[%dma_wait3A_149, %dma_wait3A_150] : memref<64x64xf32, #tpu.memory_space<vmem>> -> memref<64x16xf32, #tpu.memory_space<vmem>>
          tpu.wait_dma2 semaphore(%run_scoped3A : memref<!tpu.dma_semaphore, #tpu.memory_space<semaphore_mem>>) src(%dma_wait3A_151 : memref<64x16xf32, #tpu.memory_space<vmem>>) dst(%dma_wait3A_148 : memref<64x16xf32, #tpu.memory_space<vmem_shared>>)
          tpu.yield
        }) : () -> ()
        "tpu.region"() ({
          %run_scoped3A = tpu.sem_alloc : memref<!tpu.dma_semaphore, #tpu.memory_space<semaphore_mem>>
          %dma_start3A_129 = arith.constant 0 : i32
          %dma_start3A_130 = arith.constant 0 : i32
          %dma_start3A_131 = tpu.memref_slice %arg16[%dma_start3A_129, %dma_start3A_130] : memref<64x64xf32, #tpu.memory_space<vmem>> -> memref<64x16xf32, #tpu.memory_space<vmem>>
          %dma_start3A_132 = arith.constant 320 : i32
          %dma_start3A_133 = arith.constant 0 : i32
          %dma_start3A_134 = tpu.memref_slice %arg9[%dma_start3A_132, %dma_start3A_133] : memref<640x16xf32, #tpu.memory_space<vmem_shared>> -> memref<64x16xf32, #tpu.memory_space<vmem_shared>>
          %dma_start3A_135 = arith.constant 320 : i32
          %dma_start3A_136 = arith.constant 0 : i32
          %dma_start3A_137 = tpu.memref_slice %arg9[%dma_start3A_135, %dma_start3A_136] : memref<640x16xf32, #tpu.memory_space<vmem_shared>> -> memref<64x16xf32, #tpu.memory_space<vmem_shared>>
          %dma_start3A_138 = arith.constant 0 : i32
          %dma_start3A_139 = arith.constant 0 : i32
          %dma_start3A_140 = tpu.memref_slice %arg16[%dma_start3A_138, %dma_start3A_139] : memref<64x64xf32, #tpu.memory_space<vmem>> -> memref<64x16xf32, #tpu.memory_space<vmem>>
          tpu.enqueue_dma source(%dma_start3A_140 : memref<64x16xf32, #tpu.memory_space<vmem>>) target(%dma_start3A_137 : memref<64x16xf32, #tpu.memory_space<vmem_shared>>) target_semaphore(%run_scoped3A : memref<!tpu.dma_semaphore, #tpu.memory_space<semaphore_mem>>)
          %dma_wait3A = arith.constant 0 : i32
          %dma_wait3A_141 = arith.constant 0 : i32
          %dma_wait3A_142 = tpu.memref_slice %arg16[%dma_wait3A, %dma_wait3A_141] : memref<64x64xf32, #tpu.memory_space<vmem>> -> memref<64x16xf32, #tpu.memory_space<vmem>>
          %dma_wait3A_143 = arith.constant 320 : i32
          %dma_wait3A_144 = arith.constant 0 : i32
          %dma_wait3A_145 = tpu.memref_slice %arg9[%dma_wait3A_143, %dma_wait3A_144] : memref<640x16xf32, #tpu.memory_space<vmem_shared>> -> memref<64x16xf32, #tpu.memory_space<vmem_shared>>
          %dma_wait3A_146 = arith.constant 320 : i32
          %dma_wait3A_147 = arith.constant 0 : i32
          %dma_wait3A_148 = tpu.memref_slice %arg9[%dma_wait3A_146, %dma_wait3A_147] : memref<640x16xf32, #tpu.memory_space<vmem_shared>> -> memref<64x16xf32, #tpu.memory_space<vmem_shared>>
          %dma_wait3A_149 = arith.constant 0 : i32
          %dma_wait3A_150 = arith.constant 0 : i32
          %dma_wait3A_151 = tpu.memref_slice %arg16[%dma_wait3A_149, %dma_wait3A_150] : memref<64x64xf32, #tpu.memory_space<vmem>> -> memref<64x16xf32, #tpu.memory_space<vmem>>
          tpu.wait_dma2 semaphore(%run_scoped3A : memref<!tpu.dma_semaphore, #tpu.memory_space<semaphore_mem>>) src(%dma_wait3A_151 : memref<64x16xf32, #tpu.memory_space<vmem>>) dst(%dma_wait3A_148 : memref<64x16xf32, #tpu.memory_space<vmem_shared>>)
          tpu.yield
        }) : () -> ()
        "tpu.region"() ({
          %run_scoped3A = tpu.sem_alloc : memref<!tpu.dma_semaphore, #tpu.memory_space<semaphore_mem>>
          %dma_start3A_129 = arith.constant 0 : i32
          %dma_start3A_130 = arith.constant 0 : i32
          %dma_start3A_131 = tpu.memref_slice %arg16[%dma_start3A_129, %dma_start3A_130] : memref<64x64xf32, #tpu.memory_space<vmem>> -> memref<64x16xf32, #tpu.memory_space<vmem>>
          %dma_start3A_132 = arith.constant 384 : i32
          %dma_start3A_133 = arith.constant 0 : i32
          %dma_start3A_134 = tpu.memref_slice %arg9[%dma_start3A_132, %dma_start3A_133] : memref<640x16xf32, #tpu.memory_space<vmem_shared>> -> memref<64x16xf32, #tpu.memory_space<vmem_shared>>
          %dma_start3A_135 = arith.constant 384 : i32
          %dma_start3A_136 = arith.constant 0 : i32
          %dma_start3A_137 = tpu.memref_slice %arg9[%dma_start3A_135, %dma_start3A_136] : memref<640x16xf32, #tpu.memory_space<vmem_shared>> -> memref<64x16xf32, #tpu.memory_space<vmem_shared>>
          %dma_start3A_138 = arith.constant 0 : i32
          %dma_start3A_139 = arith.constant 0 : i32
          %dma_start3A_140 = tpu.memref_slice %arg16[%dma_start3A_138, %dma_start3A_139] : memref<64x64xf32, #tpu.memory_space<vmem>> -> memref<64x16xf32, #tpu.memory_space<vmem>>
          tpu.enqueue_dma source(%dma_start3A_140 : memref<64x16xf32, #tpu.memory_space<vmem>>) target(%dma_start3A_137 : memref<64x16xf32, #tpu.memory_space<vmem_shared>>) target_semaphore(%run_scoped3A : memref<!tpu.dma_semaphore, #tpu.memory_space<semaphore_mem>>)
          %dma_wait3A = arith.constant 0 : i32
          %dma_wait3A_141 = arith.constant 0 : i32
          %dma_wait3A_142 = tpu.memref_slice %arg16[%dma_wait3A, %dma_wait3A_141] : memref<64x64xf32, #tpu.memory_space<vmem>> -> memref<64x16xf32, #tpu.memory_space<vmem>>
          %dma_wait3A_143 = arith.constant 384 : i32
          %dma_wait3A_144 = arith.constant 0 : i32
          %dma_wait3A_145 = tpu.memref_slice %arg9[%dma_wait3A_143, %dma_wait3A_144] : memref<640x16xf32, #tpu.memory_space<vmem_shared>> -> memref<64x16xf32, #tpu.memory_space<vmem_shared>>
          %dma_wait3A_146 = arith.constant 384 : i32
          %dma_wait3A_147 = arith.constant 0 : i32
          %dma_wait3A_148 = tpu.memref_slice %arg9[%dma_wait3A_146, %dma_wait3A_147] : memref<640x16xf32, #tpu.memory_space<vmem_shared>> -> memref<64x16xf32, #tpu.memory_space<vmem_shared>>
          %dma_wait3A_149 = arith.constant 0 : i32
          %dma_wait3A_150 = arith.constant 0 : i32
          %dma_wait3A_151 = tpu.memref_slice %arg16[%dma_wait3A_149, %dma_wait3A_150] : memref<64x64xf32, #tpu.memory_space<vmem>> -> memref<64x16xf32, #tpu.memory_space<vmem>>
          tpu.wait_dma2 semaphore(%run_scoped3A : memref<!tpu.dma_semaphore, #tpu.memory_space<semaphore_mem>>) src(%dma_wait3A_151 : memref<64x16xf32, #tpu.memory_space<vmem>>) dst(%dma_wait3A_148 : memref<64x16xf32, #tpu.memory_space<vmem_shared>>)
          tpu.yield
        }) : () -> ()
        "tpu.region"() ({
          %run_scoped3A = tpu.sem_alloc : memref<!tpu.dma_semaphore, #tpu.memory_space<semaphore_mem>>
          %dma_start3A_129 = arith.constant 0 : i32
          %dma_start3A_130 = arith.constant 0 : i32
          %dma_start3A_131 = tpu.memref_slice %arg16[%dma_start3A_129, %dma_start3A_130] : memref<64x64xf32, #tpu.memory_space<vmem>> -> memref<64x16xf32, #tpu.memory_space<vmem>>
          %dma_start3A_132 = arith.constant 448 : i32
          %dma_start3A_133 = arith.constant 0 : i32
          %dma_start3A_134 = tpu.memref_slice %arg9[%dma_start3A_132, %dma_start3A_133] : memref<640x16xf32, #tpu.memory_space<vmem_shared>> -> memref<64x16xf32, #tpu.memory_space<vmem_shared>>
          %dma_start3A_135 = arith.constant 448 : i32
          %dma_start3A_136 = arith.constant 0 : i32
          %dma_start3A_137 = tpu.memref_slice %arg9[%dma_start3A_135, %dma_start3A_136] : memref<640x16xf32, #tpu.memory_space<vmem_shared>> -> memref<64x16xf32, #tpu.memory_space<vmem_shared>>
          %dma_start3A_138 = arith.constant 0 : i32
          %dma_start3A_139 = arith.constant 0 : i32
          %dma_start3A_140 = tpu.memref_slice %arg16[%dma_start3A_138, %dma_start3A_139] : memref<64x64xf32, #tpu.memory_space<vmem>> -> memref<64x16xf32, #tpu.memory_space<vmem>>
          tpu.enqueue_dma source(%dma_start3A_140 : memref<64x16xf32, #tpu.memory_space<vmem>>) target(%dma_start3A_137 : memref<64x16xf32, #tpu.memory_space<vmem_shared>>) target_semaphore(%run_scoped3A : memref<!tpu.dma_semaphore, #tpu.memory_space<semaphore_mem>>)
          %dma_wait3A = arith.constant 0 : i32
          %dma_wait3A_141 = arith.constant 0 : i32
          %dma_wait3A_142 = tpu.memref_slice %arg16[%dma_wait3A, %dma_wait3A_141] : memref<64x64xf32, #tpu.memory_space<vmem>> -> memref<64x16xf32, #tpu.memory_space<vmem>>
          %dma_wait3A_143 = arith.constant 448 : i32
          %dma_wait3A_144 = arith.constant 0 : i32
          %dma_wait3A_145 = tpu.memref_slice %arg9[%dma_wait3A_143, %dma_wait3A_144] : memref<640x16xf32, #tpu.memory_space<vmem_shared>> -> memref<64x16xf32, #tpu.memory_space<vmem_shared>>
          %dma_wait3A_146 = arith.constant 448 : i32
          %dma_wait3A_147 = arith.constant 0 : i32
          %dma_wait3A_148 = tpu.memref_slice %arg9[%dma_wait3A_146, %dma_wait3A_147] : memref<640x16xf32, #tpu.memory_space<vmem_shared>> -> memref<64x16xf32, #tpu.memory_space<vmem_shared>>
          %dma_wait3A_149 = arith.constant 0 : i32
          %dma_wait3A_150 = arith.constant 0 : i32
          %dma_wait3A_151 = tpu.memref_slice %arg16[%dma_wait3A_149, %dma_wait3A_150] : memref<64x64xf32, #tpu.memory_space<vmem>> -> memref<64x16xf32, #tpu.memory_space<vmem>>
          tpu.wait_dma2 semaphore(%run_scoped3A : memref<!tpu.dma_semaphore, #tpu.memory_space<semaphore_mem>>) src(%dma_wait3A_151 : memref<64x16xf32, #tpu.memory_space<vmem>>) dst(%dma_wait3A_148 : memref<64x16xf32, #tpu.memory_space<vmem_shared>>)
          tpu.yield
        }) : () -> ()
        "tpu.region"() ({
          %run_scoped3A = tpu.sem_alloc : memref<!tpu.dma_semaphore, #tpu.memory_space<semaphore_mem>>
          %dma_start3A_129 = arith.constant 0 : i32
          %dma_start3A_130 = arith.constant 0 : i32
          %dma_start3A_131 = tpu.memref_slice %arg16[%dma_start3A_129, %dma_start3A_130] : memref<64x64xf32, #tpu.memory_space<vmem>> -> memref<64x16xf32, #tpu.memory_space<vmem>>
          %dma_start3A_132 = arith.constant 512 : i32
          %dma_start3A_133 = arith.constant 0 : i32
          %dma_start3A_134 = tpu.memref_slice %arg9[%dma_start3A_132, %dma_start3A_133] : memref<640x16xf32, #tpu.memory_space<vmem_shared>> -> memref<64x16xf32, #tpu.memory_space<vmem_shared>>
          %dma_start3A_135 = arith.constant 512 : i32
          %dma_start3A_136 = arith.constant 0 : i32
          %dma_start3A_137 = tpu.memref_slice %arg9[%dma_start3A_135, %dma_start3A_136] : memref<640x16xf32, #tpu.memory_space<vmem_shared>> -> memref<64x16xf32, #tpu.memory_space<vmem_shared>>
          %dma_start3A_138 = arith.constant 0 : i32
          %dma_start3A_139 = arith.constant 0 : i32
          %dma_start3A_140 = tpu.memref_slice %arg16[%dma_start3A_138, %dma_start3A_139] : memref<64x64xf32, #tpu.memory_space<vmem>> -> memref<64x16xf32, #tpu.memory_space<vmem>>
          tpu.enqueue_dma source(%dma_start3A_140 : memref<64x16xf32, #tpu.memory_space<vmem>>) target(%dma_start3A_137 : memref<64x16xf32, #tpu.memory_space<vmem_shared>>) target_semaphore(%run_scoped3A : memref<!tpu.dma_semaphore, #tpu.memory_space<semaphore_mem>>)
          %dma_wait3A = arith.constant 0 : i32
          %dma_wait3A_141 = arith.constant 0 : i32
          %dma_wait3A_142 = tpu.memref_slice %arg16[%dma_wait3A, %dma_wait3A_141] : memref<64x64xf32, #tpu.memory_space<vmem>> -> memref<64x16xf32, #tpu.memory_space<vmem>>
          %dma_wait3A_143 = arith.constant 512 : i32
          %dma_wait3A_144 = arith.constant 0 : i32
          %dma_wait3A_145 = tpu.memref_slice %arg9[%dma_wait3A_143, %dma_wait3A_144] : memref<640x16xf32, #tpu.memory_space<vmem_shared>> -> memref<64x16xf32, #tpu.memory_space<vmem_shared>>
          %dma_wait3A_146 = arith.constant 512 : i32
          %dma_wait3A_147 = arith.constant 0 : i32
          %dma_wait3A_148 = tpu.memref_slice %arg9[%dma_wait3A_146, %dma_wait3A_147] : memref<640x16xf32, #tpu.memory_space<vmem_shared>> -> memref<64x16xf32, #tpu.memory_space<vmem_shared>>
          %dma_wait3A_149 = arith.constant 0 : i32
          %dma_wait3A_150 = arith.constant 0 : i32
          %dma_wait3A_151 = tpu.memref_slice %arg16[%dma_wait3A_149, %dma_wait3A_150] : memref<64x64xf32, #tpu.memory_space<vmem>> -> memref<64x16xf32, #tpu.memory_space<vmem>>
          tpu.wait_dma2 semaphore(%run_scoped3A : memref<!tpu.dma_semaphore, #tpu.memory_space<semaphore_mem>>) src(%dma_wait3A_151 : memref<64x16xf32, #tpu.memory_space<vmem>>) dst(%dma_wait3A_148 : memref<64x16xf32, #tpu.memory_space<vmem_shared>>)
          tpu.yield
        }) : () -> ()
        "tpu.region"() ({
          %run_scoped3A = tpu.sem_alloc : memref<!tpu.dma_semaphore, #tpu.memory_space<semaphore_mem>>
          %dma_start3A_129 = arith.constant 0 : i32
          %dma_start3A_130 = arith.constant 0 : i32
          %dma_start3A_131 = tpu.memref_slice %arg16[%dma_start3A_129, %dma_start3A_130] : memref<64x64xf32, #tpu.memory_space<vmem>> -> memref<64x16xf32, #tpu.memory_space<vmem>>
          %dma_start3A_132 = arith.constant 576 : i32
          %dma_start3A_133 = arith.constant 0 : i32
          %dma_start3A_134 = tpu.memref_slice %arg9[%dma_start3A_132, %dma_start3A_133] : memref<640x16xf32, #tpu.memory_space<vmem_shared>> -> memref<64x16xf32, #tpu.memory_space<vmem_shared>>
          %dma_start3A_135 = arith.constant 576 : i32
          %dma_start3A_136 = arith.constant 0 : i32
          %dma_start3A_137 = tpu.memref_slice %arg9[%dma_start3A_135, %dma_start3A_136] : memref<640x16xf32, #tpu.memory_space<vmem_shared>> -> memref<64x16xf32, #tpu.memory_space<vmem_shared>>
          %dma_start3A_138 = arith.constant 0 : i32
          %dma_start3A_139 = arith.constant 0 : i32
          %dma_start3A_140 = tpu.memref_slice %arg16[%dma_start3A_138, %dma_start3A_139] : memref<64x64xf32, #tpu.memory_space<vmem>> -> memref<64x16xf32, #tpu.memory_space<vmem>>
          tpu.enqueue_dma source(%dma_start3A_140 : memref<64x16xf32, #tpu.memory_space<vmem>>) target(%dma_start3A_137 : memref<64x16xf32, #tpu.memory_space<vmem_shared>>) target_semaphore(%run_scoped3A : memref<!tpu.dma_semaphore, #tpu.memory_space<semaphore_mem>>)
          %dma_wait3A = arith.constant 0 : i32
          %dma_wait3A_141 = arith.constant 0 : i32
          %dma_wait3A_142 = tpu.memref_slice %arg16[%dma_wait3A, %dma_wait3A_141] : memref<64x64xf32, #tpu.memory_space<vmem>> -> memref<64x16xf32, #tpu.memory_space<vmem>>
          %dma_wait3A_143 = arith.constant 576 : i32
          %dma_wait3A_144 = arith.constant 0 : i32
          %dma_wait3A_145 = tpu.memref_slice %arg9[%dma_wait3A_143, %dma_wait3A_144] : memref<640x16xf32, #tpu.memory_space<vmem_shared>> -> memref<64x16xf32, #tpu.memory_space<vmem_shared>>
          %dma_wait3A_146 = arith.constant 576 : i32
          %dma_wait3A_147 = arith.constant 0 : i32
          %dma_wait3A_148 = tpu.memref_slice %arg9[%dma_wait3A_146, %dma_wait3A_147] : memref<640x16xf32, #tpu.memory_space<vmem_shared>> -> memref<64x16xf32, #tpu.memory_space<vmem_shared>>
          %dma_wait3A_149 = arith.constant 0 : i32
          %dma_wait3A_150 = arith.constant 0 : i32
          %dma_wait3A_151 = tpu.memref_slice %arg16[%dma_wait3A_149, %dma_wait3A_150] : memref<64x64xf32, #tpu.memory_space<vmem>> -> memref<64x16xf32, #tpu.memory_space<vmem>>
          tpu.wait_dma2 semaphore(%run_scoped3A : memref<!tpu.dma_semaphore, #tpu.memory_space<semaphore_mem>>) src(%dma_wait3A_151 : memref<64x16xf32, #tpu.memory_space<vmem>>) dst(%dma_wait3A_148 : memref<64x16xf32, #tpu.memory_space<vmem_shared>>)
          tpu.yield
        }) : () -> ()
      } else {
      }
    } else {
    }
    %barrier3A = arith.constant 0 : index
    tpu.barrier barrier_id(%barrier3A)
    %broadcast_in_dim3A_90 = arith.constant 1.000000e+00 : f32
    %broadcast_in_dim3A_91 = vector.broadcast %broadcast_in_dim3A_90 : f32 to vector<16xf32>
    %scan3A_92 = arith.constant 0 : i32
    %scan3A_93 = arith.constant 78 : i32
    %scan3A_94 = arith.addi %scan3A_92, %scan3A_93 : i32
    %scan3A_95 = arith.constant 1 : i32
    scf.for %scan3A_114 = %scan3A_92 to %scan3A_94 step %scan3A_95  : i32 {
      %mul3A_115 = arith.constant 2 : i32
      %mul3A_116 = arith.muli %scan3A_114, %mul3A_115 : i32
      %add3A_117 = arith.constant 0 : i32
      %add3A_118 = arith.addi %add3A_117, %mul3A_116 : i32
      %add3A_119 = arith.constant 0 : i32
      %add3A_120 = arith.addi %add3A_118, %add3A_119 : i32
      %mul3A_121 = arith.constant 128 : i32
      %mul3A_122 = arith.muli %arg1, %mul3A_121 : i32
      %dma_wait3A = tpu.memref_slice %arg2[%mul3A_122, %mul3A_0] : memref<320000x128xf32, #tpu.memory_space<hbm>> -> memref<128x64xf32, #tpu.memory_space<hbm>>
      %dma_wait3A_123 = tpu.memref_slice %arg2[%mul3A_122, %mul3A_0] : memref<320000x128xf32, #tpu.memory_space<hbm>> -> memref<128x64xf32, #tpu.memory_space<hbm>>
      tpu.wait_dma2 semaphore(%arg18 : memref<!tpu.dma_semaphore, #tpu.memory_space<semaphore_mem>>) src(%dma_wait3A_123 : memref<128x64xf32, #tpu.memory_space<hbm>>) dst(%arg10 : memref<128x64xf32, #tpu.memory_space<vmem>>)
      %dma_wait3A_124 = arith.constant 0 : i32
      %dma_wait3A_125 = arith.constant 0 : i32
      %dma_wait3A_126 = tpu.memref_slice %arg14[%dma_wait3A_124, %dma_wait3A_125] : memref<2x128xi32, #tpu.memory_space<vmem>> -> memref<1x128xi32, #tpu.memory_space<vmem>>
      %dma_wait3A_127 = tpu.memref_squeeze %dma_wait3A_126 : memref<1x128xi32, #tpu.memory_space<vmem>> -> memref<128xi32, #tpu.memory_space<vmem>>
      %dma_wait3A_128 = arith.constant 0 : i32
      %dma_wait3A_129 = tpu.memref_slice %arg3[%arg1, %dma_wait3A_128] : memref<2500x128xi32, #tpu.memory_space<hbm>> -> memref<1x128xi32, #tpu.memory_space<hbm>>
      %dma_wait3A_130 = tpu.memref_squeeze %dma_wait3A_129 : memref<1x128xi32, #tpu.memory_space<hbm>> -> memref<128xi32, #tpu.memory_space<hbm>>
      %dma_wait3A_131 = arith.constant 0 : i32
      %dma_wait3A_132 = tpu.memref_slice %arg14[%dma_wait3A_124, %dma_wait3A_131] : memref<2x128xi32, #tpu.memory_space<vmem>> -> memref<1x128xi32, #tpu.memory_space<vmem>>
      %dma_wait3A_133 = tpu.memref_squeeze %dma_wait3A_132 : memref<1x128xi32, #tpu.memory_space<vmem>> -> memref<128xi32, #tpu.memory_space<vmem>>
      %dma_wait3A_134 = arith.constant 0 : i32
      %dma_wait3A_135 = tpu.memref_slice %arg3[%arg1, %dma_wait3A_134] : memref<2500x128xi32, #tpu.memory_space<hbm>> -> memref<1x128xi32, #tpu.memory_space<hbm>>
      %dma_wait3A_136 = tpu.memref_squeeze %dma_wait3A_135 : memref<1x128xi32, #tpu.memory_space<hbm>> -> memref<128xi32, #tpu.memory_space<hbm>>
      tpu.wait_dma2 semaphore(%arg18 : memref<!tpu.dma_semaphore, #tpu.memory_space<semaphore_mem>>) src(%dma_wait3A_136 : memref<128xi32, #tpu.memory_space<hbm>>) dst(%dma_wait3A_133 : memref<128xi32, #tpu.memory_space<vmem>>)
      %dma_start3A_137 = arith.constant 0 : i32
      %dma_start3A_138 = arith.constant 0 : i32
      %dma_start3A_139 = tpu.memref_slice %arg14[%dma_start3A_137, %dma_start3A_138] : memref<2x128xi32, #tpu.memory_space<vmem>> -> memref<1x128xi32, #tpu.memory_space<vmem>>
      %dma_start3A_140 = tpu.memref_squeeze %dma_start3A_139 : memref<1x128xi32, #tpu.memory_space<vmem>> -> memref<128xi32, #tpu.memory_space<vmem>>
      %dma_start3A_141 = arith.constant 0 : i32
      %dma_start3A_142 = arith.constant 0 : i32
      %dma_start3A_143 = tpu.memref_slice %arg7[%dma_start3A_141, %dma_start3A_142] : memref<10000x64xf32, #tpu.memory_space<vmem_shared>> -> memref<10000x64xf32, #tpu.memory_space<vmem_shared>>
      tpu.enqueue_indirect_dma source(%arg10 : memref<128x64xf32, #tpu.memory_space<vmem>>) target(%dma_start3A_143 : memref<10000x64xf32, #tpu.memory_space<vmem_shared>>) offsets(%dma_start3A_140 : memref<128xi32, #tpu.memory_space<vmem>>) semaphore(%arg20 : memref<!tpu.dma_semaphore, #tpu.memory_space<semaphore_mem>>) {add = true}
      %scan3A_144 = arith.constant 0 : i32
      %scan3A_145 = arith.constant 32 : i32
      %scan3A_146 = arith.addi %scan3A_144, %scan3A_145 : i32
      %scan3A_147 = arith.constant 1 : i32
      scf.for %scan3A_248 = %scan3A_144 to %scan3A_146 step %scan3A_147  : i32 {
        %mul3A_249 = arith.constant 4 : i32
        %mul3A_250 = arith.muli %scan3A_248, %mul3A_249 : i32
        %add3A_251 = arith.constant 0 : i32
        %add3A_252 = arith.addi %add3A_251, %mul3A_250 : i32
        %add3A_253 = arith.constant 0 : i32
        %add3A_254 = arith.addi %add3A_252, %add3A_253 : i32
        %get3A = arith.index_cast %add3A_254 : i32 to index
        %get3A_255 = arith.constant 0 : index
        %get3A_256 = tpu.vector_load %arg10[%get3A, %get3A_255] {strides = array<i32>} : memref<128x64xf32, #tpu.memory_space<vmem>>, vector<16xf32>,
        %mul3A_257 = arith.mulf %get3A_256, %get3A_256 : vector<16xf32>
        %add3A_258 = arith.constant 0 : i32
        %add3A_259 = arith.addi %add3A_252, %add3A_258 : i32
        %swap3A = arith.index_cast %add3A_259 : i32 to index
        %swap3A_260 = arith.constant 0 : index
        %swap3A_261 = tpu.vector_load %arg12[%swap3A, %swap3A_260] {strides = array<i32>} : memref<128x64xf32, #tpu.memory_space<vmem>>, vector<16xf32>,
        tpu.vector_store %arg12[%swap3A, %swap3A_260], %mul3A_257 {strides = array<i32>} : memref<128x64xf32, #tpu.memory_space<vmem>>, vector<16xf32>,
        %add3A_262 = arith.constant 0 : i32
        %add3A_263 = arith.addi %add3A_252, %add3A_262 : i32
        %get3A_264 = arith.index_cast %add3A_263 : i32 to index
        %get3A_265 = arith.constant 16 : index
        %get3A_266 = tpu.vector_load %arg10[%get3A_264, %get3A_265] {strides = array<i32>} : memref<128x64xf32, #tpu.memory_space<vmem>>, vector<16xf32>,
        %mul3A_267 = arith.mulf %get3A_266, %get3A_266 : vector<16xf32>
        %add3A_268 = arith.constant 0 : i32
        %add3A_269 = arith.addi %add3A_252, %add3A_268 : i32
        %swap3A_270 = arith.index_cast %add3A_269 : i32 to index
        %swap3A_271 = arith.constant 16 : index
        %swap3A_272 = tpu.vector_load %arg12[%swap3A_270, %swap3A_271] {strides = array<i32>} : memref<128x64xf32, #tpu.memory_space<vmem>>, vector<16xf32>,
        tpu.vector_store %arg12[%swap3A_270, %swap3A_271], %mul3A_267 {strides = array<i32>} : memref<128x64xf32, #tpu.memory_space<vmem>>, vector<16xf32>,
        %add3A_273 = arith.constant 0 : i32
        %add3A_274 = arith.addi %add3A_252, %add3A_273 : i32
        %get3A_275 = arith.index_cast %add3A_274 : i32 to index
        %get3A_276 = arith.constant 32 : index
        %get3A_277 = tpu.vector_load %arg10[%get3A_275, %get3A_276] {strides = array<i32>} : memref<128x64xf32, #tpu.memory_space<vmem>>, vector<16xf32>,
        %mul3A_278 = arith.mulf %get3A_277, %get3A_277 : vector<16xf32>
        %add3A_279 = arith.constant 0 : i32
        %add3A_280 = arith.addi %add3A_252, %add3A_279 : i32
        %swap3A_281 = arith.index_cast %add3A_280 : i32 to index
        %swap3A_282 = arith.constant 32 : index
        %swap3A_283 = tpu.vector_load %arg12[%swap3A_281, %swap3A_282] {strides = array<i32>} : memref<128x64xf32, #tpu.memory_space<vmem>>, vector<16xf32>,
        tpu.vector_store %arg12[%swap3A_281, %swap3A_282], %mul3A_278 {strides = array<i32>} : memref<128x64xf32, #tpu.memory_space<vmem>>, vector<16xf32>,
        %add3A_284 = arith.constant 0 : i32
        %add3A_285 = arith.addi %add3A_252, %add3A_284 : i32
        %get3A_286 = arith.index_cast %add3A_285 : i32 to index
        %get3A_287 = arith.constant 48 : index
        %get3A_288 = tpu.vector_load %arg10[%get3A_286, %get3A_287] {strides = array<i32>} : memref<128x64xf32, #tpu.memory_space<vmem>>, vector<16xf32>,
        %mul3A_289 = arith.mulf %get3A_288, %get3A_288 : vector<16xf32>
        %add3A_290 = arith.constant 0 : i32
        %add3A_291 = arith.addi %add3A_252, %add3A_290 : i32
        %swap3A_292 = arith.index_cast %add3A_291 : i32 to index
        %swap3A_293 = arith.constant 48 : index
        %swap3A_294 = tpu.vector_load %arg12[%swap3A_292, %swap3A_293] {strides = array<i32>} : memref<128x64xf32, #tpu.memory_space<vmem>>, vector<16xf32>,
        tpu.vector_store %arg12[%swap3A_292, %swap3A_293], %mul3A_289 {strides = array<i32>} : memref<128x64xf32, #tpu.memory_space<vmem>>, vector<16xf32>,
        %add3A_295 = arith.constant 1 : i32
        %add3A_296 = arith.addi %add3A_252, %add3A_295 : i32
        %get3A_297 = arith.index_cast %add3A_296 : i32 to index
        %get3A_298 = arith.constant 0 : index
        %get3A_299 = tpu.vector_load %arg10[%get3A_297, %get3A_298] {strides = array<i32>} : memref<128x64xf32, #tpu.memory_space<vmem>>, vector<16xf32>,
        %mul3A_300 = arith.mulf %get3A_299, %get3A_299 : vector<16xf32>
        %add3A_301 = arith.constant 1 : i32
        %add3A_302 = arith.addi %add3A_252, %add3A_301 : i32
        %swap3A_303 = arith.index_cast %add3A_302 : i32 to index
        %swap3A_304 = arith.constant 0 : index
        %swap3A_305 = tpu.vector_load %arg12[%swap3A_303, %swap3A_304] {strides = array<i32>} : memref<128x64xf32, #tpu.memory_space<vmem>>, vector<16xf32>,
        tpu.vector_store %arg12[%swap3A_303, %swap3A_304], %mul3A_300 {strides = array<i32>} : memref<128x64xf32, #tpu.memory_space<vmem>>, vector<16xf32>,
        %add3A_306 = arith.constant 1 : i32
        %add3A_307 = arith.addi %add3A_252, %add3A_306 : i32
        %get3A_308 = arith.index_cast %add3A_307 : i32 to index
        %get3A_309 = arith.constant 16 : index
        %get3A_310 = tpu.vector_load %arg10[%get3A_308, %get3A_309] {strides = array<i32>} : memref<128x64xf32, #tpu.memory_space<vmem>>, vector<16xf32>,
        %mul3A_311 = arith.mulf %get3A_310, %get3A_310 : vector<16xf32>
        %add3A_312 = arith.constant 1 : i32
        %add3A_313 = arith.addi %add3A_252, %add3A_312 : i32
        %swap3A_314 = arith.index_cast %add3A_313 : i32 to index
        %swap3A_315 = arith.constant 16 : index
        %swap3A_316 = tpu.vector_load %arg12[%swap3A_314, %swap3A_315] {strides = array<i32>} : memref<128x64xf32, #tpu.memory_space<vmem>>, vector<16xf32>,
        tpu.vector_store %arg12[%swap3A_314, %swap3A_315], %mul3A_311 {strides = array<i32>} : memref<128x64xf32, #tpu.memory_space<vmem>>, vector<16xf32>,
        %add3A_317 = arith.constant 1 : i32
        %add3A_318 = arith.addi %add3A_252, %add3A_317 : i32
        %get3A_319 = arith.index_cast %add3A_318 : i32 to index
        %get3A_320 = arith.constant 32 : index
        %get3A_321 = tpu.vector_load %arg10[%get3A_319, %get3A_320] {strides = array<i32>} : memref<128x64xf32, #tpu.memory_space<vmem>>, vector<16xf32>,
        %mul3A_322 = arith.mulf %get3A_321, %get3A_321 : vector<16xf32>
        %add3A_323 = arith.constant 1 : i32
        %add3A_324 = arith.addi %add3A_252, %add3A_323 : i32
        %swap3A_325 = arith.index_cast %add3A_324 : i32 to index
        %swap3A_326 = arith.constant 32 : index
        %swap3A_327 = tpu.vector_load %arg12[%swap3A_325, %swap3A_326] {strides = array<i32>} : memref<128x64xf32, #tpu.memory_space<vmem>>, vector<16xf32>,
        tpu.vector_store %arg12[%swap3A_325, %swap3A_326], %mul3A_322 {strides = array<i32>} : memref<128x64xf32, #tpu.memory_space<vmem>>, vector<16xf32>,
        %add3A_328 = arith.constant 1 : i32
        %add3A_329 = arith.addi %add3A_252, %add3A_328 : i32
        %get3A_330 = arith.index_cast %add3A_329 : i32 to index
        %get3A_331 = arith.constant 48 : index
        %get3A_332 = tpu.vector_load %arg10[%get3A_330, %get3A_331] {strides = array<i32>} : memref<128x64xf32, #tpu.memory_space<vmem>>, vector<16xf32>,
        %mul3A_333 = arith.mulf %get3A_332, %get3A_332 : vector<16xf32>
        %add3A_334 = arith.constant 1 : i32
        %add3A_335 = arith.addi %add3A_252, %add3A_334 : i32
        %swap3A_336 = arith.index_cast %add3A_335 : i32 to index
        %swap3A_337 = arith.constant 48 : index
        %swap3A_338 = tpu.vector_load %arg12[%swap3A_336, %swap3A_337] {strides = array<i32>} : memref<128x64xf32, #tpu.memory_space<vmem>>, vector<16xf32>,
        tpu.vector_store %arg12[%swap3A_336, %swap3A_337], %mul3A_333 {strides = array<i32>} : memref<128x64xf32, #tpu.memory_space<vmem>>, vector<16xf32>,
        %add3A_339 = arith.constant 2 : i32
        %add3A_340 = arith.addi %add3A_252, %add3A_339 : i32
        %get3A_341 = arith.index_cast %add3A_340 : i32 to index
        %get3A_342 = arith.constant 0 : index
        %get3A_343 = tpu.vector_load %arg10[%get3A_341, %get3A_342] {strides = array<i32>} : memref<128x64xf32, #tpu.memory_space<vmem>>, vector<16xf32>,
        %mul3A_344 = arith.mulf %get3A_343, %get3A_343 : vector<16xf32>
        %add3A_345 = arith.constant 2 : i32
        %add3A_346 = arith.addi %add3A_252, %add3A_345 : i32
        %swap3A_347 = arith.index_cast %add3A_346 : i32 to index
        %swap3A_348 = arith.constant 0 : index
        %swap3A_349 = tpu.vector_load %arg12[%swap3A_347, %swap3A_348] {strides = array<i32>} : memref<128x64xf32, #tpu.memory_space<vmem>>, vector<16xf32>,
        tpu.vector_store %arg12[%swap3A_347, %swap3A_348], %mul3A_344 {strides = array<i32>} : memref<128x64xf32, #tpu.memory_space<vmem>>, vector<16xf32>,
        %add3A_350 = arith.constant 2 : i32
        %add3A_351 = arith.addi %add3A_252, %add3A_350 : i32
        %get3A_352 = arith.index_cast %add3A_351 : i32 to index
        %get3A_353 = arith.constant 16 : index
        %get3A_354 = tpu.vector_load %arg10[%get3A_352, %get3A_353] {strides = array<i32>} : memref<128x64xf32, #tpu.memory_space<vmem>>, vector<16xf32>,
        %mul3A_355 = arith.mulf %get3A_354, %get3A_354 : vector<16xf32>
        %add3A_356 = arith.constant 2 : i32
        %add3A_357 = arith.addi %add3A_252, %add3A_356 : i32
        %swap3A_358 = arith.index_cast %add3A_357 : i32 to index
        %swap3A_359 = arith.constant 16 : index
        %swap3A_360 = tpu.vector_load %arg12[%swap3A_358, %swap3A_359] {strides = array<i32>} : memref<128x64xf32, #tpu.memory_space<vmem>>, vector<16xf32>,
        tpu.vector_store %arg12[%swap3A_358, %swap3A_359], %mul3A_355 {strides = array<i32>} : memref<128x64xf32, #tpu.memory_space<vmem>>, vector<16xf32>,
        %add3A_361 = arith.constant 2 : i32
        %add3A_362 = arith.addi %add3A_252, %add3A_361 : i32
        %get3A_363 = arith.index_cast %add3A_362 : i32 to index
        %get3A_364 = arith.constant 32 : index
        %get3A_365 = tpu.vector_load %arg10[%get3A_363, %get3A_364] {strides = array<i32>} : memref<128x64xf32, #tpu.memory_space<vmem>>, vector<16xf32>,
        %mul3A_366 = arith.mulf %get3A_365, %get3A_365 : vector<16xf32>
        %add3A_367 = arith.constant 2 : i32
        %add3A_368 = arith.addi %add3A_252, %add3A_367 : i32
        %swap3A_369 = arith.index_cast %add3A_368 : i32 to index
        %swap3A_370 = arith.constant 32 : index
        %swap3A_371 = tpu.vector_load %arg12[%swap3A_369, %swap3A_370] {strides = array<i32>} : memref<128x64xf32, #tpu.memory_space<vmem>>, vector<16xf32>,
        tpu.vector_store %arg12[%swap3A_369, %swap3A_370], %mul3A_366 {strides = array<i32>} : memref<128x64xf32, #tpu.memory_space<vmem>>, vector<16xf32>,
        %add3A_372 = arith.constant 2 : i32
        %add3A_373 = arith.addi %add3A_252, %add3A_372 : i32
        %get3A_374 = arith.index_cast %add3A_373 : i32 to index
        %get3A_375 = arith.constant 48 : index
        %get3A_376 = tpu.vector_load %arg10[%get3A_374, %get3A_375] {strides = array<i32>} : memref<128x64xf32, #tpu.memory_space<vmem>>, vector<16xf32>,
        %mul3A_377 = arith.mulf %get3A_376, %get3A_376 : vector<16xf32>
        %add3A_378 = arith.constant 2 : i32
        %add3A_379 = arith.addi %add3A_252, %add3A_378 : i32
        %swap3A_380 = arith.index_cast %add3A_379 : i32 to index
        %swap3A_381 = arith.constant 48 : index
        %swap3A_382 = tpu.vector_load %arg12[%swap3A_380, %swap3A_381] {strides = array<i32>} : memref<128x64xf32, #tpu.memory_space<vmem>>, vector<16xf32>,
        tpu.vector_store %arg12[%swap3A_380, %swap3A_381], %mul3A_377 {strides = array<i32>} : memref<128x64xf32, #tpu.memory_space<vmem>>, vector<16xf32>,
        %add3A_383 = arith.constant 3 : i32
        %add3A_384 = arith.addi %add3A_252, %add3A_383 : i32
        %get3A_385 = arith.index_cast %add3A_384 : i32 to index
        %get3A_386 = arith.constant 0 : index
        %get3A_387 = tpu.vector_load %arg10[%get3A_385, %get3A_386] {strides = array<i32>} : memref<128x64xf32, #tpu.memory_space<vmem>>, vector<16xf32>,
        %mul3A_388 = arith.mulf %get3A_387, %get3A_387 : vector<16xf32>
        %add3A_389 = arith.constant 3 : i32
        %add3A_390 = arith.addi %add3A_252, %add3A_389 : i32
        %swap3A_391 = arith.index_cast %add3A_390 : i32 to index
        %swap3A_392 = arith.constant 0 : index
        %swap3A_393 = tpu.vector_load %arg12[%swap3A_391, %swap3A_392] {strides = array<i32>} : memref<128x64xf32, #tpu.memory_space<vmem>>, vector<16xf32>,
        tpu.vector_store %arg12[%swap3A_391, %swap3A_392], %mul3A_388 {strides = array<i32>} : memref<128x64xf32, #tpu.memory_space<vmem>>, vector<16xf32>,
        %add3A_394 = arith.constant 3 : i32
        %add3A_395 = arith.addi %add3A_252, %add3A_394 : i32
        %get3A_396 = arith.index_cast %add3A_395 : i32 to index
        %get3A_397 = arith.constant 16 : index
        %get3A_398 = tpu.vector_load %arg10[%get3A_396, %get3A_397] {strides = array<i32>} : memref<128x64xf32, #tpu.memory_space<vmem>>, vector<16xf32>,
        %mul3A_399 = arith.mulf %get3A_398, %get3A_398 : vector<16xf32>
        %add3A_400 = arith.constant 3 : i32
        %add3A_401 = arith.addi %add3A_252, %add3A_400 : i32
        %swap3A_402 = arith.index_cast %add3A_401 : i32 to index
        %swap3A_403 = arith.constant 16 : index
        %swap3A_404 = tpu.vector_load %arg12[%swap3A_402, %swap3A_403] {strides = array<i32>} : memref<128x64xf32, #tpu.memory_space<vmem>>, vector<16xf32>,
        tpu.vector_store %arg12[%swap3A_402, %swap3A_403], %mul3A_399 {strides = array<i32>} : memref<128x64xf32, #tpu.memory_space<vmem>>, vector<16xf32>,
        %add3A_405 = arith.constant 3 : i32
        %add3A_406 = arith.addi %add3A_252, %add3A_405 : i32
        %get3A_407 = arith.index_cast %add3A_406 : i32 to index
        %get3A_408 = arith.constant 32 : index
        %get3A_409 = tpu.vector_load %arg10[%get3A_407, %get3A_408] {strides = array<i32>} : memref<128x64xf32, #tpu.memory_space<vmem>>, vector<16xf32>,
        %mul3A_410 = arith.mulf %get3A_409, %get3A_409 : vector<16xf32>
        %add3A_411 = arith.constant 3 : i32
        %add3A_412 = arith.addi %add3A_252, %add3A_411 : i32
        %swap3A_413 = arith.index_cast %add3A_412 : i32 to index
        %swap3A_414 = arith.constant 32 : index
        %swap3A_415 = tpu.vector_load %arg12[%swap3A_413, %swap3A_414] {strides = array<i32>} : memref<128x64xf32, #tpu.memory_space<vmem>>, vector<16xf32>,
        tpu.vector_store %arg12[%swap3A_413, %swap3A_414], %mul3A_410 {strides = array<i32>} : memref<128x64xf32, #tpu.memory_space<vmem>>, vector<16xf32>,
        %add3A_416 = arith.constant 3 : i32
        %add3A_417 = arith.addi %add3A_252, %add3A_416 : i32
        %get3A_418 = arith.index_cast %add3A_417 : i32 to index
        %get3A_419 = arith.constant 48 : index
        %get3A_420 = tpu.vector_load %arg10[%get3A_418, %get3A_419] {strides = array<i32>} : memref<128x64xf32, #tpu.memory_space<vmem>>, vector<16xf32>,
        %mul3A_421 = arith.mulf %get3A_420, %get3A_420 : vector<16xf32>
        %add3A_422 = arith.constant 3 : i32
        %add3A_423 = arith.addi %add3A_252, %add3A_422 : i32
        %swap3A_424 = arith.index_cast %add3A_423 : i32 to index
        %swap3A_425 = arith.constant 48 : index
        %swap3A_426 = tpu.vector_load %arg12[%swap3A_424, %swap3A_425] {strides = array<i32>} : memref<128x64xf32, #tpu.memory_space<vmem>>, vector<16xf32>,
        tpu.vector_store %arg12[%swap3A_424, %swap3A_425], %mul3A_421 {strides = array<i32>} : memref<128x64xf32, #tpu.memory_space<vmem>>, vector<16xf32>,
      }
      %scan3A_148 = arith.constant 32 : i32
      %dma_start3A_149 = arith.constant 0 : i32
      %dma_start3A_150 = arith.constant 0 : i32
      %dma_start3A_151 = tpu.memref_slice %arg14[%dma_start3A_149, %dma_start3A_150] : memref<2x128xi32, #tpu.memory_space<vmem>> -> memref<1x128xi32, #tpu.memory_space<vmem>>
      %dma_start3A_152 = tpu.memref_squeeze %dma_start3A_151 : memref<1x128xi32, #tpu.memory_space<vmem>> -> memref<128xi32, #tpu.memory_space<vmem>>
      %dma_start3A_153 = arith.constant 0 : i32
      %dma_start3A_154 = arith.constant 0 : i32
      %dma_start3A_155 = tpu.memref_slice %arg8[%dma_start3A_153, %dma_start3A_154] : memref<10000x64xf32, #tpu.memory_space<vmem_shared>> -> memref<10000x64xf32, #tpu.memory_space<vmem_shared>>
      tpu.enqueue_indirect_dma source(%arg12 : memref<128x64xf32, #tpu.memory_space<vmem>>) target(%dma_start3A_155 : memref<10000x64xf32, #tpu.memory_space<vmem_shared>>) offsets(%dma_start3A_152 : memref<128xi32, #tpu.memory_space<vmem>>) semaphore(%arg20 : memref<!tpu.dma_semaphore, #tpu.memory_space<semaphore_mem>>) {add = true}
      %eq3A_156 = arith.constant 0 : i32
      %eq3A_157 = arith.cmpi eq, %arg0, %eq3A_156 : i32
      %convert_element_type3A_158 = arith.extui %eq3A_157 : i1 to i32
      %cond3A_159 = arith.constant 0 : i32
      %cond3A_160 = arith.cmpi ne, %convert_element_type3A_158, %cond3A_159 : i32
      scf.if %cond3A_160 {
        %get3A = arith.constant 0 : i32
        %get3A_248 = arith.index_cast %get3A : i32 to index
        %get3A_249 = arith.constant 0 : index
        %get3A_250 = tpu.vector_load %arg14[%get3A_248, %get3A_249] {strides = array<i32>} : memref<2x128xi32, #tpu.memory_space<vmem>>, vector<16xi32>,
        %shift_right_arithmetic3A = arith.constant 4 : i32
        %shift_right_arithmetic3A_251 = vector.broadcast %shift_right_arithmetic3A : i32 to vector<16xi32>
        %shift_right_arithmetic3A_252 = arith.shrsi %get3A_250, %shift_right_arithmetic3A_251 : vector<16xi32>
        %and3A_253 = arith.constant 15 : i32
        %and3A_254 = vector.broadcast %and3A_253 : i32 to vector<16xi32>
        %and3A_255 = arith.andi %get3A_250, %and3A_254 : vector<16xi32>
        tpu.vector_store_idx %arg15[%shift_right_arithmetic3A_252, %and3A_255], %broadcast_in_dim3A_91 {add = true} : memref<640x16xf32, #tpu.memory_space<vmem>>[vector<16xi32>, vector<16xi32>], vector<16xf32>,
        %get3A_256 = arith.constant 0 : i32
        %get3A_257 = arith.index_cast %get3A_256 : i32 to index
        %get3A_258 = arith.constant 16 : index
        %get3A_259 = tpu.vector_load %arg14[%get3A_257, %get3A_258] {strides = array<i32>} : memref<2x128xi32, #tpu.memory_space<vmem>>, vector<16xi32>,
        %shift_right_arithmetic3A_260 = arith.constant 4 : i32
        %shift_right_arithmetic3A_261 = vector.broadcast %shift_right_arithmetic3A_260 : i32 to vector<16xi32>
        %shift_right_arithmetic3A_262 = arith.shrsi %get3A_259, %shift_right_arithmetic3A_261 : vector<16xi32>
        %and3A_263 = arith.constant 15 : i32
        %and3A_264 = vector.broadcast %and3A_263 : i32 to vector<16xi32>
        %and3A_265 = arith.andi %get3A_259, %and3A_264 : vector<16xi32>
        tpu.vector_store_idx %arg15[%shift_right_arithmetic3A_262, %and3A_265], %broadcast_in_dim3A_91 {add = true} : memref<640x16xf32, #tpu.memory_space<vmem>>[vector<16xi32>, vector<16xi32>], vector<16xf32>,
        %get3A_266 = arith.constant 0 : i32
        %get3A_267 = arith.index_cast %get3A_266 : i32 to index
        %get3A_268 = arith.constant 32 : index
        %get3A_269 = tpu.vector_load %arg14[%get3A_267, %get3A_268] {strides = array<i32>} : memref<2x128xi32, #tpu.memory_space<vmem>>, vector<16xi32>,
        %shift_right_arithmetic3A_270 = arith.constant 4 : i32
        %shift_right_arithmetic3A_271 = vector.broadcast %shift_right_arithmetic3A_270 : i32 to vector<16xi32>
        %shift_right_arithmetic3A_272 = arith.shrsi %get3A_269, %shift_right_arithmetic3A_271 : vector<16xi32>
        %and3A_273 = arith.constant 15 : i32
        %and3A_274 = vector.broadcast %and3A_273 : i32 to vector<16xi32>
        %and3A_275 = arith.andi %get3A_269, %and3A_274 : vector<16xi32>
        tpu.vector_store_idx %arg15[%shift_right_arithmetic3A_272, %and3A_275], %broadcast_in_dim3A_91 {add = true} : memref<640x16xf32, #tpu.memory_space<vmem>>[vector<16xi32>, vector<16xi32>], vector<16xf32>,
        %get3A_276 = arith.constant 0 : i32
        %get3A_277 = arith.index_cast %get3A_276 : i32 to index
        %get3A_278 = arith.constant 48 : index
        %get3A_279 = tpu.vector_load %arg14[%get3A_277, %get3A_278] {strides = array<i32>} : memref<2x128xi32, #tpu.memory_space<vmem>>, vector<16xi32>,
        %shift_right_arithmetic3A_280 = arith.constant 4 : i32
        %shift_right_arithmetic3A_281 = vector.broadcast %shift_right_arithmetic3A_280 : i32 to vector<16xi32>
        %shift_right_arithmetic3A_282 = arith.shrsi %get3A_279, %shift_right_arithmetic3A_281 : vector<16xi32>
        %and3A_283 = arith.constant 15 : i32
        %and3A_284 = vector.broadcast %and3A_283 : i32 to vector<16xi32>
        %and3A_285 = arith.andi %get3A_279, %and3A_284 : vector<16xi32>
        tpu.vector_store_idx %arg15[%shift_right_arithmetic3A_282, %and3A_285], %broadcast_in_dim3A_91 {add = true} : memref<640x16xf32, #tpu.memory_space<vmem>>[vector<16xi32>, vector<16xi32>], vector<16xf32>,
        %get3A_286 = arith.constant 0 : i32
        %get3A_287 = arith.index_cast %get3A_286 : i32 to index
        %get3A_288 = arith.constant 64 : index
        %get3A_289 = tpu.vector_load %arg14[%get3A_287, %get3A_288] {strides = array<i32>} : memref<2x128xi32, #tpu.memory_space<vmem>>, vector<16xi32>,
        %shift_right_arithmetic3A_290 = arith.constant 4 : i32
        %shift_right_arithmetic3A_291 = vector.broadcast %shift_right_arithmetic3A_290 : i32 to vector<16xi32>
        %shift_right_arithmetic3A_292 = arith.shrsi %get3A_289, %shift_right_arithmetic3A_291 : vector<16xi32>
        %and3A_293 = arith.constant 15 : i32
        %and3A_294 = vector.broadcast %and3A_293 : i32 to vector<16xi32>
        %and3A_295 = arith.andi %get3A_289, %and3A_294 : vector<16xi32>
        tpu.vector_store_idx %arg15[%shift_right_arithmetic3A_292, %and3A_295], %broadcast_in_dim3A_91 {add = true} : memref<640x16xf32, #tpu.memory_space<vmem>>[vector<16xi32>, vector<16xi32>], vector<16xf32>,
        %get3A_296 = arith.constant 0 : i32
        %get3A_297 = arith.index_cast %get3A_296 : i32 to index
        %get3A_298 = arith.constant 80 : index
        %get3A_299 = tpu.vector_load %arg14[%get3A_297, %get3A_298] {strides = array<i32>} : memref<2x128xi32, #tpu.memory_space<vmem>>, vector<16xi32>,
        %shift_right_arithmetic3A_300 = arith.constant 4 : i32
        %shift_right_arithmetic3A_301 = vector.broadcast %shift_right_arithmetic3A_300 : i32 to vector<16xi32>
        %shift_right_arithmetic3A_302 = arith.shrsi %get3A_299, %shift_right_arithmetic3A_301 : vector<16xi32>
        %and3A_303 = arith.constant 15 : i32
        %and3A_304 = vector.broadcast %and3A_303 : i32 to vector<16xi32>
        %and3A_305 = arith.andi %get3A_299, %and3A_304 : vector<16xi32>
        tpu.vector_store_idx %arg15[%shift_right_arithmetic3A_302, %and3A_305], %broadcast_in_dim3A_91 {add = true} : memref<640x16xf32, #tpu.memory_space<vmem>>[vector<16xi32>, vector<16xi32>], vector<16xf32>,
        %get3A_306 = arith.constant 0 : i32
        %get3A_307 = arith.index_cast %get3A_306 : i32 to index
        %get3A_308 = arith.constant 96 : index
        %get3A_309 = tpu.vector_load %arg14[%get3A_307, %get3A_308] {strides = array<i32>} : memref<2x128xi32, #tpu.memory_space<vmem>>, vector<16xi32>,
        %shift_right_arithmetic3A_310 = arith.constant 4 : i32
        %shift_right_arithmetic3A_311 = vector.broadcast %shift_right_arithmetic3A_310 : i32 to vector<16xi32>
        %shift_right_arithmetic3A_312 = arith.shrsi %get3A_309, %shift_right_arithmetic3A_311 : vector<16xi32>
        %and3A_313 = arith.constant 15 : i32
        %and3A_314 = vector.broadcast %and3A_313 : i32 to vector<16xi32>
        %and3A_315 = arith.andi %get3A_309, %and3A_314 : vector<16xi32>
        tpu.vector_store_idx %arg15[%shift_right_arithmetic3A_312, %and3A_315], %broadcast_in_dim3A_91 {add = true} : memref<640x16xf32, #tpu.memory_space<vmem>>[vector<16xi32>, vector<16xi32>], vector<16xf32>,
        %get3A_316 = arith.constant 0 : i32
        %get3A_317 = arith.index_cast %get3A_316 : i32 to index
        %get3A_318 = arith.constant 112 : index
        %get3A_319 = tpu.vector_load %arg14[%get3A_317, %get3A_318] {strides = array<i32>} : memref<2x128xi32, #tpu.memory_space<vmem>>, vector<16xi32>,
        %shift_right_arithmetic3A_320 = arith.constant 4 : i32
        %shift_right_arithmetic3A_321 = vector.broadcast %shift_right_arithmetic3A_320 : i32 to vector<16xi32>
        %shift_right_arithmetic3A_322 = arith.shrsi %get3A_319, %shift_right_arithmetic3A_321 : vector<16xi32>
        %and3A_323 = arith.constant 15 : i32
        %and3A_324 = vector.broadcast %and3A_323 : i32 to vector<16xi32>
        %and3A_325 = arith.andi %get3A_319, %and3A_324 : vector<16xi32>
        tpu.vector_store_idx %arg15[%shift_right_arithmetic3A_322, %and3A_325], %broadcast_in_dim3A_91 {add = true} : memref<640x16xf32, #tpu.memory_space<vmem>>[vector<16xi32>, vector<16xi32>], vector<16xf32>,
      } else {
      }
      %dma_wait3A_161 = arith.constant 0 : i32
      %dma_wait3A_162 = arith.constant 0 : i32
      %dma_wait3A_163 = tpu.memref_slice %arg14[%dma_wait3A_161, %dma_wait3A_162] : memref<2x128xi32, #tpu.memory_space<vmem>> -> memref<1x128xi32, #tpu.memory_space<vmem>>
      %dma_wait3A_164 = tpu.memref_squeeze %dma_wait3A_163 : memref<1x128xi32, #tpu.memory_space<vmem>> -> memref<128xi32, #tpu.memory_space<vmem>>
      %dma_wait3A_165 = arith.constant 0 : i32
      %dma_wait3A_166 = arith.constant 0 : i32
      %dma_wait3A_167 = tpu.memref_slice %arg7[%dma_wait3A_165, %dma_wait3A_166] : memref<10000x64xf32, #tpu.memory_space<vmem_shared>> -> memref<10000x64xf32, #tpu.memory_space<vmem_shared>>
      tpu.wait_indirect_dma semaphore(%arg20 : memref<!tpu.dma_semaphore, #tpu.memory_space<semaphore_mem>>) src(%arg10 : memref<128x64xf32, #tpu.memory_space<vmem>>) dst(%dma_wait3A_167 : memref<10000x64xf32, #tpu.memory_space<vmem_shared>>)
      %dma_wait3A_168 = arith.constant 0 : i32
      %dma_wait3A_169 = arith.constant 0 : i32
      %dma_wait3A_170 = tpu.memref_slice %arg14[%dma_wait3A_168, %dma_wait3A_169] : memref<2x128xi32, #tpu.memory_space<vmem>> -> memref<1x128xi32, #tpu.memory_space<vmem>>
      %dma_wait3A_171 = tpu.memref_squeeze %dma_wait3A_170 : memref<1x128xi32, #tpu.memory_space<vmem>> -> memref<128xi32, #tpu.memory_space<vmem>>
      %dma_wait3A_172 = arith.constant 0 : i32
      %dma_wait3A_173 = arith.constant 0 : i32
      %dma_wait3A_174 = tpu.memref_slice %arg8[%dma_wait3A_172, %dma_wait3A_173] : memref<10000x64xf32, #tpu.memory_space<vmem_shared>> -> memref<10000x64xf32, #tpu.memory_space<vmem_shared>>
      tpu.wait_indirect_dma semaphore(%arg20 : memref<!tpu.dma_semaphore, #tpu.memory_space<semaphore_mem>>) src(%arg12 : memref<128x64xf32, #tpu.memory_space<vmem>>) dst(%dma_wait3A_174 : memref<10000x64xf32, #tpu.memory_space<vmem_shared>>)
      %add3A_175 = arith.constant 2 : i32
      %add3A_176 = arith.addi %add3A_120, %add3A_175 : i32
      %lt3A_177 = arith.constant 156 : i32
      %lt3A_178 = arith.cmpi slt, %add3A_176, %lt3A_177 : i32
      %convert_element_type3A_179 = arith.extui %lt3A_178 : i1 to i32
      %cond3A_180 = arith.constant 0 : i32
      %cond3A_181 = arith.constant 0 : i32
      %cond3A_182 = arith.cmpi ne, %convert_element_type3A_179, %cond3A_181 : i32
      scf.if %cond3A_182 {
        %add3A_248 = arith.constant 2 : i32
        %add3A_249 = arith.addi %add3A_120, %add3A_248 : i32
        %mul3A_250 = arith.constant 16 : i32
        %mul3A_251 = arith.muli %add3A_249, %mul3A_250 : i32
        %add3A_252 = arith.addi %arg1, %mul3A_251 : i32
        %mul3A_253 = arith.constant 128 : i32
        %mul3A_254 = arith.muli %add3A_252, %mul3A_253 : i32
        %dma_start3A_255 = tpu.memref_slice %arg2[%mul3A_254, %mul3A_0] : memref<320000x128xf32, #tpu.memory_space<hbm>> -> memref<128x64xf32, #tpu.memory_space<hbm>>
        %dma_start3A_256 = tpu.memref_slice %arg2[%mul3A_254, %mul3A_0] : memref<320000x128xf32, #tpu.memory_space<hbm>> -> memref<128x64xf32, #tpu.memory_space<hbm>>
        tpu.enqueue_dma source(%dma_start3A_256 : memref<128x64xf32, #tpu.memory_space<hbm>>) target(%arg10 : memref<128x64xf32, #tpu.memory_space<vmem>>) target_semaphore(%arg18 : memref<!tpu.dma_semaphore, #tpu.memory_space<semaphore_mem>>)
        %dma_start3A_257 = arith.constant 0 : i32
        %dma_start3A_258 = tpu.memref_slice %arg14[%cond3A_180, %dma_start3A_257] : memref<2x128xi32, #tpu.memory_space<vmem>> -> memref<1x128xi32, #tpu.memory_space<vmem>>
        %dma_start3A_259 = tpu.memref_squeeze %dma_start3A_258 : memref<1x128xi32, #tpu.memory_space<vmem>> -> memref<128xi32, #tpu.memory_space<vmem>>
        %dma_start3A_260 = arith.constant 0 : i32
        %dma_start3A_261 = tpu.memref_slice %arg3[%add3A_252, %dma_start3A_260] : memref<2500x128xi32, #tpu.memory_space<hbm>> -> memref<1x128xi32, #tpu.memory_space<hbm>>
        %dma_start3A_262 = tpu.memref_squeeze %dma_start3A_261 : memref<1x128xi32, #tpu.memory_space<hbm>> -> memref<128xi32, #tpu.memory_space<hbm>>
        %dma_start3A_263 = arith.constant 0 : i32
        %dma_start3A_264 = tpu.memref_slice %arg14[%cond3A_180, %dma_start3A_263] : memref<2x128xi32, #tpu.memory_space<vmem>> -> memref<1x128xi32, #tpu.memory_space<vmem>>
        %dma_start3A_265 = tpu.memref_squeeze %dma_start3A_264 : memref<1x128xi32, #tpu.memory_space<vmem>> -> memref<128xi32, #tpu.memory_space<vmem>>
        %dma_start3A_266 = arith.constant 0 : i32
        %dma_start3A_267 = tpu.memref_slice %arg3[%add3A_252, %dma_start3A_266] : memref<2500x128xi32, #tpu.memory_space<hbm>> -> memref<1x128xi32, #tpu.memory_space<hbm>>
        %dma_start3A_268 = tpu.memref_squeeze %dma_start3A_267 : memref<1x128xi32, #tpu.memory_space<hbm>> -> memref<128xi32, #tpu.memory_space<hbm>>
        tpu.enqueue_dma source(%dma_start3A_268 : memref<128xi32, #tpu.memory_space<hbm>>) target(%dma_start3A_265 : memref<128xi32, #tpu.memory_space<vmem>>) target_semaphore(%arg18 : memref<!tpu.dma_semaphore, #tpu.memory_space<semaphore_mem>>)
      } else {
      }
      %add3A_183 = arith.constant 1 : i32
      %add3A_184 = arith.addi %add3A_118, %add3A_183 : i32
      %mul3A_185 = arith.constant 128 : i32
      %mul3A_186 = arith.muli %arg1, %mul3A_185 : i32
      %dma_wait3A_187 = tpu.memref_slice %arg2[%mul3A_186, %mul3A_0] : memref<320000x128xf32, #tpu.memory_space<hbm>> -> memref<128x64xf32, #tpu.memory_space<hbm>>
      %dma_wait3A_188 = tpu.memref_slice %arg2[%mul3A_186, %mul3A_0] : memref<320000x128xf32, #tpu.memory_space<hbm>> -> memref<128x64xf32, #tpu.memory_space<hbm>>
      tpu.wait_dma2 semaphore(%arg19 : memref<!tpu.dma_semaphore, #tpu.memory_space<semaphore_mem>>) src(%dma_wait3A_188 : memref<128x64xf32, #tpu.memory_space<hbm>>) dst(%arg11 : memref<128x64xf32, #tpu.memory_space<vmem>>)
      %dma_wait3A_189 = arith.constant 1 : i32
      %dma_wait3A_190 = arith.constant 0 : i32
      %dma_wait3A_191 = tpu.memref_slice %arg14[%dma_wait3A_189, %dma_wait3A_190] : memref<2x128xi32, #tpu.memory_space<vmem>> -> memref<1x128xi32, #tpu.memory_space<vmem>>
      %dma_wait3A_192 = tpu.memref_squeeze %dma_wait3A_191 : memref<1x128xi32, #tpu.memory_space<vmem>> -> memref<128xi32, #tpu.memory_space<vmem>>
      %dma_wait3A_193 = arith.constant 0 : i32
      %dma_wait3A_194 = tpu.memref_slice %arg3[%arg1, %dma_wait3A_193] : memref<2500x128xi32, #tpu.memory_space<hbm>> -> memref<1x128xi32, #tpu.memory_space<hbm>>
      %dma_wait3A_195 = tpu.memref_squeeze %dma_wait3A_194 : memref<1x128xi32, #tpu.memory_space<hbm>> -> memref<128xi32, #tpu.memory_space<hbm>>
      %dma_wait3A_196 = arith.constant 0 : i32
      %dma_wait3A_197 = tpu.memref_slice %arg14[%dma_wait3A_189, %dma_wait3A_196] : memref<2x128xi32, #tpu.memory_space<vmem>> -> memref<1x128xi32, #tpu.memory_space<vmem>>
      %dma_wait3A_198 = tpu.memref_squeeze %dma_wait3A_197 : memref<1x128xi32, #tpu.memory_space<vmem>> -> memref<128xi32, #tpu.memory_space<vmem>>
      %dma_wait3A_199 = arith.constant 0 : i32
      %dma_wait3A_200 = tpu.memref_slice %arg3[%arg1, %dma_wait3A_199] : memref<2500x128xi32, #tpu.memory_space<hbm>> -> memref<1x128xi32, #tpu.memory_space<hbm>>
      %dma_wait3A_201 = tpu.memref_squeeze %dma_wait3A_200 : memref<1x128xi32, #tpu.memory_space<hbm>> -> memref<128xi32, #tpu.memory_space<hbm>>
      tpu.wait_dma2 semaphore(%arg19 : memref<!tpu.dma_semaphore, #tpu.memory_space<semaphore_mem>>) src(%dma_wait3A_201 : memref<128xi32, #tpu.memory_space<hbm>>) dst(%dma_wait3A_198 : memref<128xi32, #tpu.memory_space<vmem>>)
      %dma_start3A_202 = arith.constant 1 : i32
      %dma_start3A_203 = arith.constant 0 : i32
      %dma_start3A_204 = tpu.memref_slice %arg14[%dma_start3A_202, %dma_start3A_203] : memref<2x128xi32, #tpu.memory_space<vmem>> -> memref<1x128xi32, #tpu.memory_space<vmem>>
      %dma_start3A_205 = tpu.memref_squeeze %dma_start3A_204 : memref<1x128xi32, #tpu.memory_space<vmem>> -> memref<128xi32, #tpu.memory_space<vmem>>
      %dma_start3A_206 = arith.constant 0 : i32
      %dma_start3A_207 = arith.constant 0 : i32
      %dma_start3A_208 = tpu.memref_slice %arg7[%dma_start3A_206, %dma_start3A_207] : memref<10000x64xf32, #tpu.memory_space<vmem_shared>> -> memref<10000x64xf32, #tpu.memory_space<vmem_shared>>
      tpu.enqueue_indirect_dma source(%arg11 : memref<128x64xf32, #tpu.memory_space<vmem>>) target(%dma_start3A_208 : memref<10000x64xf32, #tpu.memory_space<vmem_shared>>) offsets(%dma_start3A_205 : memref<128xi32, #tpu.memory_space<vmem>>) semaphore(%arg21 : memref<!tpu.dma_semaphore, #tpu.memory_space<semaphore_mem>>) {add = true}
      %scan3A_209 = arith.constant 0 : i32
      %scan3A_210 = arith.constant 32 : i32
      %scan3A_211 = arith.addi %scan3A_209, %scan3A_210 : i32
      %scan3A_212 = arith.constant 1 : i32
      scf.for %scan3A_248 = %scan3A_209 to %scan3A_211 step %scan3A_212  : i32 {
        %mul3A_249 = arith.constant 4 : i32
        %mul3A_250 = arith.muli %scan3A_248, %mul3A_249 : i32
        %add3A_251 = arith.constant 0 : i32
        %add3A_252 = arith.addi %add3A_251, %mul3A_250 : i32
        %add3A_253 = arith.constant 0 : i32
        %add3A_254 = arith.addi %add3A_252, %add3A_253 : i32
        %get3A = arith.index_cast %add3A_254 : i32 to index
        %get3A_255 = arith.constant 0 : index
        %get3A_256 = tpu.vector_load %arg11[%get3A, %get3A_255] {strides = array<i32>} : memref<128x64xf32, #tpu.memory_space<vmem>>, vector<16xf32>,
        %mul3A_257 = arith.mulf %get3A_256, %get3A_256 : vector<16xf32>
        %add3A_258 = arith.constant 0 : i32
        %add3A_259 = arith.addi %add3A_252, %add3A_258 : i32
        %swap3A = arith.index_cast %add3A_259 : i32 to index
        %swap3A_260 = arith.constant 0 : index
        %swap3A_261 = tpu.vector_load %arg13[%swap3A, %swap3A_260] {strides = array<i32>} : memref<128x64xf32, #tpu.memory_space<vmem>>, vector<16xf32>,
        tpu.vector_store %arg13[%swap3A, %swap3A_260], %mul3A_257 {strides = array<i32>} : memref<128x64xf32, #tpu.memory_space<vmem>>, vector<16xf32>,
        %add3A_262 = arith.constant 0 : i32
        %add3A_263 = arith.addi %add3A_252, %add3A_262 : i32
        %get3A_264 = arith.index_cast %add3A_263 : i32 to index
        %get3A_265 = arith.constant 16 : index
        %get3A_266 = tpu.vector_load %arg11[%get3A_264, %get3A_265] {strides = array<i32>} : memref<128x64xf32, #tpu.memory_space<vmem>>, vector<16xf32>,
        %mul3A_267 = arith.mulf %get3A_266, %get3A_266 : vector<16xf32>
        %add3A_268 = arith.constant 0 : i32
        %add3A_269 = arith.addi %add3A_252, %add3A_268 : i32
        %swap3A_270 = arith.index_cast %add3A_269 : i32 to index
        %swap3A_271 = arith.constant 16 : index
        %swap3A_272 = tpu.vector_load %arg13[%swap3A_270, %swap3A_271] {strides = array<i32>} : memref<128x64xf32, #tpu.memory_space<vmem>>, vector<16xf32>,
        tpu.vector_store %arg13[%swap3A_270, %swap3A_271], %mul3A_267 {strides = array<i32>} : memref<128x64xf32, #tpu.memory_space<vmem>>, vector<16xf32>,
        %add3A_273 = arith.constant 0 : i32
        %add3A_274 = arith.addi %add3A_252, %add3A_273 : i32
        %get3A_275 = arith.index_cast %add3A_274 : i32 to index
        %get3A_276 = arith.constant 32 : index
        %get3A_277 = tpu.vector_load %arg11[%get3A_275, %get3A_276] {strides = array<i32>} : memref<128x64xf32, #tpu.memory_space<vmem>>, vector<16xf32>,
        %mul3A_278 = arith.mulf %get3A_277, %get3A_277 : vector<16xf32>
        %add3A_279 = arith.constant 0 : i32
        %add3A_280 = arith.addi %add3A_252, %add3A_279 : i32
        %swap3A_281 = arith.index_cast %add3A_280 : i32 to index
        %swap3A_282 = arith.constant 32 : index
        %swap3A_283 = tpu.vector_load %arg13[%swap3A_281, %swap3A_282] {strides = array<i32>} : memref<128x64xf32, #tpu.memory_space<vmem>>, vector<16xf32>,
        tpu.vector_store %arg13[%swap3A_281, %swap3A_282], %mul3A_278 {strides = array<i32>} : memref<128x64xf32, #tpu.memory_space<vmem>>, vector<16xf32>,
        %add3A_284 = arith.constant 0 : i32
        %add3A_285 = arith.addi %add3A_252, %add3A_284 : i32
        %get3A_286 = arith.index_cast %add3A_285 : i32 to index
        %get3A_287 = arith.constant 48 : index
        %get3A_288 = tpu.vector_load %arg11[%get3A_286, %get3A_287] {strides = array<i32>} : memref<128x64xf32, #tpu.memory_space<vmem>>, vector<16xf32>,
        %mul3A_289 = arith.mulf %get3A_288, %get3A_288 : vector<16xf32>
        %add3A_290 = arith.constant 0 : i32
        %add3A_291 = arith.addi %add3A_252, %add3A_290 : i32
        %swap3A_292 = arith.index_cast %add3A_291 : i32 to index
        %swap3A_293 = arith.constant 48 : index
        %swap3A_294 = tpu.vector_load %arg13[%swap3A_292, %swap3A_293] {strides = array<i32>} : memref<128x64xf32, #tpu.memory_space<vmem>>, vector<16xf32>,
        tpu.vector_store %arg13[%swap3A_292, %swap3A_293], %mul3A_289 {strides = array<i32>} : memref<128x64xf32, #tpu.memory_space<vmem>>, vector<16xf32>,
        %add3A_295 = arith.constant 1 : i32
        %add3A_296 = arith.addi %add3A_252, %add3A_295 : i32
        %get3A_297 = arith.index_cast %add3A_296 : i32 to index
        %get3A_298 = arith.constant 0 : index
        %get3A_299 = tpu.vector_load %arg11[%get3A_297, %get3A_298] {strides = array<i32>} : memref<128x64xf32, #tpu.memory_space<vmem>>, vector<16xf32>,
        %mul3A_300 = arith.mulf %get3A_299, %get3A_299 : vector<16xf32>
        %add3A_301 = arith.constant 1 : i32
        %add3A_302 = arith.addi %add3A_252, %add3A_301 : i32
        %swap3A_303 = arith.index_cast %add3A_302 : i32 to index
        %swap3A_304 = arith.constant 0 : index
        %swap3A_305 = tpu.vector_load %arg13[%swap3A_303, %swap3A_304] {strides = array<i32>} : memref<128x64xf32, #tpu.memory_space<vmem>>, vector<16xf32>,
        tpu.vector_store %arg13[%swap3A_303, %swap3A_304], %mul3A_300 {strides = array<i32>} : memref<128x64xf32, #tpu.memory_space<vmem>>, vector<16xf32>,
        %add3A_306 = arith.constant 1 : i32
        %add3A_307 = arith.addi %add3A_252, %add3A_306 : i32
        %get3A_308 = arith.index_cast %add3A_307 : i32 to index
        %get3A_309 = arith.constant 16 : index
        %get3A_310 = tpu.vector_load %arg11[%get3A_308, %get3A_309] {strides = array<i32>} : memref<128x64xf32, #tpu.memory_space<vmem>>, vector<16xf32>,
        %mul3A_311 = arith.mulf %get3A_310, %get3A_310 : vector<16xf32>
        %add3A_312 = arith.constant 1 : i32
        %add3A_313 = arith.addi %add3A_252, %add3A_312 : i32
        %swap3A_314 = arith.index_cast %add3A_313 : i32 to index
        %swap3A_315 = arith.constant 16 : index
        %swap3A_316 = tpu.vector_load %arg13[%swap3A_314, %swap3A_315] {strides = array<i32>} : memref<128x64xf32, #tpu.memory_space<vmem>>, vector<16xf32>,
        tpu.vector_store %arg13[%swap3A_314, %swap3A_315], %mul3A_311 {strides = array<i32>} : memref<128x64xf32, #tpu.memory_space<vmem>>, vector<16xf32>,
        %add3A_317 = arith.constant 1 : i32
        %add3A_318 = arith.addi %add3A_252, %add3A_317 : i32
        %get3A_319 = arith.index_cast %add3A_318 : i32 to index
        %get3A_320 = arith.constant 32 : index
        %get3A_321 = tpu.vector_load %arg11[%get3A_319, %get3A_320] {strides = array<i32>} : memref<128x64xf32, #tpu.memory_space<vmem>>, vector<16xf32>,
        %mul3A_322 = arith.mulf %get3A_321, %get3A_321 : vector<16xf32>
        %add3A_323 = arith.constant 1 : i32
        %add3A_324 = arith.addi %add3A_252, %add3A_323 : i32
        %swap3A_325 = arith.index_cast %add3A_324 : i32 to index
        %swap3A_326 = arith.constant 32 : index
        %swap3A_327 = tpu.vector_load %arg13[%swap3A_325, %swap3A_326] {strides = array<i32>} : memref<128x64xf32, #tpu.memory_space<vmem>>, vector<16xf32>,
        tpu.vector_store %arg13[%swap3A_325, %swap3A_326], %mul3A_322 {strides = array<i32>} : memref<128x64xf32, #tpu.memory_space<vmem>>, vector<16xf32>,
        %add3A_328 = arith.constant 1 : i32
        %add3A_329 = arith.addi %add3A_252, %add3A_328 : i32
        %get3A_330 = arith.index_cast %add3A_329 : i32 to index
        %get3A_331 = arith.constant 48 : index
        %get3A_332 = tpu.vector_load %arg11[%get3A_330, %get3A_331] {strides = array<i32>} : memref<128x64xf32, #tpu.memory_space<vmem>>, vector<16xf32>,
        %mul3A_333 = arith.mulf %get3A_332, %get3A_332 : vector<16xf32>
        %add3A_334 = arith.constant 1 : i32
        %add3A_335 = arith.addi %add3A_252, %add3A_334 : i32
        %swap3A_336 = arith.index_cast %add3A_335 : i32 to index
        %swap3A_337 = arith.constant 48 : index
        %swap3A_338 = tpu.vector_load %arg13[%swap3A_336, %swap3A_337] {strides = array<i32>} : memref<128x64xf32, #tpu.memory_space<vmem>>, vector<16xf32>,
        tpu.vector_store %arg13[%swap3A_336, %swap3A_337], %mul3A_333 {strides = array<i32>} : memref<128x64xf32, #tpu.memory_space<vmem>>, vector<16xf32>,
        %add3A_339 = arith.constant 2 : i32
        %add3A_340 = arith.addi %add3A_252, %add3A_339 : i32
        %get3A_341 = arith.index_cast %add3A_340 : i32 to index
        %get3A_342 = arith.constant 0 : index
        %get3A_343 = tpu.vector_load %arg11[%get3A_341, %get3A_342] {strides = array<i32>} : memref<128x64xf32, #tpu.memory_space<vmem>>, vector<16xf32>,
        %mul3A_344 = arith.mulf %get3A_343, %get3A_343 : vector<16xf32>
        %add3A_345 = arith.constant 2 : i32
        %add3A_346 = arith.addi %add3A_252, %add3A_345 : i32
        %swap3A_347 = arith.index_cast %add3A_346 : i32 to index
        %swap3A_348 = arith.constant 0 : index
        %swap3A_349 = tpu.vector_load %arg13[%swap3A_347, %swap3A_348] {strides = array<i32>} : memref<128x64xf32, #tpu.memory_space<vmem>>, vector<16xf32>,
        tpu.vector_store %arg13[%swap3A_347, %swap3A_348], %mul3A_344 {strides = array<i32>} : memref<128x64xf32, #tpu.memory_space<vmem>>, vector<16xf32>,
        %add3A_350 = arith.constant 2 : i32
        %add3A_351 = arith.addi %add3A_252, %add3A_350 : i32
        %get3A_352 = arith.index_cast %add3A_351 : i32 to index
        %get3A_353 = arith.constant 16 : index
        %get3A_354 = tpu.vector_load %arg11[%get3A_352, %get3A_353] {strides = array<i32>} : memref<128x64xf32, #tpu.memory_space<vmem>>, vector<16xf32>,
        %mul3A_355 = arith.mulf %get3A_354, %get3A_354 : vector<16xf32>
        %add3A_356 = arith.constant 2 : i32
        %add3A_357 = arith.addi %add3A_252, %add3A_356 : i32
        %swap3A_358 = arith.index_cast %add3A_357 : i32 to index
        %swap3A_359 = arith.constant 16 : index
        %swap3A_360 = tpu.vector_load %arg13[%swap3A_358, %swap3A_359] {strides = array<i32>} : memref<128x64xf32, #tpu.memory_space<vmem>>, vector<16xf32>,
        tpu.vector_store %arg13[%swap3A_358, %swap3A_359], %mul3A_355 {strides = array<i32>} : memref<128x64xf32, #tpu.memory_space<vmem>>, vector<16xf32>,
        %add3A_361 = arith.constant 2 : i32
        %add3A_362 = arith.addi %add3A_252, %add3A_361 : i32
        %get3A_363 = arith.index_cast %add3A_362 : i32 to index
        %get3A_364 = arith.constant 32 : index
        %get3A_365 = tpu.vector_load %arg11[%get3A_363, %get3A_364] {strides = array<i32>} : memref<128x64xf32, #tpu.memory_space<vmem>>, vector<16xf32>,
        %mul3A_366 = arith.mulf %get3A_365, %get3A_365 : vector<16xf32>
        %add3A_367 = arith.constant 2 : i32
        %add3A_368 = arith.addi %add3A_252, %add3A_367 : i32
        %swap3A_369 = arith.index_cast %add3A_368 : i32 to index
        %swap3A_370 = arith.constant 32 : index
        %swap3A_371 = tpu.vector_load %arg13[%swap3A_369, %swap3A_370] {strides = array<i32>} : memref<128x64xf32, #tpu.memory_space<vmem>>, vector<16xf32>,
        tpu.vector_store %arg13[%swap3A_369, %swap3A_370], %mul3A_366 {strides = array<i32>} : memref<128x64xf32, #tpu.memory_space<vmem>>, vector<16xf32>,
        %add3A_372 = arith.constant 2 : i32
        %add3A_373 = arith.addi %add3A_252, %add3A_372 : i32
        %get3A_374 = arith.index_cast %add3A_373 : i32 to index
        %get3A_375 = arith.constant 48 : index
        %get3A_376 = tpu.vector_load %arg11[%get3A_374, %get3A_375] {strides = array<i32>} : memref<128x64xf32, #tpu.memory_space<vmem>>, vector<16xf32>,
        %mul3A_377 = arith.mulf %get3A_376, %get3A_376 : vector<16xf32>
        %add3A_378 = arith.constant 2 : i32
        %add3A_379 = arith.addi %add3A_252, %add3A_378 : i32
        %swap3A_380 = arith.index_cast %add3A_379 : i32 to index
        %swap3A_381 = arith.constant 48 : index
        %swap3A_382 = tpu.vector_load %arg13[%swap3A_380, %swap3A_381] {strides = array<i32>} : memref<128x64xf32, #tpu.memory_space<vmem>>, vector<16xf32>,
        tpu.vector_store %arg13[%swap3A_380, %swap3A_381], %mul3A_377 {strides = array<i32>} : memref<128x64xf32, #tpu.memory_space<vmem>>, vector<16xf32>,
        %add3A_383 = arith.constant 3 : i32
        %add3A_384 = arith.addi %add3A_252, %add3A_383 : i32
        %get3A_385 = arith.index_cast %add3A_384 : i32 to index
        %get3A_386 = arith.constant 0 : index
        %get3A_387 = tpu.vector_load %arg11[%get3A_385, %get3A_386] {strides = array<i32>} : memref<128x64xf32, #tpu.memory_space<vmem>>, vector<16xf32>,
        %mul3A_388 = arith.mulf %get3A_387, %get3A_387 : vector<16xf32>
        %add3A_389 = arith.constant 3 : i32
        %add3A_390 = arith.addi %add3A_252, %add3A_389 : i32
        %swap3A_391 = arith.index_cast %add3A_390 : i32 to index
        %swap3A_392 = arith.constant 0 : index
        %swap3A_393 = tpu.vector_load %arg13[%swap3A_391, %swap3A_392] {strides = array<i32>} : memref<128x64xf32, #tpu.memory_space<vmem>>, vector<16xf32>,
        tpu.vector_store %arg13[%swap3A_391, %swap3A_392], %mul3A_388 {strides = array<i32>} : memref<128x64xf32, #tpu.memory_space<vmem>>, vector<16xf32>,
        %add3A_394 = arith.constant 3 : i32
        %add3A_395 = arith.addi %add3A_252, %add3A_394 : i32
        %get3A_396 = arith.index_cast %add3A_395 : i32 to index
        %get3A_397 = arith.constant 16 : index
        %get3A_398 = tpu.vector_load %arg11[%get3A_396, %get3A_397] {strides = array<i32>} : memref<128x64xf32, #tpu.memory_space<vmem>>, vector<16xf32>,
        %mul3A_399 = arith.mulf %get3A_398, %get3A_398 : vector<16xf32>
        %add3A_400 = arith.constant 3 : i32
        %add3A_401 = arith.addi %add3A_252, %add3A_400 : i32
        %swap3A_402 = arith.index_cast %add3A_401 : i32 to index
        %swap3A_403 = arith.constant 16 : index
        %swap3A_404 = tpu.vector_load %arg13[%swap3A_402, %swap3A_403] {strides = array<i32>} : memref<128x64xf32, #tpu.memory_space<vmem>>, vector<16xf32>,
        tpu.vector_store %arg13[%swap3A_402, %swap3A_403], %mul3A_399 {strides = array<i32>} : memref<128x64xf32, #tpu.memory_space<vmem>>, vector<16xf32>,
        %add3A_405 = arith.constant 3 : i32
        %add3A_406 = arith.addi %add3A_252, %add3A_405 : i32
        %get3A_407 = arith.index_cast %add3A_406 : i32 to index
        %get3A_408 = arith.constant 32 : index
        %get3A_409 = tpu.vector_load %arg11[%get3A_407, %get3A_408] {strides = array<i32>} : memref<128x64xf32, #tpu.memory_space<vmem>>, vector<16xf32>,
        %mul3A_410 = arith.mulf %get3A_409, %get3A_409 : vector<16xf32>
        %add3A_411 = arith.constant 3 : i32
        %add3A_412 = arith.addi %add3A_252, %add3A_411 : i32
        %swap3A_413 = arith.index_cast %add3A_412 : i32 to index
        %swap3A_414 = arith.constant 32 : index
        %swap3A_415 = tpu.vector_load %arg13[%swap3A_413, %swap3A_414] {strides = array<i32>} : memref<128x64xf32, #tpu.memory_space<vmem>>, vector<16xf32>,
        tpu.vector_store %arg13[%swap3A_413, %swap3A_414], %mul3A_410 {strides = array<i32>} : memref<128x64xf32, #tpu.memory_space<vmem>>, vector<16xf32>,
        %add3A_416 = arith.constant 3 : i32
        %add3A_417 = arith.addi %add3A_252, %add3A_416 : i32
        %get3A_418 = arith.index_cast %add3A_417 : i32 to index
        %get3A_419 = arith.constant 48 : index
        %get3A_420 = tpu.vector_load %arg11[%get3A_418, %get3A_419] {strides = array<i32>} : memref<128x64xf32, #tpu.memory_space<vmem>>, vector<16xf32>,
        %mul3A_421 = arith.mulf %get3A_420, %get3A_420 : vector<16xf32>
        %add3A_422 = arith.constant 3 : i32
        %add3A_423 = arith.addi %add3A_252, %add3A_422 : i32
        %swap3A_424 = arith.index_cast %add3A_423 : i32 to index
        %swap3A_425 = arith.constant 48 : index
        %swap3A_426 = tpu.vector_load %arg13[%swap3A_424, %swap3A_425] {strides = array<i32>} : memref<128x64xf32, #tpu.memory_space<vmem>>, vector<16xf32>,
        tpu.vector_store %arg13[%swap3A_424, %swap3A_425], %mul3A_421 {strides = array<i32>} : memref<128x64xf32, #tpu.memory_space<vmem>>, vector<16xf32>,
      }
      %scan3A_213 = arith.constant 32 : i32
      %dma_start3A_214 = arith.constant 1 : i32
      %dma_start3A_215 = arith.constant 0 : i32
      %dma_start3A_216 = tpu.memref_slice %arg14[%dma_start3A_214, %dma_start3A_215] : memref<2x128xi32, #tpu.memory_space<vmem>> -> memref<1x128xi32, #tpu.memory_space<vmem>>
      %dma_start3A_217 = tpu.memref_squeeze %dma_start3A_216 : memref<1x128xi32, #tpu.memory_space<vmem>> -> memref<128xi32, #tpu.memory_space<vmem>>
      %dma_start3A_218 = arith.constant 0 : i32
      %dma_start3A_219 = arith.constant 0 : i32
      %dma_start3A_220 = tpu.memref_slice %arg8[%dma_start3A_218, %dma_start3A_219] : memref<10000x64xf32, #tpu.memory_space<vmem_shared>> -> memref<10000x64xf32, #tpu.memory_space<vmem_shared>>
      tpu.enqueue_indirect_dma source(%arg13 : memref<128x64xf32, #tpu.memory_space<vmem>>) target(%dma_start3A_220 : memref<10000x64xf32, #tpu.memory_space<vmem_shared>>) offsets(%dma_start3A_217 : memref<128xi32, #tpu.memory_space<vmem>>) semaphore(%arg21 : memref<!tpu.dma_semaphore, #tpu.memory_space<semaphore_mem>>) {add = true}
      %eq3A_221 = arith.constant 0 : i32
      %eq3A_222 = arith.cmpi eq, %arg0, %eq3A_221 : i32
      %convert_element_type3A_223 = arith.extui %eq3A_222 : i1 to i32
      %cond3A_224 = arith.constant 0 : i32
      %cond3A_225 = arith.cmpi ne, %convert_element_type3A_223, %cond3A_224 : i32
      scf.if %cond3A_225 {
        %get3A = arith.constant 1 : i32
        %get3A_248 = arith.index_cast %get3A : i32 to index
        %get3A_249 = arith.constant 0 : index
        %get3A_250 = tpu.vector_load %arg14[%get3A_248, %get3A_249] {strides = array<i32>} : memref<2x128xi32, #tpu.memory_space<vmem>>, vector<16xi32>,
        %shift_right_arithmetic3A = arith.constant 4 : i32
        %shift_right_arithmetic3A_251 = vector.broadcast %shift_right_arithmetic3A : i32 to vector<16xi32>
        %shift_right_arithmetic3A_252 = arith.shrsi %get3A_250, %shift_right_arithmetic3A_251 : vector<16xi32>
        %and3A_253 = arith.constant 15 : i32
        %and3A_254 = vector.broadcast %and3A_253 : i32 to vector<16xi32>
        %and3A_255 = arith.andi %get3A_250, %and3A_254 : vector<16xi32>
        tpu.vector_store_idx %arg15[%shift_right_arithmetic3A_252, %and3A_255], %broadcast_in_dim3A_91 {add = true} : memref<640x16xf32, #tpu.memory_space<vmem>>[vector<16xi32>, vector<16xi32>], vector<16xf32>,
        %get3A_256 = arith.constant 1 : i32
        %get3A_257 = arith.index_cast %get3A_256 : i32 to index
        %get3A_258 = arith.constant 16 : index
        %get3A_259 = tpu.vector_load %arg14[%get3A_257, %get3A_258] {strides = array<i32>} : memref<2x128xi32, #tpu.memory_space<vmem>>, vector<16xi32>,
        %shift_right_arithmetic3A_260 = arith.constant 4 : i32
        %shift_right_arithmetic3A_261 = vector.broadcast %shift_right_arithmetic3A_260 : i32 to vector<16xi32>
        %shift_right_arithmetic3A_262 = arith.shrsi %get3A_259, %shift_right_arithmetic3A_261 : vector<16xi32>
        %and3A_263 = arith.constant 15 : i32
        %and3A_264 = vector.broadcast %and3A_263 : i32 to vector<16xi32>
        %and3A_265 = arith.andi %get3A_259, %and3A_264 : vector<16xi32>
        tpu.vector_store_idx %arg15[%shift_right_arithmetic3A_262, %and3A_265], %broadcast_in_dim3A_91 {add = true} : memref<640x16xf32, #tpu.memory_space<vmem>>[vector<16xi32>, vector<16xi32>], vector<16xf32>,
        %get3A_266 = arith.constant 1 : i32
        %get3A_267 = arith.index_cast %get3A_266 : i32 to index
        %get3A_268 = arith.constant 32 : index
        %get3A_269 = tpu.vector_load %arg14[%get3A_267, %get3A_268] {strides = array<i32>} : memref<2x128xi32, #tpu.memory_space<vmem>>, vector<16xi32>,
        %shift_right_arithmetic3A_270 = arith.constant 4 : i32
        %shift_right_arithmetic3A_271 = vector.broadcast %shift_right_arithmetic3A_270 : i32 to vector<16xi32>
        %shift_right_arithmetic3A_272 = arith.shrsi %get3A_269, %shift_right_arithmetic3A_271 : vector<16xi32>
        %and3A_273 = arith.constant 15 : i32
        %and3A_274 = vector.broadcast %and3A_273 : i32 to vector<16xi32>
        %and3A_275 = arith.andi %get3A_269, %and3A_274 : vector<16xi32>
        tpu.vector_store_idx %arg15[%shift_right_arithmetic3A_272, %and3A_275], %broadcast_in_dim3A_91 {add = true} : memref<640x16xf32, #tpu.memory_space<vmem>>[vector<16xi32>, vector<16xi32>], vector<16xf32>,
        %get3A_276 = arith.constant 1 : i32
        %get3A_277 = arith.index_cast %get3A_276 : i32 to index
        %get3A_278 = arith.constant 48 : index
        %get3A_279 = tpu.vector_load %arg14[%get3A_277, %get3A_278] {strides = array<i32>} : memref<2x128xi32, #tpu.memory_space<vmem>>, vector<16xi32>,
        %shift_right_arithmetic3A_280 = arith.constant 4 : i32
        %shift_right_arithmetic3A_281 = vector.broadcast %shift_right_arithmetic3A_280 : i32 to vector<16xi32>
        %shift_right_arithmetic3A_282 = arith.shrsi %get3A_279, %shift_right_arithmetic3A_281 : vector<16xi32>
        %and3A_283 = arith.constant 15 : i32
        %and3A_284 = vector.broadcast %and3A_283 : i32 to vector<16xi32>
        %and3A_285 = arith.andi %get3A_279, %and3A_284 : vector<16xi32>
        tpu.vector_store_idx %arg15[%shift_right_arithmetic3A_282, %and3A_285], %broadcast_in_dim3A_91 {add = true} : memref<640x16xf32, #tpu.memory_space<vmem>>[vector<16xi32>, vector<16xi32>], vector<16xf32>,
        %get3A_286 = arith.constant 1 : i32
        %get3A_287 = arith.index_cast %get3A_286 : i32 to index
        %get3A_288 = arith.constant 64 : index
        %get3A_289 = tpu.vector_load %arg14[%get3A_287, %get3A_288] {strides = array<i32>} : memref<2x128xi32, #tpu.memory_space<vmem>>, vector<16xi32>,
        %shift_right_arithmetic3A_290 = arith.constant 4 : i32
        %shift_right_arithmetic3A_291 = vector.broadcast %shift_right_arithmetic3A_290 : i32 to vector<16xi32>
        %shift_right_arithmetic3A_292 = arith.shrsi %get3A_289, %shift_right_arithmetic3A_291 : vector<16xi32>
        %and3A_293 = arith.constant 15 : i32
        %and3A_294 = vector.broadcast %and3A_293 : i32 to vector<16xi32>
        %and3A_295 = arith.andi %get3A_289, %and3A_294 : vector<16xi32>
        tpu.vector_store_idx %arg15[%shift_right_arithmetic3A_292, %and3A_295], %broadcast_in_dim3A_91 {add = true} : memref<640x16xf32, #tpu.memory_space<vmem>>[vector<16xi32>, vector<16xi32>], vector<16xf32>,
        %get3A_296 = arith.constant 1 : i32
        %get3A_297 = arith.index_cast %get3A_296 : i32 to index
        %get3A_298 = arith.constant 80 : index
        %get3A_299 = tpu.vector_load %arg14[%get3A_297, %get3A_298] {strides = array<i32>} : memref<2x128xi32, #tpu.memory_space<vmem>>, vector<16xi32>,
        %shift_right_arithmetic3A_300 = arith.constant 4 : i32
        %shift_right_arithmetic3A_301 = vector.broadcast %shift_right_arithmetic3A_300 : i32 to vector<16xi32>
        %shift_right_arithmetic3A_302 = arith.shrsi %get3A_299, %shift_right_arithmetic3A_301 : vector<16xi32>
        %and3A_303 = arith.constant 15 : i32
        %and3A_304 = vector.broadcast %and3A_303 : i32 to vector<16xi32>
        %and3A_305 = arith.andi %get3A_299, %and3A_304 : vector<16xi32>
        tpu.vector_store_idx %arg15[%shift_right_arithmetic3A_302, %and3A_305], %broadcast_in_dim3A_91 {add = true} : memref<640x16xf32, #tpu.memory_space<vmem>>[vector<16xi32>, vector<16xi32>], vector<16xf32>,
        %get3A_306 = arith.constant 1 : i32
        %get3A_307 = arith.index_cast %get3A_306 : i32 to index
        %get3A_308 = arith.constant 96 : index
        %get3A_309 = tpu.vector_load %arg14[%get3A_307, %get3A_308] {strides = array<i32>} : memref<2x128xi32, #tpu.memory_space<vmem>>, vector<16xi32>,
        %shift_right_arithmetic3A_310 = arith.constant 4 : i32
        %shift_right_arithmetic3A_311 = vector.broadcast %shift_right_arithmetic3A_310 : i32 to vector<16xi32>
        %shift_right_arithmetic3A_312 = arith.shrsi %get3A_309, %shift_right_arithmetic3A_311 : vector<16xi32>
        %and3A_313 = arith.constant 15 : i32
        %and3A_314 = vector.broadcast %and3A_313 : i32 to vector<16xi32>
        %and3A_315 = arith.andi %get3A_309, %and3A_314 : vector<16xi32>
        tpu.vector_store_idx %arg15[%shift_right_arithmetic3A_312, %and3A_315], %broadcast_in_dim3A_91 {add = true} : memref<640x16xf32, #tpu.memory_space<vmem>>[vector<16xi32>, vector<16xi32>], vector<16xf32>,
        %get3A_316 = arith.constant 1 : i32
        %get3A_317 = arith.index_cast %get3A_316 : i32 to index
        %get3A_318 = arith.constant 112 : index
        %get3A_319 = tpu.vector_load %arg14[%get3A_317, %get3A_318] {strides = array<i32>} : memref<2x128xi32, #tpu.memory_space<vmem>>, vector<16xi32>,
        %shift_right_arithmetic3A_320 = arith.constant 4 : i32
        %shift_right_arithmetic3A_321 = vector.broadcast %shift_right_arithmetic3A_320 : i32 to vector<16xi32>
        %shift_right_arithmetic3A_322 = arith.shrsi %get3A_319, %shift_right_arithmetic3A_321 : vector<16xi32>
        %and3A_323 = arith.constant 15 : i32
        %and3A_324 = vector.broadcast %and3A_323 : i32 to vector<16xi32>
        %and3A_325 = arith.andi %get3A_319, %and3A_324 : vector<16xi32>
        tpu.vector_store_idx %arg15[%shift_right_arithmetic3A_322, %and3A_325], %broadcast_in_dim3A_91 {add = true} : memref<640x16xf32, #tpu.memory_space<vmem>>[vector<16xi32>, vector<16xi32>], vector<16xf32>,
      } else {
      }
      %dma_wait3A_226 = arith.constant 1 : i32
      %dma_wait3A_227 = arith.constant 0 : i32
      %dma_wait3A_228 = tpu.memref_slice %arg14[%dma_wait3A_226, %dma_wait3A_227] : memref<2x128xi32, #tpu.memory_space<vmem>> -> memref<1x128xi32, #tpu.memory_space<vmem>>
      %dma_wait3A_229 = tpu.memref_squeeze %dma_wait3A_228 : memref<1x128xi32, #tpu.memory_space<vmem>> -> memref<128xi32, #tpu.memory_space<vmem>>
      %dma_wait3A_230 = arith.constant 0 : i32
      %dma_wait3A_231 = arith.constant 0 : i32
      %dma_wait3A_232 = tpu.memref_slice %arg7[%dma_wait3A_230, %dma_wait3A_231] : memref<10000x64xf32, #tpu.memory_space<vmem_shared>> -> memref<10000x64xf32, #tpu.memory_space<vmem_shared>>
      tpu.wait_indirect_dma semaphore(%arg21 : memref<!tpu.dma_semaphore, #tpu.memory_space<semaphore_mem>>) src(%arg11 : memref<128x64xf32, #tpu.memory_space<vmem>>) dst(%dma_wait3A_232 : memref<10000x64xf32, #tpu.memory_space<vmem_shared>>)
      %dma_wait3A_233 = arith.constant 1 : i32
      %dma_wait3A_234 = arith.constant 0 : i32
      %dma_wait3A_235 = tpu.memref_slice %arg14[%dma_wait3A_233, %dma_wait3A_234] : memref<2x128xi32, #tpu.memory_space<vmem>> -> memref<1x128xi32, #tpu.memory_space<vmem>>
      %dma_wait3A_236 = tpu.memref_squeeze %dma_wait3A_235 : memref<1x128xi32, #tpu.memory_space<vmem>> -> memref<128xi32, #tpu.memory_space<vmem>>
      %dma_wait3A_237 = arith.constant 0 : i32
      %dma_wait3A_238 = arith.constant 0 : i32
      %dma_wait3A_239 = tpu.memref_slice %arg8[%dma_wait3A_237, %dma_wait3A_238] : memref<10000x64xf32, #tpu.memory_space<vmem_shared>> -> memref<10000x64xf32, #tpu.memory_space<vmem_shared>>
      tpu.wait_indirect_dma semaphore(%arg21 : memref<!tpu.dma_semaphore, #tpu.memory_space<semaphore_mem>>) src(%arg13 : memref<128x64xf32, #tpu.memory_space<vmem>>) dst(%dma_wait3A_239 : memref<10000x64xf32, #tpu.memory_space<vmem_shared>>)
      %add3A_240 = arith.constant 2 : i32
      %add3A_241 = arith.addi %add3A_184, %add3A_240 : i32
      %lt3A_242 = arith.constant 156 : i32
      %lt3A_243 = arith.cmpi slt, %add3A_241, %lt3A_242 : i32
      %convert_element_type3A_244 = arith.extui %lt3A_243 : i1 to i32
      %cond3A_245 = arith.constant 1 : i32
      %cond3A_246 = arith.constant 0 : i32
      %cond3A_247 = arith.cmpi ne, %convert_element_type3A_244, %cond3A_246 : i32
      scf.if %cond3A_247 {
        %add3A_248 = arith.constant 2 : i32
        %add3A_249 = arith.addi %add3A_184, %add3A_248 : i32
        %mul3A_250 = arith.constant 16 : i32
        %mul3A_251 = arith.muli %add3A_249, %mul3A_250 : i32
        %add3A_252 = arith.addi %arg1, %mul3A_251 : i32
        %mul3A_253 = arith.constant 128 : i32
        %mul3A_254 = arith.muli %add3A_252, %mul3A_253 : i32
        %dma_start3A_255 = tpu.memref_slice %arg2[%mul3A_254, %mul3A_0] : memref<320000x128xf32, #tpu.memory_space<hbm>> -> memref<128x64xf32, #tpu.memory_space<hbm>>
        %dma_start3A_256 = tpu.memref_slice %arg2[%mul3A_254, %mul3A_0] : memref<320000x128xf32, #tpu.memory_space<hbm>> -> memref<128x64xf32, #tpu.memory_space<hbm>>
        tpu.enqueue_dma source(%dma_start3A_256 : memref<128x64xf32, #tpu.memory_space<hbm>>) target(%arg11 : memref<128x64xf32, #tpu.memory_space<vmem>>) target_semaphore(%arg19 : memref<!tpu.dma_semaphore, #tpu.memory_space<semaphore_mem>>)
        %dma_start3A_257 = arith.constant 0 : i32
        %dma_start3A_258 = tpu.memref_slice %arg14[%cond3A_245, %dma_start3A_257] : memref<2x128xi32, #tpu.memory_space<vmem>> -> memref<1x128xi32, #tpu.memory_space<vmem>>
        %dma_start3A_259 = tpu.memref_squeeze %dma_start3A_258 : memref<1x128xi32, #tpu.memory_space<vmem>> -> memref<128xi32, #tpu.memory_space<vmem>>
        %dma_start3A_260 = arith.constant 0 : i32
        %dma_start3A_261 = tpu.memref_slice %arg3[%add3A_252, %dma_start3A_260] : memref<2500x128xi32, #tpu.memory_space<hbm>> -> memref<1x128xi32, #tpu.memory_space<hbm>>
        %dma_start3A_262 = tpu.memref_squeeze %dma_start3A_261 : memref<1x128xi32, #tpu.memory_space<hbm>> -> memref<128xi32, #tpu.memory_space<hbm>>
        %dma_start3A_263 = arith.constant 0 : i32
        %dma_start3A_264 = tpu.memref_slice %arg14[%cond3A_245, %dma_start3A_263] : memref<2x128xi32, #tpu.memory_space<vmem>> -> memref<1x128xi32, #tpu.memory_space<vmem>>
        %dma_start3A_265 = tpu.memref_squeeze %dma_start3A_264 : memref<1x128xi32, #tpu.memory_space<vmem>> -> memref<128xi32, #tpu.memory_space<vmem>>
        %dma_start3A_266 = arith.constant 0 : i32
        %dma_start3A_267 = tpu.memref_slice %arg3[%add3A_252, %dma_start3A_266] : memref<2500x128xi32, #tpu.memory_space<hbm>> -> memref<1x128xi32, #tpu.memory_space<hbm>>
        %dma_start3A_268 = tpu.memref_squeeze %dma_start3A_267 : memref<1x128xi32, #tpu.memory_space<hbm>> -> memref<128xi32, #tpu.memory_space<hbm>>
        tpu.enqueue_dma source(%dma_start3A_268 : memref<128xi32, #tpu.memory_space<hbm>>) target(%dma_start3A_265 : memref<128xi32, #tpu.memory_space<vmem>>) target_semaphore(%arg19 : memref<!tpu.dma_semaphore, #tpu.memory_space<semaphore_mem>>)
      } else {
      }
    }
    %scan3A_96 = arith.constant 78 : i32
    %lt3A = arith.constant 4 : i32
    %lt3A_97 = arith.cmpi slt, %arg1, %lt3A : i32
    %convert_element_type3A_98 = arith.extui %lt3A_97 : i1 to i32
    %cond3A_99 = arith.constant 0 : i32
    %cond3A_100 = arith.cmpi ne, %convert_element_type3A_98, %cond3A_99 : i32
    scf.if %cond3A_100 {
      %add3A_114 = arith.constant 2496 : i32
      %add3A_115 = arith.addi %add3A_114, %arg1 : i32
      %mul3A_116 = arith.constant 128 : i32
      %mul3A_117 = arith.muli %add3A_115, %mul3A_116 : i32
      "tpu.region"() ({
        %run_scoped3A_130 = tpu.sem_alloc : memref<!tpu.dma_semaphore, #tpu.memory_space<semaphore_mem>>
        %dma_start3A_131 = tpu.memref_slice %arg2[%mul3A_117, %mul3A_0] : memref<320000x128xf32, #tpu.memory_space<hbm>> -> memref<128x64xf32, #tpu.memory_space<hbm>>
        %dma_start3A_132 = tpu.memref_slice %arg2[%mul3A_117, %mul3A_0] : memref<320000x128xf32, #tpu.memory_space<hbm>> -> memref<128x64xf32, #tpu.memory_space<hbm>>
        tpu.enqueue_dma source(%dma_start3A_132 : memref<128x64xf32, #tpu.memory_space<hbm>>) target(%arg10 : memref<128x64xf32, #tpu.memory_space<vmem>>) target_semaphore(%run_scoped3A_130 : memref<!tpu.dma_semaphore, #tpu.memory_space<semaphore_mem>>)
        %dma_wait3A = tpu.memref_slice %arg2[%mul3A_117, %mul3A_0] : memref<320000x128xf32, #tpu.memory_space<hbm>> -> memref<128x64xf32, #tpu.memory_space<hbm>>
        %dma_wait3A_133 = tpu.memref_slice %arg2[%mul3A_117, %mul3A_0] : memref<320000x128xf32, #tpu.memory_space<hbm>> -> memref<128x64xf32, #tpu.memory_space<hbm>>
        tpu.wait_dma2 semaphore(%run_scoped3A_130 : memref<!tpu.dma_semaphore, #tpu.memory_space<semaphore_mem>>) src(%dma_wait3A_133 : memref<128x64xf32, #tpu.memory_space<hbm>>) dst(%arg10 : memref<128x64xf32, #tpu.memory_space<vmem>>)
        tpu.yield
      }) : () -> ()
      %run_scoped3A = arith.constant 0 : i32
      "tpu.region"() ({
        %run_scoped3A_130 = tpu.sem_alloc : memref<!tpu.dma_semaphore, #tpu.memory_space<semaphore_mem>>
        %dma_start3A_131 = arith.constant 0 : i32
        %dma_start3A_132 = tpu.memref_slice %arg14[%run_scoped3A, %dma_start3A_131] : memref<2x128xi32, #tpu.memory_space<vmem>> -> memref<1x128xi32, #tpu.memory_space<vmem>>
        %dma_start3A_133 = tpu.memref_squeeze %dma_start3A_132 : memref<1x128xi32, #tpu.memory_space<vmem>> -> memref<128xi32, #tpu.memory_space<vmem>>
        %dma_start3A_134 = arith.constant 0 : i32
        %dma_start3A_135 = tpu.memref_slice %arg3[%add3A_115, %dma_start3A_134] : memref<2500x128xi32, #tpu.memory_space<hbm>> -> memref<1x128xi32, #tpu.memory_space<hbm>>
        %dma_start3A_136 = tpu.memref_squeeze %dma_start3A_135 : memref<1x128xi32, #tpu.memory_space<hbm>> -> memref<128xi32, #tpu.memory_space<hbm>>
        %dma_start3A_137 = arith.constant 0 : i32
        %dma_start3A_138 = tpu.memref_slice %arg14[%run_scoped3A, %dma_start3A_137] : memref<2x128xi32, #tpu.memory_space<vmem>> -> memref<1x128xi32, #tpu.memory_space<vmem>>
        %dma_start3A_139 = tpu.memref_squeeze %dma_start3A_138 : memref<1x128xi32, #tpu.memory_space<vmem>> -> memref<128xi32, #tpu.memory_space<vmem>>
        %dma_start3A_140 = arith.constant 0 : i32
        %dma_start3A_141 = tpu.memref_slice %arg3[%add3A_115, %dma_start3A_140] : memref<2500x128xi32, #tpu.memory_space<hbm>> -> memref<1x128xi32, #tpu.memory_space<hbm>>
        %dma_start3A_142 = tpu.memref_squeeze %dma_start3A_141 : memref<1x128xi32, #tpu.memory_space<hbm>> -> memref<128xi32, #tpu.memory_space<hbm>>
        tpu.enqueue_dma source(%dma_start3A_142 : memref<128xi32, #tpu.memory_space<hbm>>) target(%dma_start3A_139 : memref<128xi32, #tpu.memory_space<vmem>>) target_semaphore(%run_scoped3A_130 : memref<!tpu.dma_semaphore, #tpu.memory_space<semaphore_mem>>)
        %dma_wait3A = arith.constant 0 : i32
        %dma_wait3A_143 = tpu.memref_slice %arg14[%run_scoped3A, %dma_wait3A] : memref<2x128xi32, #tpu.memory_space<vmem>> -> memref<1x128xi32, #tpu.memory_space<vmem>>
        %dma_wait3A_144 = tpu.memref_squeeze %dma_wait3A_143 : memref<1x128xi32, #tpu.memory_space<vmem>> -> memref<128xi32, #tpu.memory_space<vmem>>
        %dma_wait3A_145 = arith.constant 0 : i32
        %dma_wait3A_146 = tpu.memref_slice %arg3[%add3A_115, %dma_wait3A_145] : memref<2500x128xi32, #tpu.memory_space<hbm>> -> memref<1x128xi32, #tpu.memory_space<hbm>>
        %dma_wait3A_147 = tpu.memref_squeeze %dma_wait3A_146 : memref<1x128xi32, #tpu.memory_space<hbm>> -> memref<128xi32, #tpu.memory_space<hbm>>
        %dma_wait3A_148 = arith.constant 0 : i32
        %dma_wait3A_149 = tpu.memref_slice %arg14[%run_scoped3A, %dma_wait3A_148] : memref<2x128xi32, #tpu.memory_space<vmem>> -> memref<1x128xi32, #tpu.memory_space<vmem>>
        %dma_wait3A_150 = tpu.memref_squeeze %dma_wait3A_149 : memref<1x128xi32, #tpu.memory_space<vmem>> -> memref<128xi32, #tpu.memory_space<vmem>>
        %dma_wait3A_151 = arith.constant 0 : i32
        %dma_wait3A_152 = tpu.memref_slice %arg3[%add3A_115, %dma_wait3A_151] : memref<2500x128xi32, #tpu.memory_space<hbm>> -> memref<1x128xi32, #tpu.memory_space<hbm>>
        %dma_wait3A_153 = tpu.memref_squeeze %dma_wait3A_152 : memref<1x128xi32, #tpu.memory_space<hbm>> -> memref<128xi32, #tpu.memory_space<hbm>>
        tpu.wait_dma2 semaphore(%run_scoped3A_130 : memref<!tpu.dma_semaphore, #tpu.memory_space<semaphore_mem>>) src(%dma_wait3A_153 : memref<128xi32, #tpu.memory_space<hbm>>) dst(%dma_wait3A_150 : memref<128xi32, #tpu.memory_space<vmem>>)
        tpu.yield
      }) : () -> ()
      %run_scoped3A_118 = arith.constant 0 : i32
      "tpu.region"() ({
        %run_scoped3A_130 = tpu.sem_alloc : memref<!tpu.dma_semaphore, #tpu.memory_space<semaphore_mem>>
        %dma_start3A_131 = arith.constant 0 : i32
        %dma_start3A_132 = tpu.memref_slice %arg14[%run_scoped3A_118, %dma_start3A_131] : memref<2x128xi32, #tpu.memory_space<vmem>> -> memref<1x128xi32, #tpu.memory_space<vmem>>
        %dma_start3A_133 = tpu.memref_squeeze %dma_start3A_132 : memref<1x128xi32, #tpu.memory_space<vmem>> -> memref<128xi32, #tpu.memory_space<vmem>>
        %dma_start3A_134 = arith.constant 0 : i32
        %dma_start3A_135 = arith.constant 0 : i32
        %dma_start3A_136 = tpu.memref_slice %arg7[%dma_start3A_134, %dma_start3A_135] : memref<10000x64xf32, #tpu.memory_space<vmem_shared>> -> memref<10000x64xf32, #tpu.memory_space<vmem_shared>>
        tpu.enqueue_indirect_dma source(%arg10 : memref<128x64xf32, #tpu.memory_space<vmem>>) target(%dma_start3A_136 : memref<10000x64xf32, #tpu.memory_space<vmem_shared>>) offsets(%dma_start3A_133 : memref<128xi32, #tpu.memory_space<vmem>>) semaphore(%run_scoped3A_130 : memref<!tpu.dma_semaphore, #tpu.memory_space<semaphore_mem>>) {add = true}
        %dma_wait3A = arith.constant 0 : i32
        %dma_wait3A_137 = tpu.memref_slice %arg14[%run_scoped3A_118, %dma_wait3A] : memref<2x128xi32, #tpu.memory_space<vmem>> -> memref<1x128xi32, #tpu.memory_space<vmem>>
        %dma_wait3A_138 = tpu.memref_squeeze %dma_wait3A_137 : memref<1x128xi32, #tpu.memory_space<vmem>> -> memref<128xi32, #tpu.memory_space<vmem>>
        %dma_wait3A_139 = arith.constant 0 : i32
        %dma_wait3A_140 = arith.constant 0 : i32
        %dma_wait3A_141 = tpu.memref_slice %arg7[%dma_wait3A_139, %dma_wait3A_140] : memref<10000x64xf32, #tpu.memory_space<vmem_shared>> -> memref<10000x64xf32, #tpu.memory_space<vmem_shared>>
        tpu.wait_indirect_dma semaphore(%run_scoped3A_130 : memref<!tpu.dma_semaphore, #tpu.memory_space<semaphore_mem>>) src(%arg10 : memref<128x64xf32, #tpu.memory_space<vmem>>) dst(%dma_wait3A_141 : memref<10000x64xf32, #tpu.memory_space<vmem_shared>>)
        tpu.yield
      }) : () -> ()
      %scan3A_119 = arith.constant 0 : i32
      %scan3A_120 = arith.constant 32 : i32
      %scan3A_121 = arith.addi %scan3A_119, %scan3A_120 : i32
      %scan3A_122 = arith.constant 1 : i32
      scf.for %scan3A_130 = %scan3A_119 to %scan3A_121 step %scan3A_122  : i32 {
        %mul3A_131 = arith.constant 4 : i32
        %mul3A_132 = arith.muli %scan3A_130, %mul3A_131 : i32
        %add3A_133 = arith.constant 0 : i32
        %add3A_134 = arith.addi %add3A_133, %mul3A_132 : i32
        %add3A_135 = arith.constant 0 : i32
        %add3A_136 = arith.addi %add3A_134, %add3A_135 : i32
        %get3A = arith.index_cast %add3A_136 : i32 to index
        %get3A_137 = arith.constant 0 : index
        %get3A_138 = tpu.vector_load %arg10[%get3A, %get3A_137] {strides = array<i32>} : memref<128x64xf32, #tpu.memory_space<vmem>>, vector<16xf32>,
        %mul3A_139 = arith.mulf %get3A_138, %get3A_138 : vector<16xf32>
        %add3A_140 = arith.constant 0 : i32
        %add3A_141 = arith.addi %add3A_134, %add3A_140 : i32
        %swap3A = arith.index_cast %add3A_141 : i32 to index
        %swap3A_142 = arith.constant 0 : index
        %swap3A_143 = tpu.vector_load %arg12[%swap3A, %swap3A_142] {strides = array<i32>} : memref<128x64xf32, #tpu.memory_space<vmem>>, vector<16xf32>,
        tpu.vector_store %arg12[%swap3A, %swap3A_142], %mul3A_139 {strides = array<i32>} : memref<128x64xf32, #tpu.memory_space<vmem>>, vector<16xf32>,
        %add3A_144 = arith.constant 0 : i32
        %add3A_145 = arith.addi %add3A_134, %add3A_144 : i32
        %get3A_146 = arith.index_cast %add3A_145 : i32 to index
        %get3A_147 = arith.constant 16 : index
        %get3A_148 = tpu.vector_load %arg10[%get3A_146, %get3A_147] {strides = array<i32>} : memref<128x64xf32, #tpu.memory_space<vmem>>, vector<16xf32>,
        %mul3A_149 = arith.mulf %get3A_148, %get3A_148 : vector<16xf32>
        %add3A_150 = arith.constant 0 : i32
        %add3A_151 = arith.addi %add3A_134, %add3A_150 : i32
        %swap3A_152 = arith.index_cast %add3A_151 : i32 to index
        %swap3A_153 = arith.constant 16 : index
        %swap3A_154 = tpu.vector_load %arg12[%swap3A_152, %swap3A_153] {strides = array<i32>} : memref<128x64xf32, #tpu.memory_space<vmem>>, vector<16xf32>,
        tpu.vector_store %arg12[%swap3A_152, %swap3A_153], %mul3A_149 {strides = array<i32>} : memref<128x64xf32, #tpu.memory_space<vmem>>, vector<16xf32>,
        %add3A_155 = arith.constant 0 : i32
        %add3A_156 = arith.addi %add3A_134, %add3A_155 : i32
        %get3A_157 = arith.index_cast %add3A_156 : i32 to index
        %get3A_158 = arith.constant 32 : index
        %get3A_159 = tpu.vector_load %arg10[%get3A_157, %get3A_158] {strides = array<i32>} : memref<128x64xf32, #tpu.memory_space<vmem>>, vector<16xf32>,
        %mul3A_160 = arith.mulf %get3A_159, %get3A_159 : vector<16xf32>
        %add3A_161 = arith.constant 0 : i32
        %add3A_162 = arith.addi %add3A_134, %add3A_161 : i32
        %swap3A_163 = arith.index_cast %add3A_162 : i32 to index
        %swap3A_164 = arith.constant 32 : index
        %swap3A_165 = tpu.vector_load %arg12[%swap3A_163, %swap3A_164] {strides = array<i32>} : memref<128x64xf32, #tpu.memory_space<vmem>>, vector<16xf32>,
        tpu.vector_store %arg12[%swap3A_163, %swap3A_164], %mul3A_160 {strides = array<i32>} : memref<128x64xf32, #tpu.memory_space<vmem>>, vector<16xf32>,
        %add3A_166 = arith.constant 0 : i32
        %add3A_167 = arith.addi %add3A_134, %add3A_166 : i32
        %get3A_168 = arith.index_cast %add3A_167 : i32 to index
        %get3A_169 = arith.constant 48 : index
        %get3A_170 = tpu.vector_load %arg10[%get3A_168, %get3A_169] {strides = array<i32>} : memref<128x64xf32, #tpu.memory_space<vmem>>, vector<16xf32>,
        %mul3A_171 = arith.mulf %get3A_170, %get3A_170 : vector<16xf32>
        %add3A_172 = arith.constant 0 : i32
        %add3A_173 = arith.addi %add3A_134, %add3A_172 : i32
        %swap3A_174 = arith.index_cast %add3A_173 : i32 to index
        %swap3A_175 = arith.constant 48 : index
        %swap3A_176 = tpu.vector_load %arg12[%swap3A_174, %swap3A_175] {strides = array<i32>} : memref<128x64xf32, #tpu.memory_space<vmem>>, vector<16xf32>,
        tpu.vector_store %arg12[%swap3A_174, %swap3A_175], %mul3A_171 {strides = array<i32>} : memref<128x64xf32, #tpu.memory_space<vmem>>, vector<16xf32>,
        %add3A_177 = arith.constant 1 : i32
        %add3A_178 = arith.addi %add3A_134, %add3A_177 : i32
        %get3A_179 = arith.index_cast %add3A_178 : i32 to index
        %get3A_180 = arith.constant 0 : index
        %get3A_181 = tpu.vector_load %arg10[%get3A_179, %get3A_180] {strides = array<i32>} : memref<128x64xf32, #tpu.memory_space<vmem>>, vector<16xf32>,
        %mul3A_182 = arith.mulf %get3A_181, %get3A_181 : vector<16xf32>
        %add3A_183 = arith.constant 1 : i32
        %add3A_184 = arith.addi %add3A_134, %add3A_183 : i32
        %swap3A_185 = arith.index_cast %add3A_184 : i32 to index
        %swap3A_186 = arith.constant 0 : index
        %swap3A_187 = tpu.vector_load %arg12[%swap3A_185, %swap3A_186] {strides = array<i32>} : memref<128x64xf32, #tpu.memory_space<vmem>>, vector<16xf32>,
        tpu.vector_store %arg12[%swap3A_185, %swap3A_186], %mul3A_182 {strides = array<i32>} : memref<128x64xf32, #tpu.memory_space<vmem>>, vector<16xf32>,
        %add3A_188 = arith.constant 1 : i32
        %add3A_189 = arith.addi %add3A_134, %add3A_188 : i32
        %get3A_190 = arith.index_cast %add3A_189 : i32 to index
        %get3A_191 = arith.constant 16 : index
        %get3A_192 = tpu.vector_load %arg10[%get3A_190, %get3A_191] {strides = array<i32>} : memref<128x64xf32, #tpu.memory_space<vmem>>, vector<16xf32>,
        %mul3A_193 = arith.mulf %get3A_192, %get3A_192 : vector<16xf32>
        %add3A_194 = arith.constant 1 : i32
        %add3A_195 = arith.addi %add3A_134, %add3A_194 : i32
        %swap3A_196 = arith.index_cast %add3A_195 : i32 to index
        %swap3A_197 = arith.constant 16 : index
        %swap3A_198 = tpu.vector_load %arg12[%swap3A_196, %swap3A_197] {strides = array<i32>} : memref<128x64xf32, #tpu.memory_space<vmem>>, vector<16xf32>,
        tpu.vector_store %arg12[%swap3A_196, %swap3A_197], %mul3A_193 {strides = array<i32>} : memref<128x64xf32, #tpu.memory_space<vmem>>, vector<16xf32>,
        %add3A_199 = arith.constant 1 : i32
        %add3A_200 = arith.addi %add3A_134, %add3A_199 : i32
        %get3A_201 = arith.index_cast %add3A_200 : i32 to index
        %get3A_202 = arith.constant 32 : index
        %get3A_203 = tpu.vector_load %arg10[%get3A_201, %get3A_202] {strides = array<i32>} : memref<128x64xf32, #tpu.memory_space<vmem>>, vector<16xf32>,
        %mul3A_204 = arith.mulf %get3A_203, %get3A_203 : vector<16xf32>
        %add3A_205 = arith.constant 1 : i32
        %add3A_206 = arith.addi %add3A_134, %add3A_205 : i32
        %swap3A_207 = arith.index_cast %add3A_206 : i32 to index
        %swap3A_208 = arith.constant 32 : index
        %swap3A_209 = tpu.vector_load %arg12[%swap3A_207, %swap3A_208] {strides = array<i32>} : memref<128x64xf32, #tpu.memory_space<vmem>>, vector<16xf32>,
        tpu.vector_store %arg12[%swap3A_207, %swap3A_208], %mul3A_204 {strides = array<i32>} : memref<128x64xf32, #tpu.memory_space<vmem>>, vector<16xf32>,
        %add3A_210 = arith.constant 1 : i32
        %add3A_211 = arith.addi %add3A_134, %add3A_210 : i32
        %get3A_212 = arith.index_cast %add3A_211 : i32 to index
        %get3A_213 = arith.constant 48 : index
        %get3A_214 = tpu.vector_load %arg10[%get3A_212, %get3A_213] {strides = array<i32>} : memref<128x64xf32, #tpu.memory_space<vmem>>, vector<16xf32>,
        %mul3A_215 = arith.mulf %get3A_214, %get3A_214 : vector<16xf32>
        %add3A_216 = arith.constant 1 : i32
        %add3A_217 = arith.addi %add3A_134, %add3A_216 : i32
        %swap3A_218 = arith.index_cast %add3A_217 : i32 to index
        %swap3A_219 = arith.constant 48 : index
        %swap3A_220 = tpu.vector_load %arg12[%swap3A_218, %swap3A_219] {strides = array<i32>} : memref<128x64xf32, #tpu.memory_space<vmem>>, vector<16xf32>,
        tpu.vector_store %arg12[%swap3A_218, %swap3A_219], %mul3A_215 {strides = array<i32>} : memref<128x64xf32, #tpu.memory_space<vmem>>, vector<16xf32>,
        %add3A_221 = arith.constant 2 : i32
        %add3A_222 = arith.addi %add3A_134, %add3A_221 : i32
        %get3A_223 = arith.index_cast %add3A_222 : i32 to index
        %get3A_224 = arith.constant 0 : index
        %get3A_225 = tpu.vector_load %arg10[%get3A_223, %get3A_224] {strides = array<i32>} : memref<128x64xf32, #tpu.memory_space<vmem>>, vector<16xf32>,
        %mul3A_226 = arith.mulf %get3A_225, %get3A_225 : vector<16xf32>
        %add3A_227 = arith.constant 2 : i32
        %add3A_228 = arith.addi %add3A_134, %add3A_227 : i32
        %swap3A_229 = arith.index_cast %add3A_228 : i32 to index
        %swap3A_230 = arith.constant 0 : index
        %swap3A_231 = tpu.vector_load %arg12[%swap3A_229, %swap3A_230] {strides = array<i32>} : memref<128x64xf32, #tpu.memory_space<vmem>>, vector<16xf32>,
        tpu.vector_store %arg12[%swap3A_229, %swap3A_230], %mul3A_226 {strides = array<i32>} : memref<128x64xf32, #tpu.memory_space<vmem>>, vector<16xf32>,
        %add3A_232 = arith.constant 2 : i32
        %add3A_233 = arith.addi %add3A_134, %add3A_232 : i32
        %get3A_234 = arith.index_cast %add3A_233 : i32 to index
        %get3A_235 = arith.constant 16 : index
        %get3A_236 = tpu.vector_load %arg10[%get3A_234, %get3A_235] {strides = array<i32>} : memref<128x64xf32, #tpu.memory_space<vmem>>, vector<16xf32>,
        %mul3A_237 = arith.mulf %get3A_236, %get3A_236 : vector<16xf32>
        %add3A_238 = arith.constant 2 : i32
        %add3A_239 = arith.addi %add3A_134, %add3A_238 : i32
        %swap3A_240 = arith.index_cast %add3A_239 : i32 to index
        %swap3A_241 = arith.constant 16 : index
        %swap3A_242 = tpu.vector_load %arg12[%swap3A_240, %swap3A_241] {strides = array<i32>} : memref<128x64xf32, #tpu.memory_space<vmem>>, vector<16xf32>,
        tpu.vector_store %arg12[%swap3A_240, %swap3A_241], %mul3A_237 {strides = array<i32>} : memref<128x64xf32, #tpu.memory_space<vmem>>, vector<16xf32>,
        %add3A_243 = arith.constant 2 : i32
        %add3A_244 = arith.addi %add3A_134, %add3A_243 : i32
        %get3A_245 = arith.index_cast %add3A_244 : i32 to index
        %get3A_246 = arith.constant 32 : index
        %get3A_247 = tpu.vector_load %arg10[%get3A_245, %get3A_246] {strides = array<i32>} : memref<128x64xf32, #tpu.memory_space<vmem>>, vector<16xf32>,
        %mul3A_248 = arith.mulf %get3A_247, %get3A_247 : vector<16xf32>
        %add3A_249 = arith.constant 2 : i32
        %add3A_250 = arith.addi %add3A_134, %add3A_249 : i32
        %swap3A_251 = arith.index_cast %add3A_250 : i32 to index
        %swap3A_252 = arith.constant 32 : index
        %swap3A_253 = tpu.vector_load %arg12[%swap3A_251, %swap3A_252] {strides = array<i32>} : memref<128x64xf32, #tpu.memory_space<vmem>>, vector<16xf32>,
        tpu.vector_store %arg12[%swap3A_251, %swap3A_252], %mul3A_248 {strides = array<i32>} : memref<128x64xf32, #tpu.memory_space<vmem>>, vector<16xf32>,
        %add3A_254 = arith.constant 2 : i32
        %add3A_255 = arith.addi %add3A_134, %add3A_254 : i32
        %get3A_256 = arith.index_cast %add3A_255 : i32 to index
        %get3A_257 = arith.constant 48 : index
        %get3A_258 = tpu.vector_load %arg10[%get3A_256, %get3A_257] {strides = array<i32>} : memref<128x64xf32, #tpu.memory_space<vmem>>, vector<16xf32>,
        %mul3A_259 = arith.mulf %get3A_258, %get3A_258 : vector<16xf32>
        %add3A_260 = arith.constant 2 : i32
        %add3A_261 = arith.addi %add3A_134, %add3A_260 : i32
        %swap3A_262 = arith.index_cast %add3A_261 : i32 to index
        %swap3A_263 = arith.constant 48 : index
        %swap3A_264 = tpu.vector_load %arg12[%swap3A_262, %swap3A_263] {strides = array<i32>} : memref<128x64xf32, #tpu.memory_space<vmem>>, vector<16xf32>,
        tpu.vector_store %arg12[%swap3A_262, %swap3A_263], %mul3A_259 {strides = array<i32>} : memref<128x64xf32, #tpu.memory_space<vmem>>, vector<16xf32>,
        %add3A_265 = arith.constant 3 : i32
        %add3A_266 = arith.addi %add3A_134, %add3A_265 : i32
        %get3A_267 = arith.index_cast %add3A_266 : i32 to index
        %get3A_268 = arith.constant 0 : index
        %get3A_269 = tpu.vector_load %arg10[%get3A_267, %get3A_268] {strides = array<i32>} : memref<128x64xf32, #tpu.memory_space<vmem>>, vector<16xf32>,
        %mul3A_270 = arith.mulf %get3A_269, %get3A_269 : vector<16xf32>
        %add3A_271 = arith.constant 3 : i32
        %add3A_272 = arith.addi %add3A_134, %add3A_271 : i32
        %swap3A_273 = arith.index_cast %add3A_272 : i32 to index
        %swap3A_274 = arith.constant 0 : index
        %swap3A_275 = tpu.vector_load %arg12[%swap3A_273, %swap3A_274] {strides = array<i32>} : memref<128x64xf32, #tpu.memory_space<vmem>>, vector<16xf32>,
        tpu.vector_store %arg12[%swap3A_273, %swap3A_274], %mul3A_270 {strides = array<i32>} : memref<128x64xf32, #tpu.memory_space<vmem>>, vector<16xf32>,
        %add3A_276 = arith.constant 3 : i32
        %add3A_277 = arith.addi %add3A_134, %add3A_276 : i32
        %get3A_278 = arith.index_cast %add3A_277 : i32 to index
        %get3A_279 = arith.constant 16 : index
        %get3A_280 = tpu.vector_load %arg10[%get3A_278, %get3A_279] {strides = array<i32>} : memref<128x64xf32, #tpu.memory_space<vmem>>, vector<16xf32>,
        %mul3A_281 = arith.mulf %get3A_280, %get3A_280 : vector<16xf32>
        %add3A_282 = arith.constant 3 : i32
        %add3A_283 = arith.addi %add3A_134, %add3A_282 : i32
        %swap3A_284 = arith.index_cast %add3A_283 : i32 to index
        %swap3A_285 = arith.constant 16 : index
        %swap3A_286 = tpu.vector_load %arg12[%swap3A_284, %swap3A_285] {strides = array<i32>} : memref<128x64xf32, #tpu.memory_space<vmem>>, vector<16xf32>,
        tpu.vector_store %arg12[%swap3A_284, %swap3A_285], %mul3A_281 {strides = array<i32>} : memref<128x64xf32, #tpu.memory_space<vmem>>, vector<16xf32>,
        %add3A_287 = arith.constant 3 : i32
        %add3A_288 = arith.addi %add3A_134, %add3A_287 : i32
        %get3A_289 = arith.index_cast %add3A_288 : i32 to index
        %get3A_290 = arith.constant 32 : index
        %get3A_291 = tpu.vector_load %arg10[%get3A_289, %get3A_290] {strides = array<i32>} : memref<128x64xf32, #tpu.memory_space<vmem>>, vector<16xf32>,
        %mul3A_292 = arith.mulf %get3A_291, %get3A_291 : vector<16xf32>
        %add3A_293 = arith.constant 3 : i32
        %add3A_294 = arith.addi %add3A_134, %add3A_293 : i32
        %swap3A_295 = arith.index_cast %add3A_294 : i32 to index
        %swap3A_296 = arith.constant 32 : index
        %swap3A_297 = tpu.vector_load %arg12[%swap3A_295, %swap3A_296] {strides = array<i32>} : memref<128x64xf32, #tpu.memory_space<vmem>>, vector<16xf32>,
        tpu.vector_store %arg12[%swap3A_295, %swap3A_296], %mul3A_292 {strides = array<i32>} : memref<128x64xf32, #tpu.memory_space<vmem>>, vector<16xf32>,
        %add3A_298 = arith.constant 3 : i32
        %add3A_299 = arith.addi %add3A_134, %add3A_298 : i32
        %get3A_300 = arith.index_cast %add3A_299 : i32 to index
        %get3A_301 = arith.constant 48 : index
        %get3A_302 = tpu.vector_load %arg10[%get3A_300, %get3A_301] {strides = array<i32>} : memref<128x64xf32, #tpu.memory_space<vmem>>, vector<16xf32>,
        %mul3A_303 = arith.mulf %get3A_302, %get3A_302 : vector<16xf32>
        %add3A_304 = arith.constant 3 : i32
        %add3A_305 = arith.addi %add3A_134, %add3A_304 : i32
        %swap3A_306 = arith.index_cast %add3A_305 : i32 to index
        %swap3A_307 = arith.constant 48 : index
        %swap3A_308 = tpu.vector_load %arg12[%swap3A_306, %swap3A_307] {strides = array<i32>} : memref<128x64xf32, #tpu.memory_space<vmem>>, vector<16xf32>,
        tpu.vector_store %arg12[%swap3A_306, %swap3A_307], %mul3A_303 {strides = array<i32>} : memref<128x64xf32, #tpu.memory_space<vmem>>, vector<16xf32>,
      }
      %scan3A_123 = arith.constant 32 : i32
      %run_scoped3A_124 = arith.constant 0 : i32
      "tpu.region"() ({
        %run_scoped3A_130 = tpu.sem_alloc : memref<!tpu.dma_semaphore, #tpu.memory_space<semaphore_mem>>
        %dma_start3A_131 = arith.constant 0 : i32
        %dma_start3A_132 = tpu.memref_slice %arg14[%run_scoped3A_124, %dma_start3A_131] : memref<2x128xi32, #tpu.memory_space<vmem>> -> memref<1x128xi32, #tpu.memory_space<vmem>>
        %dma_start3A_133 = tpu.memref_squeeze %dma_start3A_132 : memref<1x128xi32, #tpu.memory_space<vmem>> -> memref<128xi32, #tpu.memory_space<vmem>>
        %dma_start3A_134 = arith.constant 0 : i32
        %dma_start3A_135 = arith.constant 0 : i32
        %dma_start3A_136 = tpu.memref_slice %arg8[%dma_start3A_134, %dma_start3A_135] : memref<10000x64xf32, #tpu.memory_space<vmem_shared>> -> memref<10000x64xf32, #tpu.memory_space<vmem_shared>>
        tpu.enqueue_indirect_dma source(%arg12 : memref<128x64xf32, #tpu.memory_space<vmem>>) target(%dma_start3A_136 : memref<10000x64xf32, #tpu.memory_space<vmem_shared>>) offsets(%dma_start3A_133 : memref<128xi32, #tpu.memory_space<vmem>>) semaphore(%run_scoped3A_130 : memref<!tpu.dma_semaphore, #tpu.memory_space<semaphore_mem>>) {add = true}
        %dma_wait3A = arith.constant 0 : i32
        %dma_wait3A_137 = tpu.memref_slice %arg14[%run_scoped3A_124, %dma_wait3A] : memref<2x128xi32, #tpu.memory_space<vmem>> -> memref<1x128xi32, #tpu.memory_space<vmem>>
        %dma_wait3A_138 = tpu.memref_squeeze %dma_wait3A_137 : memref<1x128xi32, #tpu.memory_space<vmem>> -> memref<128xi32, #tpu.memory_space<vmem>>
        %dma_wait3A_139 = arith.constant 0 : i32
        %dma_wait3A_140 = arith.constant 0 : i32
        %dma_wait3A_141 = tpu.memref_slice %arg8[%dma_wait3A_139, %dma_wait3A_140] : memref<10000x64xf32, #tpu.memory_space<vmem_shared>> -> memref<10000x64xf32, #tpu.memory_space<vmem_shared>>
        tpu.wait_indirect_dma semaphore(%run_scoped3A_130 : memref<!tpu.dma_semaphore, #tpu.memory_space<semaphore_mem>>) src(%arg12 : memref<128x64xf32, #tpu.memory_space<vmem>>) dst(%dma_wait3A_141 : memref<10000x64xf32, #tpu.memory_space<vmem_shared>>)
        tpu.yield
      }) : () -> ()
      %eq3A_125 = arith.constant 0 : i32
      %eq3A_126 = arith.cmpi eq, %arg0, %eq3A_125 : i32
      %convert_element_type3A_127 = arith.extui %eq3A_126 : i1 to i32
      %cond3A_128 = arith.constant 0 : i32
      %cond3A_129 = arith.cmpi ne, %convert_element_type3A_127, %cond3A_128 : i32
      scf.if %cond3A_129 {
        %get3A = arith.constant 0 : i32
        %get3A_130 = arith.index_cast %get3A : i32 to index
        %get3A_131 = arith.constant 0 : index
        %get3A_132 = tpu.vector_load %arg14[%get3A_130, %get3A_131] {strides = array<i32>} : memref<2x128xi32, #tpu.memory_space<vmem>>, vector<16xi32>,
        %shift_right_arithmetic3A = arith.constant 4 : i32
        %shift_right_arithmetic3A_133 = vector.broadcast %shift_right_arithmetic3A : i32 to vector<16xi32>
        %shift_right_arithmetic3A_134 = arith.shrsi %get3A_132, %shift_right_arithmetic3A_133 : vector<16xi32>
        %and3A_135 = arith.constant 15 : i32
        %and3A_136 = vector.broadcast %and3A_135 : i32 to vector<16xi32>
        %and3A_137 = arith.andi %get3A_132, %and3A_136 : vector<16xi32>
        tpu.vector_store_idx %arg15[%shift_right_arithmetic3A_134, %and3A_137], %broadcast_in_dim3A_91 {add = true} : memref<640x16xf32, #tpu.memory_space<vmem>>[vector<16xi32>, vector<16xi32>], vector<16xf32>,
        %get3A_138 = arith.constant 0 : i32
        %get3A_139 = arith.index_cast %get3A_138 : i32 to index
        %get3A_140 = arith.constant 16 : index
        %get3A_141 = tpu.vector_load %arg14[%get3A_139, %get3A_140] {strides = array<i32>} : memref<2x128xi32, #tpu.memory_space<vmem>>, vector<16xi32>,
        %shift_right_arithmetic3A_142 = arith.constant 4 : i32
        %shift_right_arithmetic3A_143 = vector.broadcast %shift_right_arithmetic3A_142 : i32 to vector<16xi32>
        %shift_right_arithmetic3A_144 = arith.shrsi %get3A_141, %shift_right_arithmetic3A_143 : vector<16xi32>
        %and3A_145 = arith.constant 15 : i32
        %and3A_146 = vector.broadcast %and3A_145 : i32 to vector<16xi32>
        %and3A_147 = arith.andi %get3A_141, %and3A_146 : vector<16xi32>
        tpu.vector_store_idx %arg15[%shift_right_arithmetic3A_144, %and3A_147], %broadcast_in_dim3A_91 {add = true} : memref<640x16xf32, #tpu.memory_space<vmem>>[vector<16xi32>, vector<16xi32>], vector<16xf32>,
        %get3A_148 = arith.constant 0 : i32
        %get3A_149 = arith.index_cast %get3A_148 : i32 to index
        %get3A_150 = arith.constant 32 : index
        %get3A_151 = tpu.vector_load %arg14[%get3A_149, %get3A_150] {strides = array<i32>} : memref<2x128xi32, #tpu.memory_space<vmem>>, vector<16xi32>,
        %shift_right_arithmetic3A_152 = arith.constant 4 : i32
        %shift_right_arithmetic3A_153 = vector.broadcast %shift_right_arithmetic3A_152 : i32 to vector<16xi32>
        %shift_right_arithmetic3A_154 = arith.shrsi %get3A_151, %shift_right_arithmetic3A_153 : vector<16xi32>
        %and3A_155 = arith.constant 15 : i32
        %and3A_156 = vector.broadcast %and3A_155 : i32 to vector<16xi32>
        %and3A_157 = arith.andi %get3A_151, %and3A_156 : vector<16xi32>
        tpu.vector_store_idx %arg15[%shift_right_arithmetic3A_154, %and3A_157], %broadcast_in_dim3A_91 {add = true} : memref<640x16xf32, #tpu.memory_space<vmem>>[vector<16xi32>, vector<16xi32>], vector<16xf32>,
        %get3A_158 = arith.constant 0 : i32
        %get3A_159 = arith.index_cast %get3A_158 : i32 to index
        %get3A_160 = arith.constant 48 : index
        %get3A_161 = tpu.vector_load %arg14[%get3A_159, %get3A_160] {strides = array<i32>} : memref<2x128xi32, #tpu.memory_space<vmem>>, vector<16xi32>,
        %shift_right_arithmetic3A_162 = arith.constant 4 : i32
        %shift_right_arithmetic3A_163 = vector.broadcast %shift_right_arithmetic3A_162 : i32 to vector<16xi32>
        %shift_right_arithmetic3A_164 = arith.shrsi %get3A_161, %shift_right_arithmetic3A_163 : vector<16xi32>
        %and3A_165 = arith.constant 15 : i32
        %and3A_166 = vector.broadcast %and3A_165 : i32 to vector<16xi32>
        %and3A_167 = arith.andi %get3A_161, %and3A_166 : vector<16xi32>
        tpu.vector_store_idx %arg15[%shift_right_arithmetic3A_164, %and3A_167], %broadcast_in_dim3A_91 {add = true} : memref<640x16xf32, #tpu.memory_space<vmem>>[vector<16xi32>, vector<16xi32>], vector<16xf32>,
        %get3A_168 = arith.constant 0 : i32
        %get3A_169 = arith.index_cast %get3A_168 : i32 to index
        %get3A_170 = arith.constant 64 : index
        %get3A_171 = tpu.vector_load %arg14[%get3A_169, %get3A_170] {strides = array<i32>} : memref<2x128xi32, #tpu.memory_space<vmem>>, vector<16xi32>,
        %shift_right_arithmetic3A_172 = arith.constant 4 : i32
        %shift_right_arithmetic3A_173 = vector.broadcast %shift_right_arithmetic3A_172 : i32 to vector<16xi32>
        %shift_right_arithmetic3A_174 = arith.shrsi %get3A_171, %shift_right_arithmetic3A_173 : vector<16xi32>
        %and3A_175 = arith.constant 15 : i32
        %and3A_176 = vector.broadcast %and3A_175 : i32 to vector<16xi32>
        %and3A_177 = arith.andi %get3A_171, %and3A_176 : vector<16xi32>
        tpu.vector_store_idx %arg15[%shift_right_arithmetic3A_174, %and3A_177], %broadcast_in_dim3A_91 {add = true} : memref<640x16xf32, #tpu.memory_space<vmem>>[vector<16xi32>, vector<16xi32>], vector<16xf32>,
        %get3A_178 = arith.constant 0 : i32
        %get3A_179 = arith.index_cast %get3A_178 : i32 to index
        %get3A_180 = arith.constant 80 : index
        %get3A_181 = tpu.vector_load %arg14[%get3A_179, %get3A_180] {strides = array<i32>} : memref<2x128xi32, #tpu.memory_space<vmem>>, vector<16xi32>,
        %shift_right_arithmetic3A_182 = arith.constant 4 : i32
        %shift_right_arithmetic3A_183 = vector.broadcast %shift_right_arithmetic3A_182 : i32 to vector<16xi32>
        %shift_right_arithmetic3A_184 = arith.shrsi %get3A_181, %shift_right_arithmetic3A_183 : vector<16xi32>
        %and3A_185 = arith.constant 15 : i32
        %and3A_186 = vector.broadcast %and3A_185 : i32 to vector<16xi32>
        %and3A_187 = arith.andi %get3A_181, %and3A_186 : vector<16xi32>
        tpu.vector_store_idx %arg15[%shift_right_arithmetic3A_184, %and3A_187], %broadcast_in_dim3A_91 {add = true} : memref<640x16xf32, #tpu.memory_space<vmem>>[vector<16xi32>, vector<16xi32>], vector<16xf32>,
        %get3A_188 = arith.constant 0 : i32
        %get3A_189 = arith.index_cast %get3A_188 : i32 to index
        %get3A_190 = arith.constant 96 : index
        %get3A_191 = tpu.vector_load %arg14[%get3A_189, %get3A_190] {strides = array<i32>} : memref<2x128xi32, #tpu.memory_space<vmem>>, vector<16xi32>,
        %shift_right_arithmetic3A_192 = arith.constant 4 : i32
        %shift_right_arithmetic3A_193 = vector.broadcast %shift_right_arithmetic3A_192 : i32 to vector<16xi32>
        %shift_right_arithmetic3A_194 = arith.shrsi %get3A_191, %shift_right_arithmetic3A_193 : vector<16xi32>
        %and3A_195 = arith.constant 15 : i32
        %and3A_196 = vector.broadcast %and3A_195 : i32 to vector<16xi32>
        %and3A_197 = arith.andi %get3A_191, %and3A_196 : vector<16xi32>
        tpu.vector_store_idx %arg15[%shift_right_arithmetic3A_194, %and3A_197], %broadcast_in_dim3A_91 {add = true} : memref<640x16xf32, #tpu.memory_space<vmem>>[vector<16xi32>, vector<16xi32>], vector<16xf32>,
        %get3A_198 = arith.constant 0 : i32
        %get3A_199 = arith.index_cast %get3A_198 : i32 to index
        %get3A_200 = arith.constant 112 : index
        %get3A_201 = tpu.vector_load %arg14[%get3A_199, %get3A_200] {strides = array<i32>} : memref<2x128xi32, #tpu.memory_space<vmem>>, vector<16xi32>,
        %shift_right_arithmetic3A_202 = arith.constant 4 : i32
        %shift_right_arithmetic3A_203 = vector.broadcast %shift_right_arithmetic3A_202 : i32 to vector<16xi32>
        %shift_right_arithmetic3A_204 = arith.shrsi %get3A_201, %shift_right_arithmetic3A_203 : vector<16xi32>
        %and3A_205 = arith.constant 15 : i32
        %and3A_206 = vector.broadcast %and3A_205 : i32 to vector<16xi32>
        %and3A_207 = arith.andi %get3A_201, %and3A_206 : vector<16xi32>
        tpu.vector_store_idx %arg15[%shift_right_arithmetic3A_204, %and3A_207], %broadcast_in_dim3A_91 {add = true} : memref<640x16xf32, #tpu.memory_space<vmem>>[vector<16xi32>, vector<16xi32>], vector<16xf32>,
      } else {
      }
    } else {
    }
    %eq3A_101 = arith.constant 0 : i32
    %eq3A_102 = arith.cmpi eq, %arg0, %eq3A_101 : i32
    %convert_element_type3A_103 = arith.extui %eq3A_102 : i1 to i32
    %cond3A_104 = arith.constant 0 : i32
    %cond3A_105 = arith.cmpi ne, %convert_element_type3A_103, %cond3A_104 : i32
    scf.if %cond3A_105 {
      %run_scoped3A = arith.constant 0 : i32
      "tpu.region"() ({
        %run_scoped3A_118 = tpu.sem_alloc : memref<!tpu.dma_semaphore, #tpu.memory_space<semaphore_mem>>
        %dma_start3A_119 = arith.constant 0 : i32
        %dma_start3A_120 = arith.constant 0 : i32
        %dma_start3A_121 = tpu.memref_slice %arg15[%dma_start3A_119, %dma_start3A_120] : memref<640x16xf32, #tpu.memory_space<vmem>> -> memref<128x16xf32, #tpu.memory_space<vmem>>
        %dma_start3A_122 = arith.constant 0 : i32
        %dma_start3A_123 = tpu.memref_slice %arg17[%run_scoped3A, %dma_start3A_122] : memref<5x128xi32, #tpu.memory_space<vmem>> -> memref<1x128xi32, #tpu.memory_space<vmem>>
        %dma_start3A_124 = tpu.memref_squeeze %dma_start3A_123 : memref<1x128xi32, #tpu.memory_space<vmem>> -> memref<128xi32, #tpu.memory_space<vmem>>
        %dma_start3A_125 = arith.constant 0 : i32
        %dma_start3A_126 = arith.constant 0 : i32
        %dma_start3A_127 = tpu.memref_slice %arg9[%dma_start3A_125, %dma_start3A_126] : memref<640x16xf32, #tpu.memory_space<vmem_shared>> -> memref<640x16xf32, #tpu.memory_space<vmem_shared>>
        tpu.enqueue_indirect_dma source(%dma_start3A_121 : memref<128x16xf32, #tpu.memory_space<vmem>>) target(%dma_start3A_127 : memref<640x16xf32, #tpu.memory_space<vmem_shared>>) offsets(%dma_start3A_124 : memref<128xi32, #tpu.memory_space<vmem>>) semaphore(%run_scoped3A_118 : memref<!tpu.dma_semaphore, #tpu.memory_space<semaphore_mem>>) {add = true}
        %dma_wait3A = arith.constant 0 : i32
        %dma_wait3A_128 = arith.constant 0 : i32
        %dma_wait3A_129 = tpu.memref_slice %arg15[%dma_wait3A, %dma_wait3A_128] : memref<640x16xf32, #tpu.memory_space<vmem>> -> memref<128x16xf32, #tpu.memory_space<vmem>>
        %dma_wait3A_130 = arith.constant 0 : i32
        %dma_wait3A_131 = tpu.memref_slice %arg17[%run_scoped3A, %dma_wait3A_130] : memref<5x128xi32, #tpu.memory_space<vmem>> -> memref<1x128xi32, #tpu.memory_space<vmem>>
        %dma_wait3A_132 = tpu.memref_squeeze %dma_wait3A_131 : memref<1x128xi32, #tpu.memory_space<vmem>> -> memref<128xi32, #tpu.memory_space<vmem>>
        %dma_wait3A_133 = arith.constant 0 : i32
        %dma_wait3A_134 = arith.constant 0 : i32
        %dma_wait3A_135 = tpu.memref_slice %arg9[%dma_wait3A_133, %dma_wait3A_134] : memref<640x16xf32, #tpu.memory_space<vmem_shared>> -> memref<640x16xf32, #tpu.memory_space<vmem_shared>>
        tpu.wait_indirect_dma semaphore(%run_scoped3A_118 : memref<!tpu.dma_semaphore, #tpu.memory_space<semaphore_mem>>) src(%dma_wait3A_129 : memref<128x16xf32, #tpu.memory_space<vmem>>) dst(%dma_wait3A_135 : memref<640x16xf32, #tpu.memory_space<vmem_shared>>)
        tpu.yield
      }) : () -> ()
      %run_scoped3A_114 = arith.constant 1 : i32
      "tpu.region"() ({
        %run_scoped3A_118 = tpu.sem_alloc : memref<!tpu.dma_semaphore, #tpu.memory_space<semaphore_mem>>
        %dma_start3A_119 = arith.constant 128 : i32
        %dma_start3A_120 = arith.constant 0 : i32
        %dma_start3A_121 = tpu.memref_slice %arg15[%dma_start3A_119, %dma_start3A_120] : memref<640x16xf32, #tpu.memory_space<vmem>> -> memref<128x16xf32, #tpu.memory_space<vmem>>
        %dma_start3A_122 = arith.constant 0 : i32
        %dma_start3A_123 = tpu.memref_slice %arg17[%run_scoped3A_114, %dma_start3A_122] : memref<5x128xi32, #tpu.memory_space<vmem>> -> memref<1x128xi32, #tpu.memory_space<vmem>>
        %dma_start3A_124 = tpu.memref_squeeze %dma_start3A_123 : memref<1x128xi32, #tpu.memory_space<vmem>> -> memref<128xi32, #tpu.memory_space<vmem>>
        %dma_start3A_125 = arith.constant 0 : i32
        %dma_start3A_126 = arith.constant 0 : i32
        %dma_start3A_127 = tpu.memref_slice %arg9[%dma_start3A_125, %dma_start3A_126] : memref<640x16xf32, #tpu.memory_space<vmem_shared>> -> memref<640x16xf32, #tpu.memory_space<vmem_shared>>
        tpu.enqueue_indirect_dma source(%dma_start3A_121 : memref<128x16xf32, #tpu.memory_space<vmem>>) target(%dma_start3A_127 : memref<640x16xf32, #tpu.memory_space<vmem_shared>>) offsets(%dma_start3A_124 : memref<128xi32, #tpu.memory_space<vmem>>) semaphore(%run_scoped3A_118 : memref<!tpu.dma_semaphore, #tpu.memory_space<semaphore_mem>>) {add = true}
        %dma_wait3A = arith.constant 128 : i32
        %dma_wait3A_128 = arith.constant 0 : i32
        %dma_wait3A_129 = tpu.memref_slice %arg15[%dma_wait3A, %dma_wait3A_128] : memref<640x16xf32, #tpu.memory_space<vmem>> -> memref<128x16xf32, #tpu.memory_space<vmem>>
        %dma_wait3A_130 = arith.constant 0 : i32
        %dma_wait3A_131 = tpu.memref_slice %arg17[%run_scoped3A_114, %dma_wait3A_130] : memref<5x128xi32, #tpu.memory_space<vmem>> -> memref<1x128xi32, #tpu.memory_space<vmem>>
        %dma_wait3A_132 = tpu.memref_squeeze %dma_wait3A_131 : memref<1x128xi32, #tpu.memory_space<vmem>> -> memref<128xi32, #tpu.memory_space<vmem>>
        %dma_wait3A_133 = arith.constant 0 : i32
        %dma_wait3A_134 = arith.constant 0 : i32
        %dma_wait3A_135 = tpu.memref_slice %arg9[%dma_wait3A_133, %dma_wait3A_134] : memref<640x16xf32, #tpu.memory_space<vmem_shared>> -> memref<640x16xf32, #tpu.memory_space<vmem_shared>>
        tpu.wait_indirect_dma semaphore(%run_scoped3A_118 : memref<!tpu.dma_semaphore, #tpu.memory_space<semaphore_mem>>) src(%dma_wait3A_129 : memref<128x16xf32, #tpu.memory_space<vmem>>) dst(%dma_wait3A_135 : memref<640x16xf32, #tpu.memory_space<vmem_shared>>)
        tpu.yield
      }) : () -> ()
      %run_scoped3A_115 = arith.constant 2 : i32
      "tpu.region"() ({
        %run_scoped3A_118 = tpu.sem_alloc : memref<!tpu.dma_semaphore, #tpu.memory_space<semaphore_mem>>
        %dma_start3A_119 = arith.constant 256 : i32
        %dma_start3A_120 = arith.constant 0 : i32
        %dma_start3A_121 = tpu.memref_slice %arg15[%dma_start3A_119, %dma_start3A_120] : memref<640x16xf32, #tpu.memory_space<vmem>> -> memref<128x16xf32, #tpu.memory_space<vmem>>
        %dma_start3A_122 = arith.constant 0 : i32
        %dma_start3A_123 = tpu.memref_slice %arg17[%run_scoped3A_115, %dma_start3A_122] : memref<5x128xi32, #tpu.memory_space<vmem>> -> memref<1x128xi32, #tpu.memory_space<vmem>>
        %dma_start3A_124 = tpu.memref_squeeze %dma_start3A_123 : memref<1x128xi32, #tpu.memory_space<vmem>> -> memref<128xi32, #tpu.memory_space<vmem>>
        %dma_start3A_125 = arith.constant 0 : i32
        %dma_start3A_126 = arith.constant 0 : i32
        %dma_start3A_127 = tpu.memref_slice %arg9[%dma_start3A_125, %dma_start3A_126] : memref<640x16xf32, #tpu.memory_space<vmem_shared>> -> memref<640x16xf32, #tpu.memory_space<vmem_shared>>
        tpu.enqueue_indirect_dma source(%dma_start3A_121 : memref<128x16xf32, #tpu.memory_space<vmem>>) target(%dma_start3A_127 : memref<640x16xf32, #tpu.memory_space<vmem_shared>>) offsets(%dma_start3A_124 : memref<128xi32, #tpu.memory_space<vmem>>) semaphore(%run_scoped3A_118 : memref<!tpu.dma_semaphore, #tpu.memory_space<semaphore_mem>>) {add = true}
        %dma_wait3A = arith.constant 256 : i32
        %dma_wait3A_128 = arith.constant 0 : i32
        %dma_wait3A_129 = tpu.memref_slice %arg15[%dma_wait3A, %dma_wait3A_128] : memref<640x16xf32, #tpu.memory_space<vmem>> -> memref<128x16xf32, #tpu.memory_space<vmem>>
        %dma_wait3A_130 = arith.constant 0 : i32
        %dma_wait3A_131 = tpu.memref_slice %arg17[%run_scoped3A_115, %dma_wait3A_130] : memref<5x128xi32, #tpu.memory_space<vmem>> -> memref<1x128xi32, #tpu.memory_space<vmem>>
        %dma_wait3A_132 = tpu.memref_squeeze %dma_wait3A_131 : memref<1x128xi32, #tpu.memory_space<vmem>> -> memref<128xi32, #tpu.memory_space<vmem>>
        %dma_wait3A_133 = arith.constant 0 : i32
        %dma_wait3A_134 = arith.constant 0 : i32
        %dma_wait3A_135 = tpu.memref_slice %arg9[%dma_wait3A_133, %dma_wait3A_134] : memref<640x16xf32, #tpu.memory_space<vmem_shared>> -> memref<640x16xf32, #tpu.memory_space<vmem_shared>>
        tpu.wait_indirect_dma semaphore(%run_scoped3A_118 : memref<!tpu.dma_semaphore, #tpu.memory_space<semaphore_mem>>) src(%dma_wait3A_129 : memref<128x16xf32, #tpu.memory_space<vmem>>) dst(%dma_wait3A_135 : memref<640x16xf32, #tpu.memory_space<vmem_shared>>)
        tpu.yield
      }) : () -> ()
      %run_scoped3A_116 = arith.constant 3 : i32
      "tpu.region"() ({
        %run_scoped3A_118 = tpu.sem_alloc : memref<!tpu.dma_semaphore, #tpu.memory_space<semaphore_mem>>
        %dma_start3A_119 = arith.constant 384 : i32
        %dma_start3A_120 = arith.constant 0 : i32
        %dma_start3A_121 = tpu.memref_slice %arg15[%dma_start3A_119, %dma_start3A_120] : memref<640x16xf32, #tpu.memory_space<vmem>> -> memref<128x16xf32, #tpu.memory_space<vmem>>
        %dma_start3A_122 = arith.constant 0 : i32
        %dma_start3A_123 = tpu.memref_slice %arg17[%run_scoped3A_116, %dma_start3A_122] : memref<5x128xi32, #tpu.memory_space<vmem>> -> memref<1x128xi32, #tpu.memory_space<vmem>>
        %dma_start3A_124 = tpu.memref_squeeze %dma_start3A_123 : memref<1x128xi32, #tpu.memory_space<vmem>> -> memref<128xi32, #tpu.memory_space<vmem>>
        %dma_start3A_125 = arith.constant 0 : i32
        %dma_start3A_126 = arith.constant 0 : i32
        %dma_start3A_127 = tpu.memref_slice %arg9[%dma_start3A_125, %dma_start3A_126] : memref<640x16xf32, #tpu.memory_space<vmem_shared>> -> memref<640x16xf32, #tpu.memory_space<vmem_shared>>
        tpu.enqueue_indirect_dma source(%dma_start3A_121 : memref<128x16xf32, #tpu.memory_space<vmem>>) target(%dma_start3A_127 : memref<640x16xf32, #tpu.memory_space<vmem_shared>>) offsets(%dma_start3A_124 : memref<128xi32, #tpu.memory_space<vmem>>) semaphore(%run_scoped3A_118 : memref<!tpu.dma_semaphore, #tpu.memory_space<semaphore_mem>>) {add = true}
        %dma_wait3A = arith.constant 384 : i32
        %dma_wait3A_128 = arith.constant 0 : i32
        %dma_wait3A_129 = tpu.memref_slice %arg15[%dma_wait3A, %dma_wait3A_128] : memref<640x16xf32, #tpu.memory_space<vmem>> -> memref<128x16xf32, #tpu.memory_space<vmem>>
        %dma_wait3A_130 = arith.constant 0 : i32
        %dma_wait3A_131 = tpu.memref_slice %arg17[%run_scoped3A_116, %dma_wait3A_130] : memref<5x128xi32, #tpu.memory_space<vmem>> -> memref<1x128xi32, #tpu.memory_space<vmem>>
        %dma_wait3A_132 = tpu.memref_squeeze %dma_wait3A_131 : memref<1x128xi32, #tpu.memory_space<vmem>> -> memref<128xi32, #tpu.memory_space<vmem>>
        %dma_wait3A_133 = arith.constant 0 : i32
        %dma_wait3A_134 = arith.constant 0 : i32
        %dma_wait3A_135 = tpu.memref_slice %arg9[%dma_wait3A_133, %dma_wait3A_134] : memref<640x16xf32, #tpu.memory_space<vmem_shared>> -> memref<640x16xf32, #tpu.memory_space<vmem_shared>>
        tpu.wait_indirect_dma semaphore(%run_scoped3A_118 : memref<!tpu.dma_semaphore, #tpu.memory_space<semaphore_mem>>) src(%dma_wait3A_129 : memref<128x16xf32, #tpu.memory_space<vmem>>) dst(%dma_wait3A_135 : memref<640x16xf32, #tpu.memory_space<vmem_shared>>)
        tpu.yield
      }) : () -> ()
      %run_scoped3A_117 = arith.constant 4 : i32
      "tpu.region"() ({
        %run_scoped3A_118 = tpu.sem_alloc : memref<!tpu.dma_semaphore, #tpu.memory_space<semaphore_mem>>
        %dma_start3A_119 = arith.constant 512 : i32
        %dma_start3A_120 = arith.constant 0 : i32
        %dma_start3A_121 = tpu.memref_slice %arg15[%dma_start3A_119, %dma_start3A_120] : memref<640x16xf32, #tpu.memory_space<vmem>> -> memref<128x16xf32, #tpu.memory_space<vmem>>
        %dma_start3A_122 = arith.constant 0 : i32
        %dma_start3A_123 = tpu.memref_slice %arg17[%run_scoped3A_117, %dma_start3A_122] : memref<5x128xi32, #tpu.memory_space<vmem>> -> memref<1x128xi32, #tpu.memory_space<vmem>>
        %dma_start3A_124 = tpu.memref_squeeze %dma_start3A_123 : memref<1x128xi32, #tpu.memory_space<vmem>> -> memref<128xi32, #tpu.memory_space<vmem>>
        %dma_start3A_125 = arith.constant 0 : i32
        %dma_start3A_126 = arith.constant 0 : i32
        %dma_start3A_127 = tpu.memref_slice %arg9[%dma_start3A_125, %dma_start3A_126] : memref<640x16xf32, #tpu.memory_space<vmem_shared>> -> memref<640x16xf32, #tpu.memory_space<vmem_shared>>
        tpu.enqueue_indirect_dma source(%dma_start3A_121 : memref<128x16xf32, #tpu.memory_space<vmem>>) target(%dma_start3A_127 : memref<640x16xf32, #tpu.memory_space<vmem_shared>>) offsets(%dma_start3A_124 : memref<128xi32, #tpu.memory_space<vmem>>) semaphore(%run_scoped3A_118 : memref<!tpu.dma_semaphore, #tpu.memory_space<semaphore_mem>>) {add = true}
        %dma_wait3A = arith.constant 512 : i32
        %dma_wait3A_128 = arith.constant 0 : i32
        %dma_wait3A_129 = tpu.memref_slice %arg15[%dma_wait3A, %dma_wait3A_128] : memref<640x16xf32, #tpu.memory_space<vmem>> -> memref<128x16xf32, #tpu.memory_space<vmem>>
        %dma_wait3A_130 = arith.constant 0 : i32
        %dma_wait3A_131 = tpu.memref_slice %arg17[%run_scoped3A_117, %dma_wait3A_130] : memref<5x128xi32, #tpu.memory_space<vmem>> -> memref<1x128xi32, #tpu.memory_space<vmem>>
        %dma_wait3A_132 = tpu.memref_squeeze %dma_wait3A_131 : memref<1x128xi32, #tpu.memory_space<vmem>> -> memref<128xi32, #tpu.memory_space<vmem>>
        %dma_wait3A_133 = arith.constant 0 : i32
        %dma_wait3A_134 = arith.constant 0 : i32
        %dma_wait3A_135 = tpu.memref_slice %arg9[%dma_wait3A_133, %dma_wait3A_134] : memref<640x16xf32, #tpu.memory_space<vmem_shared>> -> memref<640x16xf32, #tpu.memory_space<vmem_shared>>
        tpu.wait_indirect_dma semaphore(%run_scoped3A_118 : memref<!tpu.dma_semaphore, #tpu.memory_space<semaphore_mem>>) src(%dma_wait3A_129 : memref<128x16xf32, #tpu.memory_space<vmem>>) dst(%dma_wait3A_135 : memref<640x16xf32, #tpu.memory_space<vmem_shared>>)
        tpu.yield
      }) : () -> ()
    } else {
    }
    %barrier3A_106 = arith.constant 0 : index
    tpu.barrier barrier_id(%barrier3A_106)
    "tpu.region"() ({
      %run_scoped3A = tpu.sem_alloc : memref<!tpu.dma_semaphore, #tpu.memory_space<semaphore_mem>>
      %dma_start3A_114 = tpu.memref_slice %arg5[%mul3A_47, %mul3A_0] : memref<10000x128xf32, #tpu.memory_space<hbm>> -> memref<625x64xf32, #tpu.memory_space<hbm>>
      %dma_start3A_115 = arith.constant 0 : i32
      %dma_start3A_116 = tpu.memref_slice %arg7[%mul3A_47, %dma_start3A_115] : memref<10000x64xf32, #tpu.memory_space<vmem_shared>> -> memref<625x64xf32, #tpu.memory_space<vmem_shared>>
      tpu.enqueue_dma source(%dma_start3A_116 : memref<625x64xf32, #tpu.memory_space<vmem_shared>>) target(%dma_start3A_114 : memref<625x64xf32, #tpu.memory_space<hbm>>) target_semaphore(%run_scoped3A : memref<!tpu.dma_semaphore, #tpu.memory_space<semaphore_mem>>)
      %dma_wait3A = tpu.memref_slice %arg5[%mul3A_47, %mul3A_0] : memref<10000x128xf32, #tpu.memory_space<hbm>> -> memref<625x64xf32, #tpu.memory_space<hbm>>
      %dma_wait3A_117 = arith.constant 0 : i32
      %dma_wait3A_118 = tpu.memref_slice %arg7[%mul3A_47, %dma_wait3A_117] : memref<10000x64xf32, #tpu.memory_space<vmem_shared>> -> memref<625x64xf32, #tpu.memory_space<vmem_shared>>
      tpu.wait_dma2 semaphore(%run_scoped3A : memref<!tpu.dma_semaphore, #tpu.memory_space<semaphore_mem>>) src(%dma_wait3A_118 : memref<625x64xf32, #tpu.memory_space<vmem_shared>>) dst(%dma_wait3A : memref<625x64xf32, #tpu.memory_space<hbm>>)
      tpu.yield
    }) : () -> ()
    "tpu.region"() ({
      %run_scoped3A = tpu.sem_alloc : memref<!tpu.dma_semaphore, #tpu.memory_space<semaphore_mem>>
      %dma_start3A_114 = tpu.memref_slice %arg6[%mul3A_47, %mul3A_0] : memref<10000x128xf32, #tpu.memory_space<hbm>> -> memref<625x64xf32, #tpu.memory_space<hbm>>
      %dma_start3A_115 = arith.constant 0 : i32
      %dma_start3A_116 = tpu.memref_slice %arg8[%mul3A_47, %dma_start3A_115] : memref<10000x64xf32, #tpu.memory_space<vmem_shared>> -> memref<625x64xf32, #tpu.memory_space<vmem_shared>>
      tpu.enqueue_dma source(%dma_start3A_116 : memref<625x64xf32, #tpu.memory_space<vmem_shared>>) target(%dma_start3A_114 : memref<625x64xf32, #tpu.memory_space<hbm>>) target_semaphore(%run_scoped3A : memref<!tpu.dma_semaphore, #tpu.memory_space<semaphore_mem>>)
      %dma_wait3A = tpu.memref_slice %arg6[%mul3A_47, %mul3A_0] : memref<10000x128xf32, #tpu.memory_space<hbm>> -> memref<625x64xf32, #tpu.memory_space<hbm>>
      %dma_wait3A_117 = arith.constant 0 : i32
      %dma_wait3A_118 = tpu.memref_slice %arg8[%mul3A_47, %dma_wait3A_117] : memref<10000x64xf32, #tpu.memory_space<vmem_shared>> -> memref<625x64xf32, #tpu.memory_space<vmem_shared>>
      tpu.wait_dma2 semaphore(%run_scoped3A : memref<!tpu.dma_semaphore, #tpu.memory_space<semaphore_mem>>) src(%dma_wait3A_118 : memref<625x64xf32, #tpu.memory_space<vmem_shared>>) dst(%dma_wait3A : memref<625x64xf32, #tpu.memory_space<hbm>>)
      tpu.yield
    }) : () -> ()
    %eq3A_107 = arith.constant 0 : i32
    %eq3A_108 = arith.cmpi eq, %arg0, %eq3A_107 : i32
    %eq3A_109 = arith.constant 0 : i32
    %eq3A_110 = arith.cmpi eq, %arg1, %eq3A_109 : i32
    %and3A = arith.andi %eq3A_108, %eq3A_110 : i1
    %convert_element_type3A_111 = arith.extui %and3A : i1 to i32
    %cond3A_112 = arith.constant 0 : i32
    %cond3A_113 = arith.cmpi ne, %convert_element_type3A_111, %cond3A_112 : i32
    scf.if %cond3A_113 {
      "tpu.region"() ({
        %run_scoped3A = tpu.sem_alloc : memref<!tpu.dma_semaphore, #tpu.memory_space<semaphore_mem>>
        tpu.enqueue_dma source(%arg9 : memref<640x16xf32, #tpu.memory_space<vmem_shared>>) target(%arg4 : memref<640x16xf32, #tpu.memory_space<hbm>>) target_semaphore(%run_scoped3A : memref<!tpu.dma_semaphore, #tpu.memory_space<semaphore_mem>>)
        tpu.wait_dma2 semaphore(%run_scoped3A : memref<!tpu.dma_semaphore, #tpu.memory_space<semaphore_mem>>) src(%arg9 : memref<640x16xf32, #tpu.memory_space<vmem_shared>>) dst(%arg4 : memref<640x16xf32, #tpu.memory_space<hbm>>)
        tpu.yield
      }) : () -> ()
    } else {
    }
    return
  }
}

</mosaic_0001>

<sc_bundles>
// kernel: _tracker.3.cloned.1.call-start
scs
__scs_entry_jumppad:
0x0: {  	(pc) =	sbr.rel $0x88, $3  }
0x1: {  	(tag) =	ssettag $0x0;
	lr =	simm.s32 $0x1  }
0x2: {  	[smem:$0x3F9F] =	sst lr;
	_ =	strace $0xD0000000  }
0x3: {  	_ = 	snop  }
0x4: {  	_ = 	snop  }
0x5: {  	_ = 	snop  }
0x6: {  	_ = 	snop  }
0x7: {  	_ = 	snop  }
__scs_overlays_trampoline_lowered:
0x8: {  	[smem:$0x3FAE] =	sst s0  }
0x9: {  	[smem:$0x3FAF] =	sst s1  }
0xa: {  	[smem:$0x3FB0] =	sst s2  }
0xb: {  	[smem:$0x3FB1] =	sst s3  }
0xc: {  	[smem:$0x3FB2] =	sst s4  }
0xd: {  	[smem:$0x3FB3] =	sst s5  }
0xe: {  	[smem:$0x3FB4] =	sst s6  }
0xf: {  	[smem:$0x3FB5] =	sst s7  }
0x10: {  	[smem:$0x3FB6] =	sst s8  }
0x11: {  	[smem:$0x3FB7] =	sst s9;
	s0 =	simm.s32 @!p0 $0x0  }
0x12: {  	s1 =	sld [smem:$0x3F9D];
	s0 =	simm.s32 @p0 $0x1  }
0x13: {  	[smem:$0x3FB8] =	sst s0;
	s0 =	simm.s32 @!p1 $0x0  }
0x14: {  	s2 =	sld [smem:$0x3F9C];
	s0 =	simm.s32 @p1 $0x1  }
0x15: {  	[smem:$0x3FB9] =	sst s0;
	s0 =	simm.s32 @!p2 $0x0  }
0x16: {  	s3 =	sld [smem:$0x3FDB];
	s0 =	simm.s32 @p2 $0x1  }
0x17: {  	s4 =	simm.s32 $0x1BF5;
	[smem:$0x3FBB] =	sst s0  }
0x18: {  	s0 =	sld [smem:$0x3F9E];
	_ =	swait.ge [sflag:s4], $0x0  }
0x19: {  	s7 =	sld [smem:$0x3F9F]  }
0x1a: {  	s8 =	sadd.s32 $0xFFFFE003, lr  }
0x1b: {  	s9 =	sadd.s32 $0xFFFFFEF7, lr;
	s5 =	simm.s32 $0xFFFFFFFF;
	p2 =	slt.u32 s8, $0xFFFFF086  }
0x1c: {  	p1 =	slt.u32 s9, $0xF7A;
	s5 =	simm.s32 @!p2 $0x0  }
0x1d: {  	s5 =	simm.s32 @p1 $0x1;
	p0 =	seq.s32 s7, s2  }
0x1e: {  	s7 =	smul.u32 @!p0 $0xF7A, s2;
	p2 =	seq.s32 @!p0 s5, $0x0  }
0x1f: {  	s9 =	smul.u32 $0xF7A, s1;
	s8 =	simm.s32 @!p0 $0x1BF5;
	p2 =	por !p2, p0  }
0x20: {  	[sflag:s8] =	ssyncset.s32 @!p0 $0xFFFFF086;
	s6 =	sadd.s32 @!p0 s3, s7;
	s7 =	simm.s32 @!p0 $0x108  }
0x21: {  	s3 =	sadd.s32 s3, s9;
	s6 =	sadd.s32 @!p0 $0x88, s6;
	s7 =	simm.s32 @p2 $0x1082  }
0x22: {  	[simem:s7], [sflag:s8] =	dma.local @!p0 [hbm:s6], $0xF7A  }
0x23: {  	s9 =	sor.u32 $0xD0000000, s2;
	s6 =	simm.s32 $0x108;
	_ =	swait.ge @!p0 [sflag:s8], $0x0  }
0x24: {  	s3 =	sadd.s32 $0x88, s3;
	s6 =	simm.s32 @!p1 $0x1082;
	[sflag:s4] =	ssyncset.s32 $0xFFFFF086  }
0x25: {  	[simem:s6], [sflag:s4] =	dma.local [hbm:s3], $0xF7A  }
0x26: {  	[smem:$0x3F9F] =	sst s1;
	(tag) =	ssettag s2;
	_ =	strace s9  }
0x27: {  	s1 =	sld [smem:$0x3FAF]  }
0x28: {  	s2 =	sld [smem:$0x3FB0]  }
0x29: {  	s4 =	sld [smem:$0x3FB2]  }
0x2a: {  	p0 =	seq.s32 s5, $0x0;
	s5 =	sld [smem:$0x3FB3]  }
0x2b: {  	s6 =	sld [smem:$0x3FB4]  }
0x2c: {  	s7 =	sld [smem:$0x3FB5]  }
0x2d: {  	s3 =	simm.s32 $0x108;
	s8 =	sld [smem:$0x3FB6]  }
0x2e: {  	s3 =	simm.s32 @!p0 $0x1082;
	s9 =	sld [smem:$0x3FB7]  }
0x2f: {  	lr =	sadd.s32 s0, s3;
	s0 =	sld [smem:$0x3FAE]  }
0x30: {  	s3 =	sld [smem:$0x3FB1]  }
0x31: {  	[smem:$0x3FBA] =	sst s10  }
0x32: {  	s10 =	sld [smem:$0x3FB8];
	_ =	sdelay $0x3  }
0x33: {  	p0 =	seq.s32 s10, $0x1;
	s10 =	sld [smem:$0x3FBA];
	_ =	sdelay $0x3  }
0x34: {  	[smem:$0x3FBA] =	sst s10  }
0x35: {  	s10 =	sld [smem:$0x3FB9];
	_ =	sdelay $0x3  }
0x36: {  	p1 =	seq.s32 s10, $0x1;
	s10 =	sld [smem:$0x3FBA];
	_ =	sdelay $0x3  }
0x37: {  	[smem:$0x3FBA] =	sst s10  }
0x38: {  	s10 =	sld [smem:$0x3FBB]  }
0x39: {  	_ = 	snop;
	(pc) =	sbr.ind lr, $3  }
0x3a: {  	_ = 	snop  }
0x3b: {  	_ = 	snop  }
0x3c: {  	p2 =	seq.s32 s10, $0x1;
	s10 =	sld [smem:$0x3FBA]  }
0x3d: {  	_ =	shalt  }
0x3e: {  	_ =	shalt  }
0x3f: {  	_ =	shalt  }
0x40: {  	_ =	shalt  }
0x41: {  	_ =	shalt  }
0x42: {  	_ =	shalt  }
0x43: {  	_ =	shalt  }
0x44: {  	_ =	shalt  }
0x45: {  	_ =	shalt  }
0x46: {  	_ =	shalt  }
0x47: {  	_ =	shalt  }
0x48: {  	_ =	shalt  }
0x49: {  	_ =	shalt  }
0x4a: {  	_ =	shalt  }
0x4b: {  	_ =	shalt  }
0x4c: {  	_ =	shalt  }
0x4d: {  	_ =	shalt  }
0x4e: {  	_ =	shalt  }
0x4f: {  	_ =	shalt  }
0x50: {  	_ =	shalt  }
0x51: {  	_ =	shalt  }
0x52: {  	_ =	shalt  }
0x53: {  	_ =	shalt  }
0x54: {  	_ =	shalt  }
0x55: {  	_ =	shalt  }
0x56: {  	_ =	shalt  }
0x57: {  	_ =	shalt  }
0x58: {  	_ =	shalt  }
0x59: {  	_ =	shalt  }
0x5a: {  	_ =	shalt  }
0x5b: {  	_ =	shalt  }
0x5c: {  	_ =	shalt  }
0x5d: {  	_ =	shalt  }
0x5e: {  	_ =	shalt  }
0x5f: {  	_ =	shalt  }
0x60: {  	_ =	shalt  }
0x61: {  	_ =	shalt  }
0x62: {  	_ =	shalt  }
0x63: {  	_ =	shalt  }
0x64: {  	_ =	shalt  }
0x65: {  	_ =	shalt  }
0x66: {  	_ =	shalt  }
0x67: {  	_ =	shalt  }
0x68: {  	_ =	shalt  }
0x69: {  	_ =	shalt  }
0x6a: {  	_ =	shalt  }
0x6b: {  	_ =	shalt  }
0x6c: {  	_ =	shalt  }
0x6d: {  	_ =	shalt  }
0x6e: {  	_ =	shalt  }
0x6f: {  	_ =	shalt  }
0x70: {  	_ =	shalt  }
0x71: {  	_ =	shalt  }
0x72: {  	_ =	shalt  }
0x73: {  	_ =	shalt  }
0x74: {  	_ =	shalt  }
0x75: {  	_ =	shalt  }
0x76: {  	_ =	shalt  }
0x77: {  	_ =	shalt  }
0x78: {  	_ =	shalt  }
0x79: {  	_ =	shalt  }
0x7a: {  	_ =	shalt  }
0x7b: {  	_ =	shalt  }
0x7c: {  	_ =	shalt  }
0x7d: {  	_ =	shalt  }
0x7e: {  	_ =	shalt  }
0x7f: {  	_ =	shalt  }
0x80: {  	_ =	shalt  }
0x81: {  	_ =	shalt  }
0x82: {  	_ =	shalt  }
0x83: {  	_ =	shalt  }
0x84: {  	_ =	shalt  }
0x85: {  	_ =	shalt  }
0x86: {  	_ =	shalt  }
0x87: {  	_ =	shalt  }
.Lfunc_end0:
.L_simem_size_0:
called_computation_lowered:
.L_overlay_start_0:
0x88: {  	s2 =	sld [smem:$0x3FD9]  }
0x89: {  	s3 =	sld [smem:$0x3FFE];
	_ =	sdelay $0x1  }
0x8a: {  	s1 =	srdreg.scid  }
0x8b: {  	s0 =	sand.u32 $0x1, s1  }
0x8c: {  	s15 =	sshll.u32 s0, $0xA;
	s2 =	sadd.s32 s3, s2  }
0x8d: {  	s2 =	sadd.s32 s2, s15  }
0x8e: {  	[smem:$0x3FC6] =	sst s2  }
0x8f: {  	_ = 	snop  }
0x90: {  	s2 =	sld [smem:$0x3FD0];
	_ =	sdelay $0x1  }
0x91: {  	s16 =	sld [smem:$0x3FC9]  }
0x92: {  	s5 =	simm.s32 $0xA;
	s6 =	simm.s32 $0x10;
	s4 =	sld [smem:$0x3FC8]  }
0x93: {  	[smem:s6], [sflag:s5] =	dma.local [hbm:s2], $0x1  }
0x94: {  	_ =	swait.eq [sflag:s5], $0x1  }
0x95: {  	s17 =	sld [smem:$0x10];
	[sflag:s5] =	ssyncset.done $0x0  }
0x96: {  	s18 =	sld [smem:$0x11];
	[sflag:s5] =	ssyncadd.s32 $0xFFFFFFFF  }
0x97: {  	s19 =	sld [smem:$0x12];
	(tm) =	ssettm $0x1  }
0x98: {  	s7 =	sld [smem:$0x3FFB];
	_ =	sdelay $0x3  }
0x99: {  	_ =	strace s7  }
0x9a: {  	s7 =	sld [smem:$0x3FFC];
	_ =	sdelay $0x3  }
0x9b: {  	_ =	strace s7  }
0x9c: {  	s7 =	sld [smem:$0x3FFD];
	_ =	sdelay $0x3  }
0x9d: {  	_ =	strace s7  }
0x9e: {  	_ =	strace $0x8FFFFFFF  }
0x9f: {  	s20 =	sld [smem:$0x3FDB];
	_ =	sdelay $0x1  }
0xa0: {  	s8 =	simm.s32 $_scs_section_size  }
0xa1: {  	s9 =	simm.s32 $_size__tile_overlayer_lowered;
	s10 =	simm.s32 $_tile_overlayer_lowered  }
0xa2: {  	s23 =	simm.s32 $0x1BFF;
	s22 =	sshll.u32 s10, $0x1;
	s7 =	sadd.s32 s8, s20  }
0xa3: {  	s11 =	simm.s32 $0x0;
	s21 =	sshll.u32 s9, $0x1;
	s9 =	sadd.s32 s22, s7  }
0xa4: {  	[timem:s11], [sflag:s23] =	dma.local [hbm:s9], s21  }
0xa5: {  	_ =	swait.ge [sflag:s23], s21  }
0xa6: {  	s8 =	ssub.s32 $0x0, s21;
	[sflag:s23] =	ssyncset.done $0x0  }
0xa7: {  	[sflag:s23] =	ssyncadd.s32 s8;
	_ =	sdelay $0x1  }
0xa8: {  	s24 =	simm.s32 $0x1B8B  }
0xa9: {  	_ =	swait.ge [sflag:s24], $0x1  }
0xaa: {  	[sflag:s24] =	ssyncset.done $0x0  }
0xab: {  	s25 =	simm.s32 $0x1B8E;
	[sflag:s24] =	ssyncadd.s32 $0xFFFFFFFF  }
0xac: {  	s26 =	simm.s32 $execute0_lowered;
	[smem:$0x3FD2] =	sst s25  }
0xad: {  	s8 =	sshll.u32 s26, $0x1;
	_ =	strace $0x80000046;
	[dreg:$0x1] =	wrdreg $0xFFFFFFFF  }
0xae: {  	s28 =	simm.s32 $_size_execute0_lowered;
	s7 =	sadd.s32 s7, s8;
	[dreg:$0x0] =	wrdreg $0x0  }
0xaf: {  	s8 =	sshll.u32 s28, $0x1;
	[dreg:$0x2] =	wrdreg s7  }
0xb0: {  	[dreg:$0x3] =	wrdreg s8  }
0xb1: {  	[dreg:$0x4] =	wrdreg $0xC0  }
0xb2: {  	_ =	task [dreg:s11], $0x5FFFF  }
0xb3: {  	[dreg:$0x1] =	wrdreg $0xFFFFFFFF  }
0xb4: {  	[dreg:$0x0] =	wrdreg $0x60  }
0xb5: {  	[dreg:$0x2] =	wrdreg s16  }
0xb6: {  	[dreg:$0x3] =	wrdreg s4  }
0xb7: {  	[dreg:$0x4] =	wrdreg s17  }
0xb8: {  	[dreg:$0x5] =	wrdreg s18  }
0xb9: {  	[dreg:$0x6] =	wrdreg s19  }
0xba: {  	[dreg:$0x7] =	wrdreg $0x0  }
0xbb: {  	[dreg:$0x8] =	wrdreg $0x9C400  }
0xbc: {  	[dreg:$0x9] =	wrdreg $0x138800  }
0xbd: {  	[dreg:$0xa] =	wrdreg $0x9  }
0xbe: {  	_ =	task.clear_ibuf [dreg:s11], $0xBFFFF;
	_ =	strace $0x90000046  }
0xbf: {  	s29 =	simm.s32 $0x9;
	_ =	strace $0x80000048  }
0xc0: {  	_ =	swait.ge [sflag:s29], $0x1  }
0xc1: {  	[sflag:s29] =	ssyncadd.s32 $0xFFFFFFFF  }
0xc2: {  	_ =	strace $0x90000048  }
0xc3: {  	_ =	sfence  }
0xc4: {  	s30 =	sld [smem:$0x0];
	_ =	sdelay $0x2  }
0xc5: {  	s31 =	sshll.u32 s1, $0xD;
	s1 =	sshrl.u32 s1, $0x2  }
0xc6: {  	s3 =	sand.u32 $0x4000, s31;
	s1 =	sadd.s32 s1, s30  }
0xc7: {  	s0 =	sor.u32 s3, s0;
	s1 =	sshll.u32 s1, $0x11  }
0xc8: {  	s0 =	sor.u32 s1, s0  }
0xc9: {  	s0 =	sadd.s32 $0x8F2B, s0  }
0xca: {  	[sflag:s0] =	ssyncadd.remote.s32 $0x1  }
0xcb: {  	_ =	sfence.sel $0xFFFF  }
0xcc: {  	[dreg:$0x0] =	wrdreg $0xFFFFFFFF;
	(pc) =	sbr.abs _section_cstart, $3  }
0xcd: {  	[dreg:$0x1] =	wrdreg $0xFFFFFFFF  }
0xce: {  	_ =	task.clear_ibuf [dreg:s11], $0x2FFFF;
	_ =	strace $0x9FFFFFFF  }
0xcf: {  	(tm) =	ssettm $0x7FFFFFFF  }
tec
execute0_lowered:
.L_overlay_start_1:
0x0: {  	(tag) =	ssettag $0x1  }
0x1: {  	s0 =	rddreg [dreg:$0x0]  }
0x2: {  	s1 =	rddreg [dreg:$0x1]  }
0x3: {  	s2 =	rddreg [dreg:$0x3]  }
0x4: {  	s3 =	rddreg [dreg:$0x4]  }
0x5: {  	s4 =	rddreg [dreg:$0x5]  }
0x6: {  	s26 =	rddreg [dreg:$0x6]  }
0x7: {  	s6 =	rddreg [dreg:$0x7]  }
0x8: {  	s5 =	simm.s32 $0x0;
	s7 =	srdreg.scid;
	s16 =	stileid.u32  }
0x9: {  	s28 =	simm.s32 $0x1BB00;
	s29 =	simm.s32 $0x15B00;
	s30 =	simm.s32 $0x1BB80  }
0xa: {  	s31 =	simm.s32 $0x4;
	[smem:$0x7FF] =	sst s5;
	s7 =	sand.u32 $0x1, s7  }
0xb: {  	s10 =	sshll.u32 s16, $0x7;
	s11 =	sshll.u32 s16, $0xE;
	s15 =	smul.u32 $0x9C40, s16  }
0xc: {  	s24 =	sshll.u32 s16, $0x4;
	s18 =	smul.u32 $0x13880, s16;
	p2 =	sne.s32 s16, $0x0  }
0xd: {  	p3 =	sgt.u32 s16, $0x3;
	_ =	strace $0x80000047;
	s8 =	ssub.s32 $0x2, s7  }
0xe: {  	s9 =	sshll.u32 s7, $0x6;
	s12 =	sor.u32 $0x800, s10;
	p0 =	sne.s32 s7, $0x0  }
0xf: {  	s13 =	sshrl.u32 s8, $0x1;
	s11 =	sor.u32 s9, s11;
	s14 =	sshll.u32 s12, $0x7  }
0x10: {  	s17 =	sadd.s32 $0x1000, s15;
	s21 =	sadd.s32 $0x2000, s15;
	s5 =	sadd.s32 $0x3000, s15  }
0x11: {  	s8 =	ssub.s32 s8, s13;
	s11 =	sshrl.u32 s11, $0x3;
	s20 =	sadd.s32 s17, s4  }
0x12: {  	s23 =	sor.u32 s9, s14;
	s22 =	sadd.s32 s17, s26;
	[dreg:$0xd] =	wrdreg s20  }
0x13: {  	s14 =	sshrl.u32 s12, $0x3;
	s25 =	sadd.s32 s0, s11;
	[dreg:$0xe] =	wrdreg s22  }
0x14: {  	s17 =	sadd.s32 $0x4000, s15;
	s11 =	sadd.s32 s1, s24;
	[dreg:$0x9] =	wrdreg s25  }
0x15: {  	s13 =	sshrl.u32 s23, $0x3;
	s19 =	sadd.s32 s1, s14;
	[dreg:$0xa] =	wrdreg s11  }
0x16: {  	s23 =	sadd.s32 s21, s4;
	s24 =	sor.u32 s9, s18;
	[dreg:$0xc] =	wrdreg s19  }
0x17: {  	s14 =	sor.u32 s16, s7;
	s18 =	sadd.s32 s5, s4;
	[dreg:$0xf] =	wrdreg s23  }
0x18: {  	s20 =	sadd.s32 s17, s4;
	s22 =	sadd.s32 $0x5000, s15;
	[dreg:$0x13] =	wrdreg s18  }
0x19: {  	s7 =	sadd.s32 $0x7000, s15;
	s13 =	sadd.s32 s0, s13;
	[dreg:$0x15] =	wrdreg s20  }
0x1a: {  	s16 =	sadd.s32 $0x800, s6;
	s25 =	sadd.s32 s21, s26;
	[dreg:$0xb] =	wrdreg s13  }
0x1b: {  	s12 =	sshrl.u32 s24, $0x3;
	s19 =	sadd.s32 s5, s26;
	[dreg:$0x10] =	wrdreg s25  }
0x1c: {  	p1 =	sne.s32 s14, $0x0;
	s21 =	sadd.s32 s17, s26;
	[dreg:$0x14] =	wrdreg s19  }
0x1d: {  	s23 =	sadd.s32 $0x6000, s15;
	s24 =	sadd.s32 s22, s4;
	[dreg:$0x16] =	wrdreg s21  }
0x1e: {  	s11 =	sadd.s32 $0x8000, s15;
	s17 =	sadd.s32 s15, s4;
	[dreg:$0x17] =	wrdreg s24  }
0x1f: {  	s18 =	sor.u32 $0x4E000, s10;
	s2 =	sadd.s32 s2, s12;
	[dreg:$0x1f] =	wrdreg s17  }
0x20: {  	s20 =	sadd.s32 $0x9000, s15;
	s13 =	sadd.s32 s3, s12;
	[dreg:$0x11] =	wrdreg s2  }
0x21: {  	s25 =	sadd.s32 s23, s4;
	s5 =	sadd.s32 s23, s26;
	[dreg:$0x12] =	wrdreg s13  }
0x22: {  	s12 =	sadd.s32 s7, s4;
	s14 =	sadd.s32 s11, s26;
	[dreg:$0x19] =	wrdreg s25  }
0x23: {  	s19 =	sadd.s32 s15, s26;
	s21 =	sshll.u32 s18, $0x7;
	[dreg:$0x1a] =	wrdreg s5  }
0x24: {  	v0 =	vlaneseq.u32;
	v1 =	vimm.f32 $0.0e+00;
	v41 =	vimm.f32 $1.000000000e+00;
	s3 =	sadd.s32 s20, s26;
	s23 =	sor.u32 $0x1800, s10;
	[dreg:$0x1b] =	wrdreg s12  }
0x25: {  	v2 =	vor.u32 $0x10, v0;
	v3 =	vor.u32 $0x20, v0;
	v4 =	vor.u32 $0x30, v0;
	s15 =	sadd.s32 $0x400, s6;
	s17 =	sadd.s32 $0xC00, s6;
	[dreg:$0x1e] =	wrdreg s14  }
0x26: {  	v5 =	vor.u32 $0x40, v0;
	v6 =	vor.u32 $0x50, v0;
	v7 =	vor.u32 $0x60, v0;
	s2 =	sadd.s32 s22, s26;
	s13 =	sadd.s32 s11, s4;
	[smem:$0x7F7] =	sst s19  }
0x27: {  	v8 =	vor.u32 $0x70, v0;
	v9 =	vor.u32 $0x80, v0;
	v10 =	vor.u32 $0x90, v0;
	[smem:$0x7F9] =	sst s3;
	s22 =	sor.u32 s9, s21;
	s12 =	sor.u32 $0x1000, s10  }
0x28: {  	v11 =	vor.u32 $0xA0, v0;
	v12 =	vor.u32 $0xB0, v0;
	v13 =	vor.u32 $0xC0, v0;
	[smem:$0x7FA] =	sst s23;
	s25 =	smax.u32 s8, $0x1;
	s19 =	sadd.s32 $0x1400, s6  }
0x29: {  	v14 =	vor.u32 $0xD0, v0;
	v15 =	vor.u32 $0xE0, v0;
	v16 =	vor.u32 $0xF0, v0;
	s21 =	sadd.s32 $0x1C00, s6;
	s23 =	sadd.s32 $0x2400, s6;
	s5 =	simm.s32 $0x13B00  }
0x2a: {  	v17 =	vor.u32 $0x100, v0;
	v18 =	vor.u32 $0x110, v0;
	v19 =	vor.u32 $0x120, v0;
	s10 =	simm.s32 $0x1;
	s14 =	simm.s32 $0x3;
	[dreg:$0x18] =	wrdreg s2  }
0x2b: {  	v20 =	vor.u32 $0x130, v0;
	v21 =	vor.u32 $0x140, v0;
	v22 =	vor.u32 $0x150, v0;
	s11 =	simm.s32 $0x0;
	s2 =	sadd.s32 s7, s26;
	[dreg:$0x1d] =	wrdreg s13  }
0x2c: {  	v23 =	vor.u32 $0x160, v0;
	v24 =	vor.u32 $0x170, v0;
	v25 =	vor.u32 $0x180, v0;
	s13 =	smov.u32 s4;
	s4 =	sadd.s32 s20, s4;
	s3 =	sshrl.u32 s22, $0x3  }
.Ltmp0:
0x2d: {  	v26 =	vor.u32 $0x190, v0;
	v27 =	vor.u32 $0x1A0, v0;
	v28 =	vor.u32 $0x1B0, v0;
	[smem:$0x7FD] =	sst s25;
	s20 =	sadd.s32 $0x1800, s6;
	(pc) =	sbr.rel .LBB2_1-.Ltmp0, $4  }
0x2e: {  	v29 =	vor.u32 $0x1C0, v0;
	v30 =	vor.u32 $0x1D0, v0;
	v31 =	vor.u32 $0x1E0, v0;
	s22 =	sadd.s32 $0x2000, s6;
	s25 =	simm.s32 $0x80;
	[dreg:$0x1c] =	wrdreg s2  }
0x2f: {  	v32 =	vor.u32 $0x1F0, v0;
	v33 =	vor.u32 $0x200, v0;
	v34 =	vor.u32 $0x210, v0;
	[smem:$0x7F8] =	sst s4;
	s2 =	sshrl.u32 s18, $0x3;
	s0 =	sadd.s32 s0, s3  }
0x30: {  	v35 =	vor.u32 $0x220, v0;
	v36 =	vor.u32 $0x230, v0;
	v37 =	vor.u32 $0x240, v0;
	s18 =	sadd.s32 $0x1000, s6;
	[smem:$0x7FB] =	sst s0;
	s24 =	sadd.s32 s1, s2  }
0x31: {  	v38 =	vor.u32 $0x250, v0;
	v39 =	vor.u32 $0x260, v0;
	v40 =	vor.u32 $0x270, v0;
	s3 =	simm.s32 $0x5;
	s2 =	simm.s32 $0x2;
	[smem:$0x7FC] =	sst s24  }
.LBB2_41:
0x32: {  	s0 =	simm.s32 $0x1BC00;
	s1 =	simm.s32 $0x1F400  }
0x33: {  	[spmem:s6] =	stream.indirect.scatter.add.f32 [tilespmem:s0], [sflag:$0x5], $0x10, s1, s25, $0xb8;
	[tilespmem:$0x1F680] =	vst v63  }
0x34: {  	_ =	swait.ge [sflag:s3], $0x800  }
0x35: {  	[sflag:s3] =	ssyncset.done $0x0  }
0x36: {  	s4 =	simm.s32 $0x1F480;
	s7 =	simm.s32 $0x1C400;
	[sflag:s3] =	ssyncadd.s32 $0xFFFFF800  }
0x37: {  	[spmem:s6] =	stream.indirect.scatter.add.f32 [tilespmem:s7], [sflag:$0x5], $0x10, s4, s25, $0xb8;
	[tilespmem:$0x1F680] =	vst v63  }
0x38: {  	_ =	swait.ge [sflag:s3], $0x800  }
0x39: {  	[sflag:s3] =	ssyncset.done $0x0  }
0x3a: {  	s8 =	simm.s32 $0x1F500;
	s24 =	simm.s32 $0x1CC00;
	[sflag:s3] =	ssyncadd.s32 $0xFFFFF800  }
0x3b: {  	[spmem:s6] =	stream.indirect.scatter.add.f32 [tilespmem:s24], [sflag:$0x5], $0x10, s8, s25, $0xb8;
	[tilespmem:$0x1F680] =	vst v63  }
0x3c: {  	_ =	swait.ge [sflag:s3], $0x800  }
0x3d: {  	[sflag:s3] =	ssyncset.done $0x0  }
0x3e: {  	s4 =	simm.s32 $0x1F580;
	s7 =	simm.s32 $0x1D400;
	[sflag:s3] =	ssyncadd.s32 $0xFFFFF800  }
0x3f: {  	[spmem:s6] =	stream.indirect.scatter.add.f32 [tilespmem:s7], [sflag:$0x5], $0x10, s4, s25, $0xb8;
	[tilespmem:$0x1F680] =	vst v63  }
0x40: {  	_ =	swait.ge [sflag:s3], $0x800  }
0x41: {  	[sflag:s3] =	ssyncset.done $0x0  }
0x42: {  	s8 =	simm.s32 $0x1F600;
	s24 =	simm.s32 $0x1DC00;
	[sflag:s3] =	ssyncadd.s32 $0xFFFFF800  }
0x43: {  	[spmem:s6] =	stream.indirect.scatter.add.f32 [tilespmem:s24], [sflag:$0x5], $0x10, s8, s25, $0xb8;
	[tilespmem:$0x1F680] =	vst v63  }
0x44: {  	_ =	swait.ge [sflag:s3], $0x800  }
0x45: {  	[sflag:s3] =	ssyncset.done $0x0  }
0x46: {  	[sflag:s3] =	ssyncadd.s32 $0xFFFFF800  }
.LBB2_42:
0x47: {  	s0 =	stileid.u32;
	[bflag:$0x0] =	sbarrier.arrive $0xFFFF;
	s7 =	simm.s32 $0x10  }
0x48: {  	s8 =	simm.s32 $0x8;
	s0 =	sshll.u32 s0, $0x6;
	s1 =	rddreg [dreg:$0x1f]  }
0x49: {  	s4 =	rddreg [dreg:$0x11];
	s0 =	sor.u32 $0x1C05, s0;
	s1 =	sshrl.u32 s1, $0x3  }
0x4a: {  	[hbm:s4@s7], [sflag:s0] =	dma.strided [spmem:s1@s8], $0x1388, s10, $0x8   }
0x4b: {  	_ =	swait.ge [sflag:s3], $0x1388  }
0x4c: {  	s4 =	sld [smem:$0x7F7];
	_ =	sdelay $0x1  }
0x4d: {  	[sflag:s3] =	ssyncset.done $0x0  }
0x4e: {  	s24 =	rddreg [dreg:$0x12];
	[sflag:s3] =	ssyncadd.s32 $0xFFFFEC78;
	s1 =	sshrl.u32 s4, $0x3  }
0x4f: {  	[hbm:s24@s7], [sflag:s0] =	dma.strided [spmem:s1@s8], $0x1388, s10, $0x8   }
0x50: {  	_ =	swait.ge [sflag:s3], $0x1388  }
0x51: {  	[sflag:s3] =	ssyncset.done $0x0  }
0x52: {  	[sflag:s3] =	ssyncadd.s32 $0xFFFFEC78  }
0x53: {  	s1 =	sshrl.u32 @!p1 s6, $0x3;
	s7 =	rddreg [dreg:$0x2]  }
0x54: {  	[hbm:s7], [sflag:s0] =	dma.local @!p1 [spmem:s1], $0x500  }
0x55: {  	s0 =	simm.s32 @!p1 $0x5  }
0x56: {  	_ =	swait.ge @!p1 [sflag:s0], $0x500  }
0x57: {  	s24 =	sld [smem:$0x7FD];
	_ =	sdelay $0x1  }
0x58: {  	s11 =	sadd.s32 $0x1, s11  }
0x59: {  	p4 =	sne.s32 s11, s24  }
.Ltmp1:
0x5a: {  	_ = 	snop;
	(pc) =	sbr.rel @!p4 .LBB2_43-.Ltmp1, $3  }
0x5b: {  	_ =	sdelay $0x1  }
0x5c: {  	[sflag:s0] =	ssyncset.done @!p1 $0x0  }
0x5d: {  	[sflag:s0] =	ssyncadd.s32 @!p1 $0xFFFFFB00  }
.LBB2_1:
0x5e: {  	[smem:$0x7F6] =	sst s11  }
0x5f: {  	s0 =	rddreg [dreg:$0x9];
	s4 =	simm.s32 $0x40  }
0x60: {  	[tilespmem:s5], [sflag:$0x1] =	stream.strided.gather [hbm4b:s0+s4], $0x2000, s25, s4, $0x38;
	[tilespmem:$0x1F680] =	vst v63  }
0x61: {  	s8 =	simm.s32 $0x0;
	s1 =	rddreg [dreg:$0xa]  }
0x62: {  	[tilespmem:s28], [sflag:$0x1] =	stream.linear.gather [hbm4b:s1+s8], $0x80, $0x38;
	[tilespmem:$0x1F680] =	vst v63  }
0x63: {  	s11 =	rddreg [dreg:$0xb]  }
0x64: {  	[tilespmem:s29], [sflag:$0x2] =	stream.strided.gather [hbm4b:s11+s4], $0x2000, s25, s4, $0x38;
	[tilespmem:$0x1F680] =	vst v63  }
0x65: {  	s24 =	rddreg [dreg:$0xc]  }
0x66: {  	[tilespmem:s30], [sflag:$0x2] =	stream.linear.gather [hbm4b:s24+s8], $0x80, $0x38;
	[tilespmem:$0x1F680] =	vst v63  }
0x67: {  	s7 =	simm.s32 $0x0;
	s8 =	simm.s32 $0x100  }
.LBB2_2:
0x68: {  	p4 =	sne.s32 s8, $0x3F00;
	[tilespmem:s7+$0x1E430] =	vst v1;
	s11 =	smov.u32 s8;
	s8 =	sadd.s32 $0x100, s8  }
.Ltmp2:
0x69: {  	[tilespmem:s7+$0x1E420] =	vst v1;
	(pc) =	sbr.rel @p4 .LBB2_2-.Ltmp2, $3  }
0x6a: {  	[tilespmem:s7+$0x1E400] =	vst v1  }
0x6b: {  	[tilespmem:s7+$0x1E410] =	vst v1;
	_ =	sdelay $0x1  }
0x6c: {  	s7 =	sshra.s32 s11, $0x2  }
0x6d: {  	[tilespmem:s7+$0x1E430] =	vst v1  }
0x6e: {  	[tilespmem:s7+$0x1E420] =	vst v1  }
0x6f: {  	[tilespmem:s7+$0x1E400] =	vst v1  }
0x70: {  	[tilespmem:s7+$0x1E410] =	vst v1;
	s0 =	rddreg [dreg:$0x1f];
	s1 =	simm.s32 $0x1E400  }
0x71: {  	[spmem:s0] =	stream.linear.scatter [tilespmem:s1], [sflag:$0x5], $0x1000, $0x38;
	[tilespmem:$0x1F680] =	vst v63  }
0x72: {  	_ =	swait.ge [sflag:s3], $0x1000  }
0x73: {  	s7 =	sld [smem:$0x7F7]  }
0x74: {  	[sflag:s3] =	ssyncset.done $0x0  }
0x75: {  	[sflag:s3] =	ssyncadd.s32 $0xFFFFF000  }
0x76: {  	[spmem:s7] =	stream.linear.scatter [tilespmem:s1], [sflag:$0x5], $0x1000, $0x38;
	[tilespmem:$0x1F680] =	vst v63  }
0x77: {  	_ =	swait.ge [sflag:s3], $0x1000  }
0x78: {  	[sflag:s3] =	ssyncset.done $0x0  }
0x79: {  	s8 =	rddreg [dreg:$0xd];
	[sflag:s3] =	ssyncadd.s32 $0xFFFFF000  }
0x7a: {  	[spmem:s8] =	stream.linear.scatter [tilespmem:s1], [sflag:$0x5], $0x1000, $0x38;
	[tilespmem:$0x1F680] =	vst v63  }
0x7b: {  	_ =	swait.ge [sflag:s3], $0x1000  }
0x7c: {  	[sflag:s3] =	ssyncset.done $0x0  }
0x7d: {  	s11 =	rddreg [dreg:$0xe];
	[sflag:s3] =	ssyncadd.s32 $0xFFFFF000  }
0x7e: {  	[spmem:s11] =	stream.linear.scatter [tilespmem:s1], [sflag:$0x5], $0x1000, $0x38;
	[tilespmem:$0x1F680] =	vst v63  }
0x7f: {  	_ =	swait.ge [sflag:s3], $0x1000  }
0x80: {  	[sflag:s3] =	ssyncset.done $0x0  }
0x81: {  	s24 =	rddreg [dreg:$0xf];
	[sflag:s3] =	ssyncadd.s32 $0xFFFFF000  }
0x82: {  	[spmem:s24] =	stream.linear.scatter [tilespmem:s1], [sflag:$0x5], $0x1000, $0x38;
	[tilespmem:$0x1F680] =	vst v63  }
0x83: {  	_ =	swait.ge [sflag:s3], $0x1000  }
0x84: {  	[sflag:s3] =	ssyncset.done $0x0  }
0x85: {  	s4 =	rddreg [dreg:$0x10];
	[sflag:s3] =	ssyncadd.s32 $0xFFFFF000  }
0x86: {  	[spmem:s4] =	stream.linear.scatter [tilespmem:s1], [sflag:$0x5], $0x1000, $0x38;
	[tilespmem:$0x1F680] =	vst v63  }
0x87: {  	_ =	swait.ge [sflag:s3], $0x1000  }
0x88: {  	[sflag:s3] =	ssyncset.done $0x0  }
0x89: {  	s7 =	rddreg [dreg:$0x13];
	[sflag:s3] =	ssyncadd.s32 $0xFFFFF000  }
0x8a: {  	[spmem:s7] =	stream.linear.scatter [tilespmem:s1], [sflag:$0x5], $0x1000, $0x38;
	[tilespmem:$0x1F680] =	vst v63  }
0x8b: {  	_ =	swait.ge [sflag:s3], $0x1000  }
0x8c: {  	[sflag:s3] =	ssyncset.done $0x0  }
0x8d: {  	s8 =	rddreg [dreg:$0x14];
	[sflag:s3] =	ssyncadd.s32 $0xFFFFF000  }
0x8e: {  	[spmem:s8] =	stream.linear.scatter [tilespmem:s1], [sflag:$0x5], $0x1000, $0x38;
	[tilespmem:$0x1F680] =	vst v63  }
0x8f: {  	_ =	swait.ge [sflag:s3], $0x1000  }
0x90: {  	[sflag:s3] =	ssyncset.done $0x0  }
0x91: {  	s11 =	rddreg [dreg:$0x15];
	[sflag:s3] =	ssyncadd.s32 $0xFFFFF000  }
0x92: {  	[spmem:s11] =	stream.linear.scatter [tilespmem:s1], [sflag:$0x5], $0x1000, $0x38;
	[tilespmem:$0x1F680] =	vst v63  }
0x93: {  	_ =	swait.ge [sflag:s3], $0x1000  }
0x94: {  	[sflag:s3] =	ssyncset.done $0x0  }
0x95: {  	s24 =	rddreg [dreg:$0x16];
	[sflag:s3] =	ssyncadd.s32 $0xFFFFF000  }
0x96: {  	[spmem:s24] =	stream.linear.scatter [tilespmem:s1], [sflag:$0x5], $0x1000, $0x38;
	[tilespmem:$0x1F680] =	vst v63  }
0x97: {  	_ =	swait.ge [sflag:s3], $0x1000  }
0x98: {  	[sflag:s3] =	ssyncset.done $0x0  }
0x99: {  	s4 =	rddreg [dreg:$0x17];
	[sflag:s3] =	ssyncadd.s32 $0xFFFFF000  }
0x9a: {  	[spmem:s4] =	stream.linear.scatter [tilespmem:s1], [sflag:$0x5], $0x1000, $0x38;
	[tilespmem:$0x1F680] =	vst v63  }
0x9b: {  	_ =	swait.ge [sflag:s3], $0x1000  }
0x9c: {  	[sflag:s3] =	ssyncset.done $0x0  }
0x9d: {  	s7 =	rddreg [dreg:$0x18];
	[sflag:s3] =	ssyncadd.s32 $0xFFFFF000  }
0x9e: {  	[spmem:s7] =	stream.linear.scatter [tilespmem:s1], [sflag:$0x5], $0x1000, $0x38;
	[tilespmem:$0x1F680] =	vst v63  }
0x9f: {  	_ =	swait.ge [sflag:s3], $0x1000  }
0xa0: {  	[sflag:s3] =	ssyncset.done $0x0  }
0xa1: {  	s8 =	rddreg [dreg:$0x19];
	[sflag:s3] =	ssyncadd.s32 $0xFFFFF000  }
0xa2: {  	[spmem:s8] =	stream.linear.scatter [tilespmem:s1], [sflag:$0x5], $0x1000, $0x38;
	[tilespmem:$0x1F680] =	vst v63  }
0xa3: {  	_ =	swait.ge [sflag:s3], $0x1000  }
0xa4: {  	[sflag:s3] =	ssyncset.done $0x0  }
0xa5: {  	s11 =	rddreg [dreg:$0x1a];
	[sflag:s3] =	ssyncadd.s32 $0xFFFFF000  }
0xa6: {  	[spmem:s11] =	stream.linear.scatter [tilespmem:s1], [sflag:$0x5], $0x1000, $0x38;
	[tilespmem:$0x1F680] =	vst v63  }
0xa7: {  	_ =	swait.ge [sflag:s3], $0x1000  }
0xa8: {  	[sflag:s3] =	ssyncset.done $0x0  }
0xa9: {  	s24 =	rddreg [dreg:$0x1b];
	[sflag:s3] =	ssyncadd.s32 $0xFFFFF000  }
0xaa: {  	[spmem:s24] =	stream.linear.scatter [tilespmem:s1], [sflag:$0x5], $0x1000, $0x38;
	[tilespmem:$0x1F680] =	vst v63  }
0xab: {  	_ =	swait.ge [sflag:s3], $0x1000  }
0xac: {  	[sflag:s3] =	ssyncset.done $0x0  }
0xad: {  	s4 =	rddreg [dreg:$0x1c];
	[sflag:s3] =	ssyncadd.s32 $0xFFFFF000  }
0xae: {  	[spmem:s4] =	stream.linear.scatter [tilespmem:s1], [sflag:$0x5], $0x1000, $0x38;
	[tilespmem:$0x1F680] =	vst v63  }
0xaf: {  	_ =	swait.ge [sflag:s3], $0x1000  }
0xb0: {  	[sflag:s3] =	ssyncset.done $0x0  }
0xb1: {  	s7 =	rddreg [dreg:$0x1d];
	[sflag:s3] =	ssyncadd.s32 $0xFFFFF000  }
0xb2: {  	[spmem:s7] =	stream.linear.scatter [tilespmem:s1], [sflag:$0x5], $0x1000, $0x38;
	[tilespmem:$0x1F680] =	vst v63  }
0xb3: {  	_ =	swait.ge [sflag:s3], $0x1000  }
0xb4: {  	[sflag:s3] =	ssyncset.done $0x0  }
0xb5: {  	s8 =	rddreg [dreg:$0x1e];
	[sflag:s3] =	ssyncadd.s32 $0xFFFFF000  }
0xb6: {  	[spmem:s8] =	stream.linear.scatter [tilespmem:s1], [sflag:$0x5], $0x1000, $0x38;
	[tilespmem:$0x1F680] =	vst v63  }
0xb7: {  	_ =	swait.ge [sflag:s3], $0x1000  }
0xb8: {  	s11 =	sld [smem:$0x7F8]  }
0xb9: {  	[sflag:s3] =	ssyncset.done $0x0  }
0xba: {  	[sflag:s3] =	ssyncadd.s32 $0xFFFFF000  }
0xbb: {  	[spmem:s11] =	stream.linear.scatter [tilespmem:s1], [sflag:$0x5], $0xC40, $0x38;
	[tilespmem:$0x1F680] =	vst v63  }
0xbc: {  	_ =	swait.ge [sflag:s3], $0xC40  }
0xbd: {  	s24 =	sld [smem:$0x7F9]  }
0xbe: {  	[sflag:s3] =	ssyncset.done $0x0  }
.Ltmp3:
0xbf: {  	[sflag:s3] =	ssyncadd.s32 $0xFFFFF3C0;
	(pc) =	sbr.rel @p0 .LBB2_28-.Ltmp3, $4  }
0xc0: {  	[spmem:s24] =	stream.linear.scatter [tilespmem:s1], [sflag:$0x5], $0xC40, $0x38;
	[tilespmem:$0x1F680] =	vst v63  }
0xc1: {  	_ =	swait.ge [sflag:s3], $0xC40  }
0xc2: {  	[sflag:s3] =	ssyncset.done $0x0  }
0xc3: {  	s7 =	simm.s32 $0x0;
	[sflag:s3] =	ssyncadd.s32 $0xFFFFF3C0  }
0xc4: {  	s8 =	simm.s32 $0x40;
	s11 =	simm.s32 $0x0  }
.LBB2_5:
0xc5: {  	p4 =	sne.s32 s8, $0x9FC0;
	[tilespmem:s11+$0x1BC00] =	vst v1;
	s11 =	smov.u32 s8;
	s8 =	sadd.s32 $0x40, s8  }
.Ltmp4:
0xc6: {  	(pc) =	sbr.rel @p4 .LBB2_5-.Ltmp4, $2  }
0xc7: {  	_ =	sdelay $0x2  }
0xc8: {  	s11 =	sshra.s32 s11, $0x2  }
0xc9: {  	[tilespmem:s11+$0x1BC00] =	vst v1  }
0xca: {  	[tilespmem:$0x1F400] =	vst v0  }
0xcb: {  	[tilespmem:$0x1F410] =	vst v2  }
0xcc: {  	[tilespmem:$0x1F420] =	vst v3  }
0xcd: {  	[tilespmem:$0x1F430] =	vst v4  }
0xce: {  	[tilespmem:$0x1F440] =	vst v5  }
0xcf: {  	[tilespmem:$0x1F450] =	vst v6  }
0xd0: {  	[tilespmem:$0x1F460] =	vst v7  }
0xd1: {  	[tilespmem:$0x1F470] =	vst v8  }
0xd2: {  	[tilespmem:$0x1F480] =	vst v9  }
0xd3: {  	[tilespmem:$0x1F490] =	vst v10  }
0xd4: {  	[tilespmem:$0x1F4A0] =	vst v11  }
0xd5: {  	[tilespmem:$0x1F4B0] =	vst v12  }
0xd6: {  	[tilespmem:$0x1F4C0] =	vst v13  }
0xd7: {  	[tilespmem:$0x1F4D0] =	vst v14  }
0xd8: {  	[tilespmem:$0x1F4E0] =	vst v15  }
0xd9: {  	[tilespmem:$0x1F4F0] =	vst v16  }
0xda: {  	[tilespmem:$0x1F500] =	vst v17  }
0xdb: {  	[tilespmem:$0x1F510] =	vst v18  }
0xdc: {  	[tilespmem:$0x1F520] =	vst v19  }
0xdd: {  	[tilespmem:$0x1F530] =	vst v20  }
0xde: {  	[tilespmem:$0x1F540] =	vst v21  }
0xdf: {  	[tilespmem:$0x1F550] =	vst v22  }
0xe0: {  	[tilespmem:$0x1F560] =	vst v23  }
0xe1: {  	[tilespmem:$0x1F570] =	vst v24  }
0xe2: {  	[tilespmem:$0x1F580] =	vst v25  }
0xe3: {  	[tilespmem:$0x1F590] =	vst v26  }
0xe4: {  	[tilespmem:$0x1F5A0] =	vst v27  }
0xe5: {  	[tilespmem:$0x1F5B0] =	vst v28  }
0xe6: {  	[tilespmem:$0x1F5C0] =	vst v29  }
0xe7: {  	[tilespmem:$0x1F5D0] =	vst v30  }
0xe8: {  	[tilespmem:$0x1F5E0] =	vst v31  }
0xe9: {  	[tilespmem:$0x1F5F0] =	vst v32  }
0xea: {  	[tilespmem:$0x1F600] =	vst v33  }
0xeb: {  	[tilespmem:$0x1F610] =	vst v34  }
0xec: {  	[tilespmem:$0x1F620] =	vst v35  }
.Ltmp5:
0xed: {  	[tilespmem:$0x1F630] =	vst v36;
	(pc) =	sbr.rel @p2 .LBB2_28-.Ltmp5, $4  }
0xee: {  	[tilespmem:$0x1F640] =	vst v37  }
0xef: {  	[tilespmem:$0x1F650] =	vst v38  }
0xf0: {  	[tilespmem:$0x1F660] =	vst v39  }
0xf1: {  	[tilespmem:$0x1F670] =	vst v40  }
0xf2: {  	s8 =	simm.s32 $0x1E400;
	s11 =	sadd.s32 $0x0, s6  }
0xf3: {  	[spmem:s11] =	stream.linear.scatter [tilespmem:s8], [sflag:$0x5], $0x10, $0x38;
	[tilespmem:$0x1F680] =	vst v63  }
0xf4: {  	s11 =	simm.s32 $0x40  }
.LBB2_8:
0xf5: {  	p4 =	sne.s32 s11, $0xFC0  }
.Ltmp6:
0xf6: {  	_ = 	snop;
	(pc) =	sbr.rel @p4 .LBB2_8-.Ltmp6, $4  }
0xf7: {  	_ = 	snop  }
0xf8: {  	s24 =	sshra.s32 s11, $0x2;
	s11 =	sadd.s32 $0x40, s11  }
0xf9: {  	s8 =	sadd.s32 $0x40, s8;
	s24 =	sadd.s32 s24, s6  }
0xfa: {  	[spmem:s24] =	stream.linear.scatter [tilespmem:s8], [sflag:$0x5], $0x10, $0x38;
	[tilespmem:$0x1F680] =	vst v63  }
0xfb: {  	_ =	swait.ge [sflag:s3], $0x400  }
0xfc: {  	[sflag:s3] =	ssyncset.done $0x0  }
0xfd: {  	s8 =	simm.s32 $0x1E400;
	s11 =	sadd.s32 $0x0, s15;
	[sflag:s3] =	ssyncadd.s32 $0xFFFFFC00  }
0xfe: {  	[spmem:s11] =	stream.linear.scatter [tilespmem:s8], [sflag:$0x5], $0x10, $0x38;
	[tilespmem:$0x1F680] =	vst v63  }
0xff: {  	s11 =	simm.s32 $0x40  }
.LBB2_10:
0x100: {  	p4 =	sne.s32 s11, $0xFC0  }
.Ltmp7:
0x101: {  	_ = 	snop;
	(pc) =	sbr.rel @p4 .LBB2_10-.Ltmp7, $4  }
0x102: {  	_ = 	snop  }
0x103: {  	s24 =	sshra.s32 s11, $0x2;
	s11 =	sadd.s32 $0x40, s11  }
0x104: {  	s8 =	sadd.s32 $0x40, s8;
	s24 =	sadd.s32 s24, s15  }
0x105: {  	[spmem:s24] =	stream.linear.scatter [tilespmem:s8], [sflag:$0x5], $0x10, $0x38;
	[tilespmem:$0x1F680] =	vst v63  }
0x106: {  	_ =	swait.ge [sflag:s3], $0x400  }
0x107: {  	[sflag:s3] =	ssyncset.done $0x0  }
0x108: {  	s8 =	simm.s32 $0x1E400;
	s11 =	sadd.s32 $0x0, s16;
	[sflag:s3] =	ssyncadd.s32 $0xFFFFFC00  }
0x109: {  	[spmem:s11] =	stream.linear.scatter [tilespmem:s8], [sflag:$0x5], $0x10, $0x38;
	[tilespmem:$0x1F680] =	vst v63  }
0x10a: {  	s11 =	simm.s32 $0x40  }
.LBB2_12:
0x10b: {  	p4 =	sne.s32 s11, $0xFC0  }
.Ltmp8:
0x10c: {  	_ = 	snop;
	(pc) =	sbr.rel @p4 .LBB2_12-.Ltmp8, $4  }
0x10d: {  	_ = 	snop  }
0x10e: {  	s24 =	sshra.s32 s11, $0x2;
	s11 =	sadd.s32 $0x40, s11  }
0x10f: {  	s8 =	sadd.s32 $0x40, s8;
	s24 =	sadd.s32 s24, s16  }
0x110: {  	[spmem:s24] =	stream.linear.scatter [tilespmem:s8], [sflag:$0x5], $0x10, $0x38;
	[tilespmem:$0x1F680] =	vst v63  }
0x111: {  	_ =	swait.ge [sflag:s3], $0x400  }
0x112: {  	[sflag:s3] =	ssyncset.done $0x0  }
0x113: {  	s8 =	simm.s32 $0x1E400;
	s11 =	sadd.s32 $0x0, s17;
	[sflag:s3] =	ssyncadd.s32 $0xFFFFFC00  }
0x114: {  	[spmem:s11] =	stream.linear.scatter [tilespmem:s8], [sflag:$0x5], $0x10, $0x38;
	[tilespmem:$0x1F680] =	vst v63  }
0x115: {  	s11 =	simm.s32 $0x40  }
.LBB2_14:
0x116: {  	p4 =	sne.s32 s11, $0xFC0  }
.Ltmp9:
0x117: {  	_ = 	snop;
	(pc) =	sbr.rel @p4 .LBB2_14-.Ltmp9, $4  }
0x118: {  	_ = 	snop  }
0x119: {  	s24 =	sshra.s32 s11, $0x2;
	s11 =	sadd.s32 $0x40, s11  }
0x11a: {  	s8 =	sadd.s32 $0x40, s8;
	s24 =	sadd.s32 s24, s17  }
0x11b: {  	[spmem:s24] =	stream.linear.scatter [tilespmem:s8], [sflag:$0x5], $0x10, $0x38;
	[tilespmem:$0x1F680] =	vst v63  }
0x11c: {  	_ =	swait.ge [sflag:s3], $0x400  }
0x11d: {  	[sflag:s3] =	ssyncset.done $0x0  }
0x11e: {  	s8 =	simm.s32 $0x1E400;
	s11 =	sadd.s32 $0x0, s18;
	[sflag:s3] =	ssyncadd.s32 $0xFFFFFC00  }
0x11f: {  	[spmem:s11] =	stream.linear.scatter [tilespmem:s8], [sflag:$0x5], $0x10, $0x38;
	[tilespmem:$0x1F680] =	vst v63  }
0x120: {  	s11 =	simm.s32 $0x40  }
.LBB2_16:
0x121: {  	p4 =	sne.s32 s11, $0xFC0  }
.Ltmp10:
0x122: {  	_ = 	snop;
	(pc) =	sbr.rel @p4 .LBB2_16-.Ltmp10, $4  }
0x123: {  	_ = 	snop  }
0x124: {  	s24 =	sshra.s32 s11, $0x2;
	s11 =	sadd.s32 $0x40, s11  }
0x125: {  	s8 =	sadd.s32 $0x40, s8;
	s24 =	sadd.s32 s24, s18  }
0x126: {  	[spmem:s24] =	stream.linear.scatter [tilespmem:s8], [sflag:$0x5], $0x10, $0x38;
	[tilespmem:$0x1F680] =	vst v63  }
0x127: {  	_ =	swait.ge [sflag:s3], $0x400  }
0x128: {  	[sflag:s3] =	ssyncset.done $0x0  }
0x129: {  	s8 =	simm.s32 $0x1E400;
	s11 =	sadd.s32 $0x0, s19;
	[sflag:s3] =	ssyncadd.s32 $0xFFFFFC00  }
0x12a: {  	[spmem:s11] =	stream.linear.scatter [tilespmem:s8], [sflag:$0x5], $0x10, $0x38;
	[tilespmem:$0x1F680] =	vst v63  }
0x12b: {  	s11 =	simm.s32 $0x40  }
.LBB2_18:
0x12c: {  	p4 =	sne.s32 s11, $0xFC0  }
.Ltmp11:
0x12d: {  	_ = 	snop;
	(pc) =	sbr.rel @p4 .LBB2_18-.Ltmp11, $4  }
0x12e: {  	_ = 	snop  }
0x12f: {  	s24 =	sshra.s32 s11, $0x2;
	s11 =	sadd.s32 $0x40, s11  }
0x130: {  	s8 =	sadd.s32 $0x40, s8;
	s24 =	sadd.s32 s24, s19  }
0x131: {  	[spmem:s24] =	stream.linear.scatter [tilespmem:s8], [sflag:$0x5], $0x10, $0x38;
	[tilespmem:$0x1F680] =	vst v63  }
0x132: {  	_ =	swait.ge [sflag:s3], $0x400  }
0x133: {  	[sflag:s3] =	ssyncset.done $0x0  }
0x134: {  	s8 =	simm.s32 $0x1E400;
	s11 =	sadd.s32 $0x0, s20;
	[sflag:s3] =	ssyncadd.s32 $0xFFFFFC00  }
0x135: {  	[spmem:s11] =	stream.linear.scatter [tilespmem:s8], [sflag:$0x5], $0x10, $0x38;
	[tilespmem:$0x1F680] =	vst v63  }
0x136: {  	s11 =	simm.s32 $0x40  }
.LBB2_20:
0x137: {  	p4 =	sne.s32 s11, $0xFC0  }
.Ltmp12:
0x138: {  	_ = 	snop;
	(pc) =	sbr.rel @p4 .LBB2_20-.Ltmp12, $4  }
0x139: {  	_ = 	snop  }
0x13a: {  	s24 =	sshra.s32 s11, $0x2;
	s11 =	sadd.s32 $0x40, s11  }
0x13b: {  	s8 =	sadd.s32 $0x40, s8;
	s24 =	sadd.s32 s24, s20  }
0x13c: {  	[spmem:s24] =	stream.linear.scatter [tilespmem:s8], [sflag:$0x5], $0x10, $0x38;
	[tilespmem:$0x1F680] =	vst v63  }
0x13d: {  	_ =	swait.ge [sflag:s3], $0x400  }
0x13e: {  	[sflag:s3] =	ssyncset.done $0x0  }
0x13f: {  	s8 =	simm.s32 $0x1E400;
	s11 =	sadd.s32 $0x0, s21;
	[sflag:s3] =	ssyncadd.s32 $0xFFFFFC00  }
0x140: {  	[spmem:s11] =	stream.linear.scatter [tilespmem:s8], [sflag:$0x5], $0x10, $0x38;
	[tilespmem:$0x1F680] =	vst v63  }
0x141: {  	s11 =	simm.s32 $0x40  }
.LBB2_22:
0x142: {  	p4 =	sne.s32 s11, $0xFC0  }
.Ltmp13:
0x143: {  	_ = 	snop;
	(pc) =	sbr.rel @p4 .LBB2_22-.Ltmp13, $4  }
0x144: {  	_ = 	snop  }
0x145: {  	s24 =	sshra.s32 s11, $0x2;
	s11 =	sadd.s32 $0x40, s11  }
0x146: {  	s8 =	sadd.s32 $0x40, s8;
	s24 =	sadd.s32 s24, s21  }
0x147: {  	[spmem:s24] =	stream.linear.scatter [tilespmem:s8], [sflag:$0x5], $0x10, $0x38;
	[tilespmem:$0x1F680] =	vst v63  }
0x148: {  	_ =	swait.ge [sflag:s3], $0x400  }
0x149: {  	[sflag:s3] =	ssyncset.done $0x0  }
0x14a: {  	s8 =	simm.s32 $0x1E400;
	s11 =	sadd.s32 $0x0, s22;
	[sflag:s3] =	ssyncadd.s32 $0xFFFFFC00  }
0x14b: {  	[spmem:s11] =	stream.linear.scatter [tilespmem:s8], [sflag:$0x5], $0x10, $0x38;
	[tilespmem:$0x1F680] =	vst v63  }
0x14c: {  	s11 =	simm.s32 $0x40  }
.LBB2_24:
0x14d: {  	p4 =	sne.s32 s11, $0xFC0  }
.Ltmp14:
0x14e: {  	_ = 	snop;
	(pc) =	sbr.rel @p4 .LBB2_24-.Ltmp14, $4  }
0x14f: {  	_ = 	snop  }
0x150: {  	s24 =	sshra.s32 s11, $0x2;
	s11 =	sadd.s32 $0x40, s11  }
0x151: {  	s8 =	sadd.s32 $0x40, s8;
	s24 =	sadd.s32 s24, s22  }
0x152: {  	[spmem:s24] =	stream.linear.scatter [tilespmem:s8], [sflag:$0x5], $0x10, $0x38;
	[tilespmem:$0x1F680] =	vst v63  }
0x153: {  	_ =	swait.ge [sflag:s3], $0x400  }
0x154: {  	[sflag:s3] =	ssyncset.done $0x0  }
0x155: {  	s8 =	simm.s32 $0x1E400;
	s11 =	sadd.s32 $0x0, s23;
	[sflag:s3] =	ssyncadd.s32 $0xFFFFFC00  }
0x156: {  	[spmem:s11] =	stream.linear.scatter [tilespmem:s8], [sflag:$0x5], $0x10, $0x38;
	[tilespmem:$0x1F680] =	vst v63  }
0x157: {  	s11 =	simm.s32 $0x40  }
.LBB2_26:
0x158: {  	p4 =	sne.s32 s11, $0xFC0  }
.Ltmp15:
0x159: {  	_ = 	snop;
	(pc) =	sbr.rel @p4 .LBB2_26-.Ltmp15, $4  }
0x15a: {  	_ = 	snop  }
0x15b: {  	s24 =	sshra.s32 s11, $0x2;
	s11 =	sadd.s32 $0x40, s11  }
0x15c: {  	s8 =	sadd.s32 $0x40, s8;
	s24 =	sadd.s32 s24, s23  }
0x15d: {  	[spmem:s24] =	stream.linear.scatter [tilespmem:s8], [sflag:$0x5], $0x10, $0x38;
	[tilespmem:$0x1F680] =	vst v63  }
0x15e: {  	_ =	swait.ge [sflag:s3], $0x400  }
0x15f: {  	[sflag:s3] =	ssyncset.done $0x0  }
0x160: {  	[sflag:s3] =	ssyncadd.s32 $0xFFFFFC00  }
.LBB2_28:
0x161: {  	[bflag:$0x0] =	sbarrier.arrive $0xFFFF  }
.LBB2_29:
0x162: {  	_ =	swait.ge [sflag:s10], $0x2000  }
0x163: {  	[sflag:s10] =	ssyncset.done $0x0  }
0x164: {  	[sflag:s10] =	ssyncadd.s32 $0xFFFFE000  }
0x165: {  	_ =	swait.ge [sflag:s10], $0x80  }
0x166: {  	[sflag:s10] =	ssyncset.done $0x0  }
0x167: {  	s8 =	simm.s32 $0x0;
	[sflag:s10] =	ssyncadd.s32 $0xFFFFFF80  }
0x168: {  	[spmem:s13] =	stream.indirect.scatter.add.f32 [tilespmem:s5], [sflag:$0x3], $0x40, s28, s25, $0xb8;
	[tilespmem:$0x1F680] =	vst v63  }
0x169: {  	v42 =	vld [tilespmem:s8+$0x13BF0]  }
0x16a: {  	v43 =	vld [tilespmem:s8+$0x13B00]  }
0x16b: {  	v44 =	vld [tilespmem:s8+$0x13B10]  }
0x16c: {  	v45 =	vld [tilespmem:s8+$0x13B20]  }
0x16d: {  	v46 =	vld [tilespmem:s8+$0x13B30]  }
0x16e: {  	v47 =	vld [tilespmem:s8+$0x13B40];
	v42 =	vmul.f32 v42, v42  }
0x16f: {  	v48 =	vld [tilespmem:s8+$0x13B50];
	v43 =	vmul.f32 v43, v43  }
0x170: {  	v49 =	vld [tilespmem:s8+$0x13B60];
	v56 =	vmul.f32 v44, v44;
	[tilespmem:s8+$0x17BF0] =	vst v42  }
0x171: {  	v50 =	vld [tilespmem:s8+$0x13B70];
	v57 =	vmul.f32 v45, v45;
	[tilespmem:s8+$0x17B00] =	vst v43  }
0x172: {  	v51 =	vld [tilespmem:s8+$0x13B80];
	v58 =	vmul.f32 v46, v46;
	[tilespmem:s8+$0x17B10] =	vst v56  }
0x173: {  	v59 =	vld [tilespmem:s8+$0x13B90];
	v60 =	vmul.f32 v47, v47;
	[tilespmem:s8+$0x17B20] =	vst v57  }
0x174: {  	v61 =	vmul.f32 v48, v48;
	[tilespmem:s8+$0x17B30] =	vst v58;
	v42 =	vld [tilespmem:s8+$0x13BA0]  }
0x175: {  	v62 =	vmul.f32 v49, v49;
	[tilespmem:s8+$0x17B40] =	vst v60;
	v43 =	vld [tilespmem:s8+$0x13BB0]  }
0x176: {  	v44 =	vld [tilespmem:s8+$0x13BC0];
	v63 =	vmul.f32 v50, v50;
	[tilespmem:s8+$0x17B50] =	vst v61  }
0x177: {  	v45 =	vld [tilespmem:s8+$0x13BD0];
	v47 =	vmul.f32 v51, v51;
	[tilespmem:s8+$0x17B60] =	vst v62  }
0x178: {  	s11 =	simm.s32 $0x100;
	s24 =	simm.s32 $0x800;
	v48 =	vmul.f32 v59, v59;
	v46 =	vld [tilespmem:s8+$0x13BE0];
	[tilespmem:s8+$0x17B70] =	vst v63  }
.LBB2_30:
0x179: {  	p4 =	sne.s32 s24, $0x7C00;
	v49 =	vld [tilespmem:s11+$0x13BF0];
	[tilespmem:s8+$0x17B80] =	vst v47;
	v42 =	vmul.f32 v42, v42  }
0x17a: {  	v47 =	vld [tilespmem:s11+$0x13B00];
	[tilespmem:s8+$0x17B90] =	vst v48;
	v43 =	vmul.f32 v43, v43  }
0x17b: {  	v48 =	vld [tilespmem:s11+$0x13B10];
	[tilespmem:s8+$0x17BA0] =	vst v42;
	v42 =	vmul.f32 v44, v44  }
0x17c: {  	v44 =	vld [tilespmem:s11+$0x13B20];
	[tilespmem:s8+$0x17BB0] =	vst v43;
	v43 =	vmul.f32 v45, v45  }
0x17d: {  	v45 =	vld [tilespmem:s11+$0x13B30];
	[tilespmem:s8+$0x17BC0] =	vst v42;
	v42 =	vmul.f32 v46, v46  }
0x17e: {  	v46 =	vld [tilespmem:s11+$0x13B40];
	v49 =	vmul.f32 v49, v49;
	[tilespmem:s8+$0x17BD0] =	vst v43  }
0x17f: {  	v43 =	vmul.f32 v47, v47;
	v47 =	vld [tilespmem:s11+$0x13B50];
	[tilespmem:s8+$0x17BE0] =	vst v42;
	s8 =	smov.u32 s11  }
0x180: {  	v42 =	vmul.f32 v48, v48;
	v48 =	vld [tilespmem:s8+$0x13B60];
	[tilespmem:s8+$0x17BF0] =	vst v49  }
0x181: {  	[tilespmem:s8+$0x17B00] =	vst v43;
	v43 =	vmul.f32 v44, v44;
	v44 =	vld [tilespmem:s8+$0x13B70]  }
0x182: {  	[tilespmem:s8+$0x17B10] =	vst v42;
	v42 =	vmul.f32 v45, v45;
	v45 =	vld [tilespmem:s8+$0x13B80]  }
0x183: {  	[tilespmem:s8+$0x17B20] =	vst v43;
	v43 =	vmul.f32 v46, v46;
	v46 =	vld [tilespmem:s8+$0x13B90]  }
.Ltmp16:
0x184: {  	[tilespmem:s8+$0x17B30] =	vst v42;
	v47 =	vmul.f32 v47, v47;
	v42 =	vld [tilespmem:s8+$0x13BA0];
	(pc) =	sbr.rel @p4 .LBB2_30-.Ltmp16, $4  }
0x185: {  	[tilespmem:s8+$0x17B40] =	vst v43;
	v48 =	vmul.f32 v48, v48;
	v43 =	vld [tilespmem:s8+$0x13BB0]  }
0x186: {  	[tilespmem:s8+$0x17B50] =	vst v47;
	v49 =	vmul.f32 v44, v44;
	v44 =	vld [tilespmem:s8+$0x13BC0]  }
0x187: {  	[tilespmem:s8+$0x17B60] =	vst v48;
	v47 =	vmul.f32 v45, v45;
	v45 =	vld [tilespmem:s8+$0x13BD0]  }
0x188: {  	s11 =	sshra.s32 s24, $0x2;
	s24 =	sadd.s32 $0x400, s24;
	[tilespmem:s8+$0x17B70] =	vst v49;
	v48 =	vmul.f32 v46, v46;
	v46 =	vld [tilespmem:s8+$0x13BE0]  }
0x189: {  	v49 =	vld [tilespmem:s11+$0x13BF0];
	[tilespmem:s8+$0x17B80] =	vst v47;
	v42 =	vmul.f32 v42, v42  }
0x18a: {  	v47 =	vld [tilespmem:s11+$0x13B00];
	[tilespmem:s8+$0x17B90] =	vst v48;
	v43 =	vmul.f32 v43, v43  }
0x18b: {  	v48 =	vld [tilespmem:s11+$0x13B10];
	[tilespmem:s8+$0x17BA0] =	vst v42;
	v44 =	vmul.f32 v44, v44  }
0x18c: {  	v42 =	vld [tilespmem:s11+$0x13B20];
	[tilespmem:s8+$0x17BB0] =	vst v43;
	v45 =	vmul.f32 v45, v45  }
0x18d: {  	v43 =	vld [tilespmem:s11+$0x13B30];
	[tilespmem:s8+$0x17BC0] =	vst v44;
	v46 =	vmul.f32 v46, v46  }
0x18e: {  	v44 =	vld [tilespmem:s11+$0x13B40];
	[tilespmem:s8+$0x17BD0] =	vst v45;
	v49 =	vmul.f32 v49, v49  }
0x18f: {  	v45 =	vld [tilespmem:s11+$0x13B50];
	[tilespmem:s8+$0x17BE0] =	vst v46;
	v56 =	vmul.f32 v47, v47  }
0x190: {  	v57 =	vld [tilespmem:s11+$0x13B60];
	[tilespmem:s11+$0x17BF0] =	vst v49;
	v48 =	vmul.f32 v48, v48  }
0x191: {  	v58 =	vld [tilespmem:s11+$0x13B70];
	[tilespmem:s11+$0x17B00] =	vst v56;
	v42 =	vmul.f32 v42, v42  }
0x192: {  	v59 =	vld [tilespmem:s11+$0x13B80];
	[tilespmem:s11+$0x17B10] =	vst v48;
	v43 =	vmul.f32 v43, v43  }
0x193: {  	v60 =	vld [tilespmem:s11+$0x13B90];
	[tilespmem:s11+$0x17B20] =	vst v42;
	v44 =	vmul.f32 v44, v44  }
0x194: {  	v61 =	vld [tilespmem:s11+$0x13BA0];
	[tilespmem:s11+$0x17B30] =	vst v43;
	v45 =	vmul.f32 v45, v45  }
0x195: {  	v62 =	vld [tilespmem:s11+$0x13BB0];
	[tilespmem:s11+$0x17B40] =	vst v44;
	v47 =	vmul.f32 v57, v57  }
0x196: {  	v63 =	vld [tilespmem:s11+$0x13BC0];
	v46 =	vmul.f32 v58, v58;
	[tilespmem:s11+$0x17B50] =	vst v45  }
0x197: {  	v52 =	vld [tilespmem:s11+$0x13BD0];
	v48 =	vmul.f32 v59, v59;
	[tilespmem:s11+$0x17B60] =	vst v47  }
0x198: {  	v53 =	vld [tilespmem:s11+$0x13BE0];
	v42 =	vmul.f32 v60, v60;
	[tilespmem:s11+$0x17B70] =	vst v46  }
0x199: {  	v43 =	vmul.f32 v61, v61;
	[tilespmem:s11+$0x17B80] =	vst v48  }
0x19a: {  	v54 =	vmul.f32 v62, v62;
	[tilespmem:s11+$0x17B90] =	vst v42  }
0x19b: {  	v55 =	vmul.f32 v63, v63;
	[tilespmem:s11+$0x17BA0] =	vst v43  }
0x19c: {  	v56 =	vmul.f32 v52, v52;
	[tilespmem:s11+$0x17BB0] =	vst v54  }
0x19d: {  	v57 =	vmul.f32 v53, v53;
	[tilespmem:s11+$0x17BC0] =	vst v55  }
0x19e: {  	[tilespmem:s11+$0x17BD0] =	vst v56  }
0x19f: {  	s0 =	simm.s32 $0x17B00;
	[tilespmem:s11+$0x17BE0] =	vst v57  }
0x1a0: {  	[spmem:s26] =	stream.indirect.scatter.add.f32 [tilespmem:s0], [sflag:$0x3], $0x40, s28, s25, $0xb8;
	[tilespmem:$0x1F680] =	vst v63  }
0x1a1: {  	v42 =	vld @!p0 [tilespmem:$0x1BB00];
	_ =	sdelay $0x6  }
0x1a2: {  	s8 =	simm.s32 @!p0 $0x1BC00;
	v43 =	vimm.f32 @!p0 $1.000000000e+00  }
0x1a3: {  	[tilespmem:v42+s8+$0x0] =	vst.idx.add.f32.msk @!p0 $0xffff, v43  }
0x1a4: {  	v42 =	vld @!p0 [tilespmem:$0x1BB10];
	_ =	sdelay $0x7  }
0x1a5: {  	[tilespmem:v42+s8+$0x0] =	vst.idx.add.f32.msk @!p0 $0xffff, v43  }
0x1a6: {  	v42 =	vld @!p0 [tilespmem:$0x1BB20];
	_ =	sdelay $0x7  }
0x1a7: {  	[tilespmem:v42+s8+$0x0] =	vst.idx.add.f32.msk @!p0 $0xffff, v43  }
0x1a8: {  	v42 =	vld @!p0 [tilespmem:$0x1BB30];
	_ =	sdelay $0x7  }
0x1a9: {  	[tilespmem:v42+s8+$0x0] =	vst.idx.add.f32.msk @!p0 $0xffff, v43  }
0x1aa: {  	v42 =	vld @!p0 [tilespmem:$0x1BB40];
	_ =	sdelay $0x7  }
0x1ab: {  	[tilespmem:v42+s8+$0x0] =	vst.idx.add.f32.msk @!p0 $0xffff, v43  }
0x1ac: {  	v42 =	vld @!p0 [tilespmem:$0x1BB50];
	_ =	sdelay $0x7  }
0x1ad: {  	[tilespmem:v42+s8+$0x0] =	vst.idx.add.f32.msk @!p0 $0xffff, v43  }
0x1ae: {  	v42 =	vld @!p0 [tilespmem:$0x1BB60];
	_ =	sdelay $0x7  }
0x1af: {  	[tilespmem:v42+s8+$0x0] =	vst.idx.add.f32.msk @!p0 $0xffff, v43  }
0x1b0: {  	v42 =	vld @!p0 [tilespmem:$0x1BB70];
	_ =	sdelay $0x7  }
0x1b1: {  	[tilespmem:v42+s8+$0x0] =	vst.idx.add.f32.msk @!p0 $0xffff, v43  }
0x1b2: {  	_ =	swait.ge [sflag:s14], $0x2000  }
0x1b3: {  	[sflag:s14] =	ssyncset.done $0x0  }
0x1b4: {  	p4 =	seq.s32 s7, $0x4D;
	s8 =	sshll.u32 s7, $0xC;
	[sflag:s14] =	ssyncadd.s32 $0xFFFFE000  }
0x1b5: {  	s11 =	sadd.s32 @!p4 s12, s8;
	_ =	swait.ge [sflag:s14], $0x2000  }
0x1b6: {  	s24 =	sshll.u32 @!p4 s11, $0x7;
	[sflag:s14] =	ssyncset.done $0x0  }
0x1b7: {  	s4 =	smov.u32 s26;
	s24 =	sor.u32 @!p4 s9, s24;
	[sflag:s14] =	ssyncadd.s32 $0xFFFFE000  }
0x1b8: {  	s1 =	simm.s32 @!p4 $0x13B00;
	s24 =	sshrl.u32 @!p4 s24, $0x3;
	s0 =	rddreg [dreg:$0x0]  }
0x1b9: {  	s26 =	simm.s32 @!p4 $0x40;
	s24 =	sadd.s32 @!p4 s0, s24;
	s0 =	simm.s32 @!p4 $0x80  }
0x1ba: {  	[tilespmem:s1], [sflag:$0x1] =	stream.strided.gather @!p4 [hbm4b:s24+s26], $0x2000, s0, s26, $0x38;
	[tilespmem:$0x1F680] =	vst v63  }
0x1bb: {  	s0 =	sshrl.u32 @!p4 s11, $0x3;
	s1 =	rddreg [dreg:$0x1]  }
0x1bc: {  	s11 =	simm.s32 @!p4 $0x1BB00;
	s0 =	sadd.s32 @!p4 s1, s0;
	s1 =	simm.s32 @!p4 $0x0  }
0x1bd: {  	[tilespmem:s11], [sflag:$0x1] =	stream.linear.gather @!p4 [hbm4b:s0+s1], $0x80, $0x38;
	[tilespmem:$0x1F680] =	vst v63  }
0x1be: {  	_ =	swait.ge [sflag:s2], $0x2000  }
0x1bf: {  	[sflag:s2] =	ssyncset.done $0x0  }
0x1c0: {  	[sflag:s2] =	ssyncadd.s32 $0xFFFFE000  }
0x1c1: {  	_ =	swait.ge [sflag:s2], $0x80  }
0x1c2: {  	[sflag:s2] =	ssyncset.done $0x0  }
0x1c3: {  	s11 =	simm.s32 $0x0;
	[sflag:s2] =	ssyncadd.s32 $0xFFFFFF80  }
0x1c4: {  	[spmem:s13] =	stream.indirect.scatter.add.f32 [tilespmem:s29], [sflag:$0x4], $0x40, s30, s25, $0xb8;
	[tilespmem:$0x1F680] =	vst v63  }
0x1c5: {  	v58 =	vld [tilespmem:s11+$0x15BF0]  }
0x1c6: {  	v59 =	vld [tilespmem:s11+$0x15B00]  }
0x1c7: {  	v60 =	vld [tilespmem:s11+$0x15B10]  }
0x1c8: {  	v61 =	vld [tilespmem:s11+$0x15B20]  }
0x1c9: {  	v62 =	vld [tilespmem:s11+$0x15B30]  }
0x1ca: {  	v63 =	vld [tilespmem:s11+$0x15B40];
	v42 =	vmul.f32 v58, v58  }
0x1cb: {  	v54 =	vld [tilespmem:s11+$0x15B50];
	v43 =	vmul.f32 v59, v59  }
0x1cc: {  	v55 =	vld [tilespmem:s11+$0x15B60];
	v56 =	vmul.f32 v60, v60;
	[tilespmem:s11+$0x19BF0] =	vst v42  }
0x1cd: {  	v50 =	vld [tilespmem:s11+$0x15B70];
	v57 =	vmul.f32 v61, v61;
	[tilespmem:s11+$0x19B00] =	vst v43  }
0x1ce: {  	v51 =	vld [tilespmem:s11+$0x15B80];
	v58 =	vmul.f32 v62, v62;
	[tilespmem:s11+$0x19B10] =	vst v56  }
0x1cf: {  	v59 =	vld [tilespmem:s11+$0x15B90];
	v60 =	vmul.f32 v63, v63;
	[tilespmem:s11+$0x19B20] =	vst v57  }
0x1d0: {  	v61 =	vmul.f32 v54, v54;
	[tilespmem:s11+$0x19B30] =	vst v58;
	v42 =	vld [tilespmem:s11+$0x15BA0]  }
0x1d1: {  	v62 =	vmul.f32 v55, v55;
	[tilespmem:s11+$0x19B40] =	vst v60;
	v43 =	vld [tilespmem:s11+$0x15BB0]  }
0x1d2: {  	v44 =	vld [tilespmem:s11+$0x15BC0];
	v63 =	vmul.f32 v50, v50;
	[tilespmem:s11+$0x19B50] =	vst v61  }
0x1d3: {  	v45 =	vld [tilespmem:s11+$0x15BD0];
	v47 =	vmul.f32 v51, v51;
	[tilespmem:s11+$0x19B60] =	vst v62  }
0x1d4: {  	s24 =	simm.s32 $0x100;
	s26 =	simm.s32 $0x800;
	v46 =	vld [tilespmem:s11+$0x15BE0];
	[tilespmem:s11+$0x19B70] =	vst v63;
	v48 =	vmul.f32 v59, v59  }
.LBB2_32:
0x1d5: {  	p5 =	sne.s32 s26, $0x7C00;
	v49 =	vld [tilespmem:s24+$0x15BF0];
	[tilespmem:s11+$0x19B80] =	vst v47;
	v42 =	vmul.f32 v42, v42  }
0x1d6: {  	v47 =	vld [tilespmem:s24+$0x15B00];
	[tilespmem:s11+$0x19B90] =	vst v48;
	v43 =	vmul.f32 v43, v43  }
0x1d7: {  	v48 =	vld [tilespmem:s24+$0x15B10];
	[tilespmem:s11+$0x19BA0] =	vst v42;
	v42 =	vmul.f32 v44, v44  }
0x1d8: {  	v44 =	vld [tilespmem:s24+$0x15B20];
	[tilespmem:s11+$0x19BB0] =	vst v43;
	v43 =	vmul.f32 v45, v45  }
0x1d9: {  	v45 =	vld [tilespmem:s24+$0x15B30];
	[tilespmem:s11+$0x19BC0] =	vst v42;
	v42 =	vmul.f32 v46, v46  }
0x1da: {  	v46 =	vld [tilespmem:s24+$0x15B40];
	v49 =	vmul.f32 v49, v49;
	[tilespmem:s11+$0x19BD0] =	vst v43  }
0x1db: {  	v43 =	vmul.f32 v47, v47;
	v47 =	vld [tilespmem:s24+$0x15B50];
	[tilespmem:s11+$0x19BE0] =	vst v42;
	s11 =	smov.u32 s24  }
0x1dc: {  	v42 =	vmul.f32 v48, v48;
	v48 =	vld [tilespmem:s11+$0x15B60];
	[tilespmem:s11+$0x19BF0] =	vst v49  }
0x1dd: {  	[tilespmem:s11+$0x19B00] =	vst v43;
	v43 =	vmul.f32 v44, v44;
	v44 =	vld [tilespmem:s11+$0x15B70]  }
0x1de: {  	[tilespmem:s11+$0x19B10] =	vst v42;
	v42 =	vmul.f32 v45, v45;
	v45 =	vld [tilespmem:s11+$0x15B80]  }
0x1df: {  	[tilespmem:s11+$0x19B20] =	vst v43;
	v43 =	vmul.f32 v46, v46;
	v46 =	vld [tilespmem:s11+$0x15B90]  }
.Ltmp17:
0x1e0: {  	[tilespmem:s11+$0x19B30] =	vst v42;
	v47 =	vmul.f32 v47, v47;
	v42 =	vld [tilespmem:s11+$0x15BA0];
	(pc) =	sbr.rel @p5 .LBB2_32-.Ltmp17, $4  }
0x1e1: {  	[tilespmem:s11+$0x19B40] =	vst v43;
	v48 =	vmul.f32 v48, v48;
	v43 =	vld [tilespmem:s11+$0x15BB0]  }
0x1e2: {  	[tilespmem:s11+$0x19B50] =	vst v47;
	v49 =	vmul.f32 v44, v44;
	v44 =	vld [tilespmem:s11+$0x15BC0]  }
0x1e3: {  	[tilespmem:s11+$0x19B60] =	vst v48;
	v47 =	vmul.f32 v45, v45;
	v45 =	vld [tilespmem:s11+$0x15BD0]  }
0x1e4: {  	s24 =	sshra.s32 s26, $0x2;
	s26 =	sadd.s32 $0x400, s26;
	[tilespmem:s11+$0x19B70] =	vst v49;
	v48 =	vmul.f32 v46, v46;
	v46 =	vld [tilespmem:s11+$0x15BE0]  }
0x1e5: {  	v49 =	vld [tilespmem:s24+$0x15BF0];
	[tilespmem:s11+$0x19B80] =	vst v47;
	v42 =	vmul.f32 v42, v42  }
0x1e6: {  	v47 =	vld [tilespmem:s24+$0x15B00];
	[tilespmem:s11+$0x19B90] =	vst v48;
	v43 =	vmul.f32 v43, v43  }
0x1e7: {  	v48 =	vld [tilespmem:s24+$0x15B10];
	[tilespmem:s11+$0x19BA0] =	vst v42;
	v44 =	vmul.f32 v44, v44  }
0x1e8: {  	v42 =	vld [tilespmem:s24+$0x15B20];
	[tilespmem:s11+$0x19BB0] =	vst v43;
	v45 =	vmul.f32 v45, v45  }
0x1e9: {  	v43 =	vld [tilespmem:s24+$0x15B30];
	[tilespmem:s11+$0x19BC0] =	vst v44;
	v46 =	vmul.f32 v46, v46  }
0x1ea: {  	v44 =	vld [tilespmem:s24+$0x15B40];
	[tilespmem:s11+$0x19BD0] =	vst v45;
	v49 =	vmul.f32 v49, v49  }
0x1eb: {  	v45 =	vld [tilespmem:s24+$0x15B50];
	[tilespmem:s11+$0x19BE0] =	vst v46;
	v62 =	vmul.f32 v47, v47  }
0x1ec: {  	v63 =	vld [tilespmem:s24+$0x15B60];
	[tilespmem:s24+$0x19BF0] =	vst v49;
	v48 =	vmul.f32 v48, v48  }
0x1ed: {  	v52 =	vld [tilespmem:s24+$0x15B70];
	[tilespmem:s24+$0x19B00] =	vst v62;
	v42 =	vmul.f32 v42, v42  }
0x1ee: {  	v53 =	vld [tilespmem:s24+$0x15B80];
	[tilespmem:s24+$0x19B10] =	vst v48;
	v43 =	vmul.f32 v43, v43  }
0x1ef: {  	v54 =	vld [tilespmem:s24+$0x15B90];
	[tilespmem:s24+$0x19B20] =	vst v42;
	v44 =	vmul.f32 v44, v44  }
0x1f0: {  	v55 =	vld [tilespmem:s24+$0x15BA0];
	[tilespmem:s24+$0x19B30] =	vst v43;
	v45 =	vmul.f32 v45, v45  }
0x1f1: {  	v56 =	vld [tilespmem:s24+$0x15BB0];
	[tilespmem:s24+$0x19B40] =	vst v44;
	v47 =	vmul.f32 v63, v63  }
0x1f2: {  	v57 =	vld [tilespmem:s24+$0x15BC0];
	v46 =	vmul.f32 v52, v52;
	[tilespmem:s24+$0x19B50] =	vst v45  }
0x1f3: {  	v58 =	vld [tilespmem:s24+$0x15BD0];
	v48 =	vmul.f32 v53, v53;
	[tilespmem:s24+$0x19B60] =	vst v47  }
0x1f4: {  	v59 =	vld [tilespmem:s24+$0x15BE0];
	v42 =	vmul.f32 v54, v54;
	[tilespmem:s24+$0x19B70] =	vst v46  }
0x1f5: {  	v43 =	vmul.f32 v55, v55;
	[tilespmem:s24+$0x19B80] =	vst v48  }
0x1f6: {  	v60 =	vmul.f32 v56, v56;
	[tilespmem:s24+$0x19B90] =	vst v42  }
0x1f7: {  	v61 =	vmul.f32 v57, v57;
	[tilespmem:s24+$0x19BA0] =	vst v43  }
0x1f8: {  	v62 =	vmul.f32 v58, v58;
	[tilespmem:s24+$0x19BB0] =	vst v60  }
0x1f9: {  	v63 =	vmul.f32 v59, v59;
	[tilespmem:s24+$0x19BC0] =	vst v61  }
0x1fa: {  	[tilespmem:s24+$0x19BD0] =	vst v62  }
0x1fb: {  	s0 =	simm.s32 $0x19B00;
	[tilespmem:s24+$0x19BE0] =	vst v63  }
0x1fc: {  	[spmem:s4] =	stream.indirect.scatter.add.f32 [tilespmem:s0], [sflag:$0x4], $0x40, s30, s25, $0xb8;
	[tilespmem:$0x1F680] =	vst v63  }
0x1fd: {  	v42 =	vld @!p0 [tilespmem:$0x1BB80];
	_ =	sdelay $0x6  }
0x1fe: {  	v43 =	vimm.f32 @!p0 $1.000000000e+00;
	s0 =	simm.s32 @!p0 $0x1BC00  }
0x1ff: {  	[tilespmem:v42+s0+$0x0] =	vst.idx.add.f32.msk @!p0 $0xffff, v43  }
0x200: {  	v42 =	vld @!p0 [tilespmem:$0x1BB90];
	_ =	sdelay $0x7  }
0x201: {  	[tilespmem:v42+s0+$0x0] =	vst.idx.add.f32.msk @!p0 $0xffff, v43  }
0x202: {  	v42 =	vld @!p0 [tilespmem:$0x1BBA0];
	_ =	sdelay $0x7  }
0x203: {  	[tilespmem:v42+s0+$0x0] =	vst.idx.add.f32.msk @!p0 $0xffff, v43  }
0x204: {  	v42 =	vld @!p0 [tilespmem:$0x1BBB0];
	_ =	sdelay $0x7  }
0x205: {  	[tilespmem:v42+s0+$0x0] =	vst.idx.add.f32.msk @!p0 $0xffff, v43  }
0x206: {  	v42 =	vld @!p0 [tilespmem:$0x1BBC0];
	_ =	sdelay $0x7  }
0x207: {  	[tilespmem:v42+s0+$0x0] =	vst.idx.add.f32.msk @!p0 $0xffff, v43  }
0x208: {  	v42 =	vld @!p0 [tilespmem:$0x1BBD0];
	_ =	sdelay $0x7  }
0x209: {  	[tilespmem:v42+s0+$0x0] =	vst.idx.add.f32.msk @!p0 $0xffff, v43  }
0x20a: {  	v42 =	vld @!p0 [tilespmem:$0x1BBE0];
	_ =	sdelay $0x7  }
0x20b: {  	[tilespmem:v42+s0+$0x0] =	vst.idx.add.f32.msk @!p0 $0xffff, v43  }
0x20c: {  	v42 =	vld @!p0 [tilespmem:$0x1BBF0];
	_ =	sdelay $0x7  }
0x20d: {  	[tilespmem:v42+s0+$0x0] =	vst.idx.add.f32.msk @!p0 $0xffff, v43  }
0x20e: {  	_ =	swait.ge [sflag:s31], $0x2000  }
.Ltmp18:
0x20f: {  	[sflag:s31] =	ssyncset.done $0x0;
	(pc) =	sbr.rel @p4 .LBB2_35-.Ltmp18, $4  }
0x210: {  	[sflag:s31] =	ssyncadd.s32 $0xFFFFE000  }
0x211: {  	_ =	swait.ge [sflag:s31], $0x2000  }
0x212: {  	[sflag:s31] =	ssyncset.done $0x0  }
0x213: {  	s26 =	smov.u32 s4;
	[sflag:s31] =	ssyncadd.s32 $0xFFFFE000  }
0x214: {  	s0 =	sld [smem:$0x7FA];
	_ =	sdelay $0x2  }
0x215: {  	s0 =	sadd.s32 s0, s8  }
0x216: {  	s1 =	sshll.u32 s0, $0x7  }
0x217: {  	s4 =	rddreg [dreg:$0x0];
	s1 =	sor.u32 s9, s1  }
.Ltmp19:
0x218: {  	s11 =	rddreg [dreg:$0x1];
	s1 =	sshrl.u32 s1, $0x3;
	(pc) =	sbr.rel .LBB2_29-.Ltmp19, $4  }
0x219: {  	s8 =	simm.s32 $0x40;
	s0 =	sshrl.u32 s0, $0x3;
	s1 =	sadd.s32 s4, s1  }
0x21a: {  	[tilespmem:s29], [sflag:$0x2] =	stream.strided.gather [hbm4b:s1+s8], $0x2000, s25, s8, $0x38;
	[tilespmem:$0x1F680] =	vst v63  }
0x21b: {  	s24 =	simm.s32 $0x0;
	s7 =	sadd.s32 $0x1, s7;
	s0 =	sadd.s32 s11, s0  }
0x21c: {  	[tilespmem:s30], [sflag:$0x2] =	stream.linear.gather [hbm4b:s0+s24], $0x80, $0x38;
	[tilespmem:$0x1F680] =	vst v63  }
.LBB2_35:
.Ltmp20:
0x21d: {  	(pc) =	sbr.rel @p3 .LBB2_40-.Ltmp20, $1  }
0x21e: {  	_ =	sdelay $0x3  }
0x21f: {  	s0 =	sld [smem:$0x7FB];
	_ =	sdelay $0x1  }
0x220: {  	s1 =	simm.s32 $0x40;
	s4 =	simm.s32 $0x13B00  }
0x221: {  	[tilespmem:s4], [sflag:$0x5] =	stream.strided.gather [hbm4b:s0+s1], $0x2000, s25, s1, $0x38;
	[tilespmem:$0x1F680] =	vst v63  }
0x222: {  	_ =	swait.ge [sflag:s3], $0x2000  }
0x223: {  	s24 =	sld [smem:$0x7FC]  }
0x224: {  	[sflag:s3] =	ssyncset.done $0x0  }
0x225: {  	s11 =	simm.s32 $0x0;
	[sflag:s3] =	ssyncadd.s32 $0xFFFFE000  }
0x226: {  	[tilespmem:s28], [sflag:$0x5] =	stream.linear.gather [hbm4b:s24+s11], $0x80, $0x38;
	[tilespmem:$0x1F680] =	vst v63  }
0x227: {  	_ =	swait.ge [sflag:s3], $0x80  }
0x228: {  	[sflag:s3] =	ssyncset.done $0x0  }
0x229: {  	[sflag:s3] =	ssyncadd.s32 $0xFFFFFF80  }
0x22a: {  	[spmem:s13] =	stream.indirect.scatter.add.f32 [tilespmem:s4], [sflag:$0x5], $0x40, s28, s25, $0xb8;
	[tilespmem:$0x1F680] =	vst v63  }
0x22b: {  	_ =	swait.ge [sflag:s3], $0x2000  }
0x22c: {  	[sflag:s3] =	ssyncset.done $0x0  }
0x22d: {  	s7 =	simm.s32 $0x0;
	[sflag:s3] =	ssyncadd.s32 $0xFFFFE000  }
0x22e: {  	v42 =	vld [tilespmem:s7+$0x13BF0]  }
0x22f: {  	v43 =	vld [tilespmem:s7+$0x13B00]  }
0x230: {  	v44 =	vld [tilespmem:s7+$0x13B10]  }
0x231: {  	v45 =	vld [tilespmem:s7+$0x13B20]  }
0x232: {  	v46 =	vld [tilespmem:s7+$0x13B30]  }
0x233: {  	v47 =	vld [tilespmem:s7+$0x13B40];
	v42 =	vmul.f32 v42, v42  }
0x234: {  	v48 =	vld [tilespmem:s7+$0x13B50];
	v43 =	vmul.f32 v43, v43  }
0x235: {  	v49 =	vld [tilespmem:s7+$0x13B60];
	v56 =	vmul.f32 v44, v44;
	[tilespmem:s7+$0x17BF0] =	vst v42  }
0x236: {  	v50 =	vld [tilespmem:s7+$0x13B70];
	v57 =	vmul.f32 v45, v45;
	[tilespmem:s7+$0x17B00] =	vst v43  }
0x237: {  	v51 =	vld [tilespmem:s7+$0x13B80];
	v58 =	vmul.f32 v46, v46;
	[tilespmem:s7+$0x17B10] =	vst v56  }
0x238: {  	v59 =	vld [tilespmem:s7+$0x13B90];
	v60 =	vmul.f32 v47, v47;
	[tilespmem:s7+$0x17B20] =	vst v57  }
0x239: {  	v61 =	vmul.f32 v48, v48;
	[tilespmem:s7+$0x17B30] =	vst v58;
	v42 =	vld [tilespmem:s7+$0x13BA0]  }
0x23a: {  	v62 =	vmul.f32 v49, v49;
	[tilespmem:s7+$0x17B40] =	vst v60;
	v43 =	vld [tilespmem:s7+$0x13BB0]  }
0x23b: {  	v44 =	vld [tilespmem:s7+$0x13BC0];
	v63 =	vmul.f32 v50, v50;
	[tilespmem:s7+$0x17B50] =	vst v61  }
0x23c: {  	v45 =	vld [tilespmem:s7+$0x13BD0];
	v47 =	vmul.f32 v51, v51;
	[tilespmem:s7+$0x17B60] =	vst v62  }
0x23d: {  	s5 =	simm.s32 $0x13B00;
	s8 =	simm.s32 $0x100;
	s11 =	simm.s32 $0x800;
	v48 =	vmul.f32 v59, v59;
	v46 =	vld [tilespmem:s7+$0x13BE0];
	[tilespmem:s7+$0x17B70] =	vst v63  }
.LBB2_37:
0x23e: {  	p4 =	sne.s32 s11, $0x7C00;
	v49 =	vld [tilespmem:s8+$0x13BF0];
	[tilespmem:s7+$0x17B80] =	vst v47;
	v42 =	vmul.f32 v42, v42  }
0x23f: {  	v47 =	vld [tilespmem:s8+$0x13B00];
	[tilespmem:s7+$0x17B90] =	vst v48;
	v43 =	vmul.f32 v43, v43  }
0x240: {  	v48 =	vld [tilespmem:s8+$0x13B10];
	[tilespmem:s7+$0x17BA0] =	vst v42;
	v42 =	vmul.f32 v44, v44  }
0x241: {  	v44 =	vld [tilespmem:s8+$0x13B20];
	[tilespmem:s7+$0x17BB0] =	vst v43;
	v43 =	vmul.f32 v45, v45  }
0x242: {  	v45 =	vld [tilespmem:s8+$0x13B30];
	[tilespmem:s7+$0x17BC0] =	vst v42;
	v42 =	vmul.f32 v46, v46  }
0x243: {  	v46 =	vld [tilespmem:s8+$0x13B40];
	v49 =	vmul.f32 v49, v49;
	[tilespmem:s7+$0x17BD0] =	vst v43  }
0x244: {  	v43 =	vmul.f32 v47, v47;
	v47 =	vld [tilespmem:s8+$0x13B50];
	[tilespmem:s7+$0x17BE0] =	vst v42;
	s7 =	smov.u32 s8  }
0x245: {  	v42 =	vmul.f32 v48, v48;
	v48 =	vld [tilespmem:s7+$0x13B60];
	[tilespmem:s7+$0x17BF0] =	vst v49  }
0x246: {  	[tilespmem:s7+$0x17B00] =	vst v43;
	v43 =	vmul.f32 v44, v44;
	v44 =	vld [tilespmem:s7+$0x13B70]  }
0x247: {  	[tilespmem:s7+$0x17B10] =	vst v42;
	v42 =	vmul.f32 v45, v45;
	v45 =	vld [tilespmem:s7+$0x13B80]  }
0x248: {  	[tilespmem:s7+$0x17B20] =	vst v43;
	v43 =	vmul.f32 v46, v46;
	v46 =	vld [tilespmem:s7+$0x13B90]  }
.Ltmp21:
0x249: {  	[tilespmem:s7+$0x17B30] =	vst v42;
	v47 =	vmul.f32 v47, v47;
	v42 =	vld [tilespmem:s7+$0x13BA0];
	(pc) =	sbr.rel @p4 .LBB2_37-.Ltmp21, $4  }
0x24a: {  	[tilespmem:s7+$0x17B40] =	vst v43;
	v48 =	vmul.f32 v48, v48;
	v43 =	vld [tilespmem:s7+$0x13BB0]  }
0x24b: {  	[tilespmem:s7+$0x17B50] =	vst v47;
	v49 =	vmul.f32 v44, v44;
	v44 =	vld [tilespmem:s7+$0x13BC0]  }
0x24c: {  	[tilespmem:s7+$0x17B60] =	vst v48;
	v47 =	vmul.f32 v45, v45;
	v45 =	vld [tilespmem:s7+$0x13BD0]  }
0x24d: {  	s8 =	sshra.s32 s11, $0x2;
	s11 =	sadd.s32 $0x400, s11;
	[tilespmem:s7+$0x17B70] =	vst v49;
	v48 =	vmul.f32 v46, v46;
	v46 =	vld [tilespmem:s7+$0x13BE0]  }
0x24e: {  	v49 =	vld [tilespmem:s8+$0x13BF0];
	[tilespmem:s7+$0x17B80] =	vst v47;
	v42 =	vmul.f32 v42, v42  }
0x24f: {  	v47 =	vld [tilespmem:s8+$0x13B00];
	[tilespmem:s7+$0x17B90] =	vst v48;
	v43 =	vmul.f32 v43, v43  }
0x250: {  	v48 =	vld [tilespmem:s8+$0x13B10];
	[tilespmem:s7+$0x17BA0] =	vst v42;
	v44 =	vmul.f32 v44, v44  }
0x251: {  	v42 =	vld [tilespmem:s8+$0x13B20];
	[tilespmem:s7+$0x17BB0] =	vst v43;
	v45 =	vmul.f32 v45, v45  }
0x252: {  	v43 =	vld [tilespmem:s8+$0x13B30];
	[tilespmem:s7+$0x17BC0] =	vst v44;
	v46 =	vmul.f32 v46, v46  }
0x253: {  	v44 =	vld [tilespmem:s8+$0x13B40];
	[tilespmem:s7+$0x17BD0] =	vst v45;
	v49 =	vmul.f32 v49, v49  }
0x254: {  	v45 =	vld [tilespmem:s8+$0x13B50];
	[tilespmem:s7+$0x17BE0] =	vst v46;
	v62 =	vmul.f32 v47, v47  }
0x255: {  	v63 =	vld [tilespmem:s8+$0x13B60];
	[tilespmem:s8+$0x17BF0] =	vst v49;
	v48 =	vmul.f32 v48, v48  }
0x256: {  	v52 =	vld [tilespmem:s8+$0x13B70];
	[tilespmem:s8+$0x17B00] =	vst v62;
	v42 =	vmul.f32 v42, v42  }
0x257: {  	v53 =	vld [tilespmem:s8+$0x13B80];
	[tilespmem:s8+$0x17B10] =	vst v48;
	v43 =	vmul.f32 v43, v43  }
0x258: {  	v54 =	vld [tilespmem:s8+$0x13B90];
	[tilespmem:s8+$0x17B20] =	vst v42;
	v44 =	vmul.f32 v44, v44  }
0x259: {  	v55 =	vld [tilespmem:s8+$0x13BA0];
	[tilespmem:s8+$0x17B30] =	vst v43;
	v45 =	vmul.f32 v45, v45  }
0x25a: {  	v56 =	vld [tilespmem:s8+$0x13BB0];
	[tilespmem:s8+$0x17B40] =	vst v44;
	v47 =	vmul.f32 v63, v63  }
0x25b: {  	v57 =	vld [tilespmem:s8+$0x13BC0];
	v46 =	vmul.f32 v52, v52;
	[tilespmem:s8+$0x17B50] =	vst v45  }
0x25c: {  	v58 =	vld [tilespmem:s8+$0x13BD0];
	v48 =	vmul.f32 v53, v53;
	[tilespmem:s8+$0x17B60] =	vst v47  }
0x25d: {  	v59 =	vld [tilespmem:s8+$0x13BE0];
	v42 =	vmul.f32 v54, v54;
	[tilespmem:s8+$0x17B70] =	vst v46  }
0x25e: {  	v43 =	vmul.f32 v55, v55;
	[tilespmem:s8+$0x17B80] =	vst v48  }
0x25f: {  	v60 =	vmul.f32 v56, v56;
	[tilespmem:s8+$0x17B90] =	vst v42  }
0x260: {  	v61 =	vmul.f32 v57, v57;
	[tilespmem:s8+$0x17BA0] =	vst v43  }
0x261: {  	v62 =	vmul.f32 v58, v58;
	[tilespmem:s8+$0x17BB0] =	vst v60  }
0x262: {  	v63 =	vmul.f32 v59, v59;
	[tilespmem:s8+$0x17BC0] =	vst v61  }
0x263: {  	[tilespmem:s8+$0x17BD0] =	vst v62  }
.Ltmp22:
0x264: {  	s0 =	simm.s32 $0x17B00;
	[tilespmem:s8+$0x17BE0] =	vst v63;
	(pc) =	sbr.rel @p0 .LBB2_42-.Ltmp22, $4  }
0x265: {  	[spmem:s26] =	stream.indirect.scatter.add.f32 [tilespmem:s0], [sflag:$0x5], $0x40, s28, s25, $0xb8;
	[tilespmem:$0x1F680] =	vst v63  }
0x266: {  	_ =	swait.ge [sflag:s3], $0x2000  }
0x267: {  	[sflag:s3] =	ssyncset.done $0x0  }
0x268: {  	s11 =	sld [smem:$0x7F6];
	[sflag:s3] =	ssyncadd.s32 $0xFFFFE000  }
0x269: {  	v42 =	vld [tilespmem:$0x1BB00];
	_ =	sdelay $0x6  }
0x26a: {  	s0 =	simm.s32 $0x1BC00  }
0x26b: {  	[tilespmem:v42+s0+$0x0] =	vst.idx.add.f32.msk $0xffff, v41  }
0x26c: {  	v42 =	vld [tilespmem:$0x1BB10];
	_ =	sdelay $0x7  }
0x26d: {  	[tilespmem:v42+s0+$0x0] =	vst.idx.add.f32.msk $0xffff, v41  }
0x26e: {  	v42 =	vld [tilespmem:$0x1BB20];
	_ =	sdelay $0x7  }
0x26f: {  	[tilespmem:v42+s0+$0x0] =	vst.idx.add.f32.msk $0xffff, v41  }
0x270: {  	v42 =	vld [tilespmem:$0x1BB30];
	_ =	sdelay $0x7  }
0x271: {  	[tilespmem:v42+s0+$0x0] =	vst.idx.add.f32.msk $0xffff, v41  }
0x272: {  	v42 =	vld [tilespmem:$0x1BB40];
	_ =	sdelay $0x7  }
0x273: {  	[tilespmem:v42+s0+$0x0] =	vst.idx.add.f32.msk $0xffff, v41  }
0x274: {  	v42 =	vld [tilespmem:$0x1BB50];
	_ =	sdelay $0x7  }
0x275: {  	[tilespmem:v42+s0+$0x0] =	vst.idx.add.f32.msk $0xffff, v41  }
0x276: {  	v42 =	vld [tilespmem:$0x1BB60];
	_ =	sdelay $0x7  }
0x277: {  	[tilespmem:v42+s0+$0x0] =	vst.idx.add.f32.msk $0xffff, v41  }
0x278: {  	v42 =	vld [tilespmem:$0x1BB70];
	_ =	sdelay $0x3  }
.Ltmp23:
0x279: {  	_ = 	snop;
	(pc) =	sbr.rel .LBB2_41-.Ltmp23, $2  }
0x27a: {  	_ =	sdelay $0x2  }
0x27b: {  	[tilespmem:v42+s0+$0x0] =	vst.idx.add.f32.msk $0xffff, v41  }
.LBB2_40:
.Ltmp24:
0x27c: {  	(pc) =	sbr.rel @p0 .LBB2_42-.Ltmp24, $4  }
.Ltmp25:
0x27d: {  	(pc) =	sbr.rel @!p0 .LBB2_41-.Ltmp25, $4  }
0x27e: {  	_ = 	snop  }
0x27f: {  	_ = 	snop  }
0x280: {  	s11 =	sld [smem:$0x7F6]  }
0x281: {  	_ = 	snop  }
.LBB2_43:
0x282: {  	_ =	sfence.sel $0x180000  }
0x283: {  	[bflag:$0x0] =	sbarrier.arrive $0xFFFF  }
0x284: {  	_ =	strace $0x90000047  }
0x285: {  	[bflag:$0x2] =	sbarrier.arrive $0xFFFF  }
0x286: {  	s0 =	rddreg [dreg:$0x8]  }
0x287: {  	s0 =	sadd.s32 @!p2 $0x100000, s0  }
0x288: {  	[sflag:s0] =	ssyncadd.tile.s32 @!p2 $0x1;
	_ =	shalt  }
.Lfunc_end2:
_tile_overlayer_lowered:
.L_overlay_start_2:
0x289: {  	(tag) =	ssettag $0x2  }
0x28a: {  	s0 =	rddreg [dreg:$0x0];
	s2 =	stileid.u32  }
0x28b: {  	s1 =	rddreg [dreg:$0x1];
	p0 =	sne.s32 s2, $0x0  }
0x28c: {  	s3 =	rddreg [dreg:$0x2];
	[bflag:$0x3] =	sbarrier.arrive $0xFFFF;
	s2 =	simm.s32 @!p0 $0x1C05  }
0x28d: {  	[timem:s3], [sflag:s2] =	dma.local @!p0 [hbm:s0], s1  }
0x28e: {  	s0 =	simm.s32 @!p0 $0x5  }
0x28f: {  	_ =	swait.ge @!p0 [sflag:s0], s1  }
0x290: {  	s1 =	ssub.s32 @!p0 $0x0, s1;
	[sflag:s0] =	ssyncset.done @!p0 $0x0  }
0x291: {  	[sflag:s0] =	ssyncadd.s32 @!p0 s1  }
0x292: {  	[bflag:$0x3] =	sbarrier.arrive $0xFFFF  }
0x293: {  	_ =	shalt  }

</sc_bundles>
